<compile_context>
chip_gen: v7x
topology: tpu7x:2x2x1
jax: 0.10.2.dev20260603
libtpu: 0.0.44.dev20260713+nightly
codegen_flags: <defaults>
</compile_context>

<pallas_src>
import functools

import jax
import jax.numpy as jnp
from jax import lax
from jax.experimental import pallas as pl
from jax.experimental.pallas import tpu as pltpu
from jax.experimental.pallas import tpu_sc as plsc

NB = 4096
NT = 200
D = 64
DP = 128
NW = 32
BT = 128
NBT = NB // BT

_mesh = plsc.VectorSubcoreMesh(core_axis_name="c", subcore_axis_name="s")


@functools.partial(
    pl.kernel,
    mesh=_mesh,
    compiler_params=pltpu.CompilerParams(needs_layout_passes=False),
    out_type=jax.ShapeDtypeStruct((NT, D // 8, NBT, 8, BT), jnp.float32),
    scratch_types=[
        pltpu.VMEM((NT, BT), jnp.int32),
        pltpu.VMEM((4, BT, DP), jnp.float32),
        pltpu.VMEM((2, D // 8, 8, BT + 1), jnp.float32),
        pltpu.SemaphoreType.DMA,
        pltpu.SemaphoreType.DMA,
    ],
)
def _emb_lookup(xt_hbm, table_hbm, out_hbm, idx_v, rows_v, tr_v,
                in_sem, out_sem):
    bt = lax.axis_index("s") * 2 + lax.axis_index("c")
    b0 = bt * BT
    pltpu.sync_copy(xt_hbm.at[:, pl.ds(b0, BT)], idx_v)

    lanes = lax.iota(jnp.int32, 16)

    def fire_gather(t, db):
        pltpu.async_copy(table_hbm.at[idx_v.at[t]], rows_v.at[db], in_sem)

    def wait_rows(db):
        pltpu.make_async_copy(
            table_hbm.at[pl.ds(0, BT)], rows_v.at[db], in_sem
        ).wait()

    dt_vecs = [(dg * 16 + lanes) // 8 for dg in range(D // 16)]
    din_vecs = [(dg * 16 + lanes) % 8 for dg in range(D // 16)]

    def transpose(db4, db2):
        @plsc.parallel_loop(0, BT, 1, unroll=16)
        def _(b):
            bs = jnp.full((16,), b, jnp.int32)
            for dg in range(D // 16):
                v = rows_v[db4, b, pl.ds(dg * 16, 16)]
                plsc.store_scatter(
                    tr_v.at[db2], [dt_vecs[dg], din_vecs[dg], bs], v
                )

    def wait_out(db):
        pltpu.make_async_copy(
            out_hbm.at[0, :, 0],
            tr_v.at[db, :, :, pl.ds(0, BT)], out_sem
        ).wait()

    def unit(t, db4, db2):
        wait_rows(db4)

        @pl.when(t + 3 < NT)
        def _():
            fire_gather(t + 3, (db4 + 3) % 4)

        @pl.when(t >= 2)
        def _():
            wait_out(db2)

        transpose(db4, db2)
        pltpu.async_copy(tr_v.at[db2, :, :, pl.ds(0, BT)],
                         out_hbm.at[t, :, bt], out_sem)

    for t in range(3):
        fire_gather(t, t)

    def body(p, carry):
        for k in range(4):
            unit(p * 4 + k, k, k % 2)
        return carry

    lax.fori_loop(0, NT // 4, body, 0)
    for db in range(2):
        wait_out(db)


def kernel(x, emb):
    table = jnp.pad(emb, ((0, 0), (0, DP - D)))
    out5 = _emb_lookup(x.T.astype(jnp.int32), table)
    return jnp.transpose(out5, (2, 4, 0, 1, 3)).reshape(NB, NT, D)

# --- scband reference (transcript-rebuilt; emitter-appended) ---
"""Pipeline reference for scband-token-embedding-52785148068218 (READ-ONLY COPY).

The authoritative reference and input builder live on the scoring server;
editing this copy changes nothing except your own understanding.
"""

import jax, jax.numpy as jnp
import numpy as np

NUM_TOKENS = 1000000
DIM = 64

def setup_inputs(seed: int = 0) -> dict:
    key = jax.random.key(seed)
    k1, k2 = jax.random.split(key)
    x = jax.random.randint(k1, (4096, 200), 0, NUM_TOKENS, dtype=jnp.int64 if jax.config.jax_enable_x64 else jnp.int32)
    emb = jax.random.normal(k2, (NUM_TOKENS, DIM), dtype=jnp.float32) * 0.02
    return {"x": x, "emb": emb}

def reference(x, emb):
    # TokenEmbedding with l2norm_embed=False: plain embedding lookup
    token_emb = jnp.take(emb, x, axis=0)
    return token_emb

if __name__ == "__main__":
    import jax
    _d = setup_inputs()
    print(jax.jit(kernel)(*tuple(_d.values())))

</pallas_src>

<mosaic_0001>
#map = affine_map<(d0, d1) -> (0, 0)>
#map1 = affine_map<(d0, d1) -> (0, 0, 0, 0, 0)>
module attributes {stable_mosaic.version = 14 : i64} {
  func.func @_emb_lookup(%arg0: i32, %arg1: i32, %arg2: memref<200x4096xi32, #tpu.memory_space<hbm>>, %arg3: memref<1000000x128xf32, #tpu.memory_space<hbm>>, %arg4: memref<200x8x32x8x128xf32, #tpu.memory_space<hbm>>, %arg5: memref<200x128xi32, #tpu.memory_space<vmem>>, %arg6: memref<4x128x128xf32, #tpu.memory_space<vmem>>, %arg7: memref<2x8x8x129xf32, #tpu.memory_space<vmem>>, %arg8: memref<!tpu.dma_semaphore, #tpu.memory_space<semaphore_mem>>, %arg9: memref<!tpu.dma_semaphore, #tpu.memory_space<semaphore_mem>>) attributes {dimension_semantics = [#tpu.dimension_semantics<core_parallel>, #tpu.dimension_semantics<subcore_parallel>], iteration_bounds = array<i64: 2, 16>, scalar_prefetch = 0 : i64, scratch_operands = 5 : i64, tpu.core_type = #tpu.core_type<sc_vector_subcore>, window_params = [{transform_indices = #map}, {transform_indices = #map}, {transform_indices = #map1}]} {
    %mul3A = arith.constant 2 : i32
    %mul3A_0 = arith.muli %arg1, %mul3A : i32
    %add3A = arith.addi %mul3A_0, %arg0 : i32
    %mul3A_1 = arith.constant 128 : i32
    %mul3A_2 = arith.muli %add3A, %mul3A_1 : i32
    "tpu.region"() ({
      %run_scoped3A = tpu.sem_alloc : memref<!tpu.dma_semaphore, #tpu.memory_space<semaphore_mem>>
      %dma_start3A_314 = arith.constant 0 : i32
      %dma_start3A_315 = tpu.memref_slice %arg2[%dma_start3A_314, %mul3A_2] : memref<200x4096xi32, #tpu.memory_space<hbm>> -> memref<200x128xi32, #tpu.memory_space<hbm>>
      %dma_start3A_316 = arith.constant 0 : i32
      %dma_start3A_317 = tpu.memref_slice %arg2[%dma_start3A_316, %mul3A_2] : memref<200x4096xi32, #tpu.memory_space<hbm>> -> memref<200x128xi32, #tpu.memory_space<hbm>>
      tpu.enqueue_dma source(%dma_start3A_317 : memref<200x128xi32, #tpu.memory_space<hbm>>) target(%arg5 : memref<200x128xi32, #tpu.memory_space<vmem>>) target_semaphore(%run_scoped3A : memref<!tpu.dma_semaphore, #tpu.memory_space<semaphore_mem>>)
      %dma_wait3A_318 = arith.constant 0 : i32
      %dma_wait3A_319 = tpu.memref_slice %arg2[%dma_wait3A_318, %mul3A_2] : memref<200x4096xi32, #tpu.memory_space<hbm>> -> memref<200x128xi32, #tpu.memory_space<hbm>>
      %dma_wait3A_320 = arith.constant 0 : i32
      %dma_wait3A_321 = tpu.memref_slice %arg2[%dma_wait3A_320, %mul3A_2] : memref<200x4096xi32, #tpu.memory_space<hbm>> -> memref<200x128xi32, #tpu.memory_space<hbm>>
      tpu.wait_dma2 semaphore(%run_scoped3A : memref<!tpu.dma_semaphore, #tpu.memory_space<semaphore_mem>>) src(%dma_wait3A_321 : memref<200x128xi32, #tpu.memory_space<hbm>>) dst(%arg5 : memref<200x128xi32, #tpu.memory_space<vmem>>)
      tpu.yield
    }) : () -> ()
    %iota3A = tpu.iota {dimensions = array<i32: 0>} : vector<16xi32>
    %add3A_3 = arith.constant 0 : i32
    %add3A_4 = vector.broadcast %add3A_3 : i32 to vector<16xi32>
    %add3A_5 = arith.addi %add3A_4, %iota3A : vector<16xi32>
    %jit3A = arith.constant 8 : i32
    %div3A = vector.broadcast %jit3A : i32 to vector<16xi32>
    %div3A_6 = arith.divsi %add3A_5, %div3A : vector<16xi32>
    %sign3A = arith.constant 0 : i32
    %sign3A_7 = vector.broadcast %sign3A : i32 to vector<16xi32>
    %sign3A_8 = arith.cmpi sgt, %add3A_5, %sign3A_7 : vector<16xi32>
    %sign3A_9 = arith.extui %sign3A_8 : vector<16xi1> to vector<16xi32>
    %sign3A_10 = arith.constant 0 : i32
    %sign3A_11 = vector.broadcast %sign3A_10 : i32 to vector<16xi32>
    %sign3A_12 = arith.cmpi slt, %add3A_5, %sign3A_11 : vector<16xi32>
    %sign3A_13 = arith.extui %sign3A_12 : vector<16xi1> to vector<16xi32>
    %sign3A_14 = arith.subi %sign3A_9, %sign3A_13 : vector<16xi32>
    %sign3A_15 = arith.constant 0 : i32
    %sign3A_16 = arith.cmpi sgt, %jit3A, %sign3A_15 : i32
    %sign3A_17 = arith.extui %sign3A_16 : i1 to i32
    %sign3A_18 = arith.constant 0 : i32
    %sign3A_19 = arith.cmpi slt, %jit3A, %sign3A_18 : i32
    %sign3A_20 = arith.extui %sign3A_19 : i1 to i32
    %sign3A_21 = arith.subi %sign3A_17, %sign3A_20 : i32
    %ne3A = vector.broadcast %sign3A_21 : i32 to vector<16xi32>
    %ne3A_22 = arith.cmpi ne, %sign3A_14, %ne3A : vector<16xi32>
    %rem3A = vector.broadcast %jit3A : i32 to vector<16xi32>
    %rem3A_23 = arith.remsi %add3A_5, %rem3A : vector<16xi32>
    %ne3A_24 = arith.constant 0 : i32
    %ne3A_25 = vector.broadcast %ne3A_24 : i32 to vector<16xi32>
    %ne3A_26 = arith.cmpi ne, %rem3A_23, %ne3A_25 : vector<16xi32>
    %and3A = arith.andi %ne3A_22, %ne3A_26 : vector<16xi1>
    %sub3A = arith.constant 1 : i32
    %sub3A_27 = vector.broadcast %sub3A : i32 to vector<16xi32>
    %sub3A_28 = arith.subi %div3A_6, %sub3A_27 : vector<16xi32>
    %select_n3A = arith.select %and3A, %sub3A_28, %div3A_6 : vector<16xi1>, vector<16xi32>
    %add3A_29 = arith.constant 16 : i32
    %add3A_30 = vector.broadcast %add3A_29 : i32 to vector<16xi32>
    %add3A_31 = arith.addi %add3A_30, %iota3A : vector<16xi32>
    %jit3A_32 = arith.constant 8 : i32
    %div3A_33 = vector.broadcast %jit3A_32 : i32 to vector<16xi32>
    %div3A_34 = arith.divsi %add3A_31, %div3A_33 : vector<16xi32>
    %sign3A_35 = arith.constant 0 : i32
    %sign3A_36 = vector.broadcast %sign3A_35 : i32 to vector<16xi32>
    %sign3A_37 = arith.cmpi sgt, %add3A_31, %sign3A_36 : vector<16xi32>
    %sign3A_38 = arith.extui %sign3A_37 : vector<16xi1> to vector<16xi32>
    %sign3A_39 = arith.constant 0 : i32
    %sign3A_40 = vector.broadcast %sign3A_39 : i32 to vector<16xi32>
    %sign3A_41 = arith.cmpi slt, %add3A_31, %sign3A_40 : vector<16xi32>
    %sign3A_42 = arith.extui %sign3A_41 : vector<16xi1> to vector<16xi32>
    %sign3A_43 = arith.subi %sign3A_38, %sign3A_42 : vector<16xi32>
    %sign3A_44 = arith.constant 0 : i32
    %sign3A_45 = arith.cmpi sgt, %jit3A_32, %sign3A_44 : i32
    %sign3A_46 = arith.extui %sign3A_45 : i1 to i32
    %sign3A_47 = arith.constant 0 : i32
    %sign3A_48 = arith.cmpi slt, %jit3A_32, %sign3A_47 : i32
    %sign3A_49 = arith.extui %sign3A_48 : i1 to i32
    %sign3A_50 = arith.subi %sign3A_46, %sign3A_49 : i32
    %ne3A_51 = vector.broadcast %sign3A_50 : i32 to vector<16xi32>
    %ne3A_52 = arith.cmpi ne, %sign3A_43, %ne3A_51 : vector<16xi32>
    %rem3A_53 = vector.broadcast %jit3A_32 : i32 to vector<16xi32>
    %rem3A_54 = arith.remsi %add3A_31, %rem3A_53 : vector<16xi32>
    %ne3A_55 = arith.constant 0 : i32
    %ne3A_56 = vector.broadcast %ne3A_55 : i32 to vector<16xi32>
    %ne3A_57 = arith.cmpi ne, %rem3A_54, %ne3A_56 : vector<16xi32>
    %and3A_58 = arith.andi %ne3A_52, %ne3A_57 : vector<16xi1>
    %sub3A_59 = arith.constant 1 : i32
    %sub3A_60 = vector.broadcast %sub3A_59 : i32 to vector<16xi32>
    %sub3A_61 = arith.subi %div3A_34, %sub3A_60 : vector<16xi32>
    %select_n3A_62 = arith.select %and3A_58, %sub3A_61, %div3A_34 : vector<16xi1>, vector<16xi32>
    %add3A_63 = arith.constant 32 : i32
    %add3A_64 = vector.broadcast %add3A_63 : i32 to vector<16xi32>
    %add3A_65 = arith.addi %add3A_64, %iota3A : vector<16xi32>
    %jit3A_66 = arith.constant 8 : i32
    %div3A_67 = vector.broadcast %jit3A_66 : i32 to vector<16xi32>
    %div3A_68 = arith.divsi %add3A_65, %div3A_67 : vector<16xi32>
    %sign3A_69 = arith.constant 0 : i32
    %sign3A_70 = vector.broadcast %sign3A_69 : i32 to vector<16xi32>
    %sign3A_71 = arith.cmpi sgt, %add3A_65, %sign3A_70 : vector<16xi32>
    %sign3A_72 = arith.extui %sign3A_71 : vector<16xi1> to vector<16xi32>
    %sign3A_73 = arith.constant 0 : i32
    %sign3A_74 = vector.broadcast %sign3A_73 : i32 to vector<16xi32>
    %sign3A_75 = arith.cmpi slt, %add3A_65, %sign3A_74 : vector<16xi32>
    %sign3A_76 = arith.extui %sign3A_75 : vector<16xi1> to vector<16xi32>
    %sign3A_77 = arith.subi %sign3A_72, %sign3A_76 : vector<16xi32>
    %sign3A_78 = arith.constant 0 : i32
    %sign3A_79 = arith.cmpi sgt, %jit3A_66, %sign3A_78 : i32
    %sign3A_80 = arith.extui %sign3A_79 : i1 to i32
    %sign3A_81 = arith.constant 0 : i32
    %sign3A_82 = arith.cmpi slt, %jit3A_66, %sign3A_81 : i32
    %sign3A_83 = arith.extui %sign3A_82 : i1 to i32
    %sign3A_84 = arith.subi %sign3A_80, %sign3A_83 : i32
    %ne3A_85 = vector.broadcast %sign3A_84 : i32 to vector<16xi32>
    %ne3A_86 = arith.cmpi ne, %sign3A_77, %ne3A_85 : vector<16xi32>
    %rem3A_87 = vector.broadcast %jit3A_66 : i32 to vector<16xi32>
    %rem3A_88 = arith.remsi %add3A_65, %rem3A_87 : vector<16xi32>
    %ne3A_89 = arith.constant 0 : i32
    %ne3A_90 = vector.broadcast %ne3A_89 : i32 to vector<16xi32>
    %ne3A_91 = arith.cmpi ne, %rem3A_88, %ne3A_90 : vector<16xi32>
    %and3A_92 = arith.andi %ne3A_86, %ne3A_91 : vector<16xi1>
    %sub3A_93 = arith.constant 1 : i32
    %sub3A_94 = vector.broadcast %sub3A_93 : i32 to vector<16xi32>
    %sub3A_95 = arith.subi %div3A_68, %sub3A_94 : vector<16xi32>
    %select_n3A_96 = arith.select %and3A_92, %sub3A_95, %div3A_68 : vector<16xi1>, vector<16xi32>
    %add3A_97 = arith.constant 48 : i32
    %add3A_98 = vector.broadcast %add3A_97 : i32 to vector<16xi32>
    %add3A_99 = arith.addi %add3A_98, %iota3A : vector<16xi32>
    %jit3A_100 = arith.constant 8 : i32
    %div3A_101 = vector.broadcast %jit3A_100 : i32 to vector<16xi32>
    %div3A_102 = arith.divsi %add3A_99, %div3A_101 : vector<16xi32>
    %sign3A_103 = arith.constant 0 : i32
    %sign3A_104 = vector.broadcast %sign3A_103 : i32 to vector<16xi32>
    %sign3A_105 = arith.cmpi sgt, %add3A_99, %sign3A_104 : vector<16xi32>
    %sign3A_106 = arith.extui %sign3A_105 : vector<16xi1> to vector<16xi32>
    %sign3A_107 = arith.constant 0 : i32
    %sign3A_108 = vector.broadcast %sign3A_107 : i32 to vector<16xi32>
    %sign3A_109 = arith.cmpi slt, %add3A_99, %sign3A_108 : vector<16xi32>
    %sign3A_110 = arith.extui %sign3A_109 : vector<16xi1> to vector<16xi32>
    %sign3A_111 = arith.subi %sign3A_106, %sign3A_110 : vector<16xi32>
    %sign3A_112 = arith.constant 0 : i32
    %sign3A_113 = arith.cmpi sgt, %jit3A_100, %sign3A_112 : i32
    %sign3A_114 = arith.extui %sign3A_113 : i1 to i32
    %sign3A_115 = arith.constant 0 : i32
    %sign3A_116 = arith.cmpi slt, %jit3A_100, %sign3A_115 : i32
    %sign3A_117 = arith.extui %sign3A_116 : i1 to i32
    %sign3A_118 = arith.subi %sign3A_114, %sign3A_117 : i32
    %ne3A_119 = vector.broadcast %sign3A_118 : i32 to vector<16xi32>
    %ne3A_120 = arith.cmpi ne, %sign3A_111, %ne3A_119 : vector<16xi32>
    %rem3A_121 = vector.broadcast %jit3A_100 : i32 to vector<16xi32>
    %rem3A_122 = arith.remsi %add3A_99, %rem3A_121 : vector<16xi32>
    %ne3A_123 = arith.constant 0 : i32
    %ne3A_124 = vector.broadcast %ne3A_123 : i32 to vector<16xi32>
    %ne3A_125 = arith.cmpi ne, %rem3A_122, %ne3A_124 : vector<16xi32>
    %and3A_126 = arith.andi %ne3A_120, %ne3A_125 : vector<16xi1>
    %sub3A_127 = arith.constant 1 : i32
    %sub3A_128 = vector.broadcast %sub3A_127 : i32 to vector<16xi32>
    %sub3A_129 = arith.subi %div3A_102, %sub3A_128 : vector<16xi32>
    %select_n3A_130 = arith.select %and3A_126, %sub3A_129, %div3A_102 : vector<16xi1>, vector<16xi32>
    %add3A_131 = arith.constant 0 : i32
    %add3A_132 = vector.broadcast %add3A_131 : i32 to vector<16xi32>
    %add3A_133 = arith.addi %add3A_132, %iota3A : vector<16xi32>
    %jit3A_134 = arith.constant 8 : i32
    %eq3A = arith.constant 0 : i32
    %eq3A_135 = arith.cmpi eq, %jit3A_134, %eq3A : i32
    %jit3A_136 = arith.constant 1 : i32
    %select_n3A_137 = arith.select %eq3A_135, %jit3A_136, %jit3A_134 : i32
    %rem3A_138 = vector.broadcast %select_n3A_137 : i32 to vector<16xi32>
    %rem3A_139 = arith.remsi %add3A_133, %rem3A_138 : vector<16xi32>
    %ne3A_140 = arith.constant 0 : i32
    %ne3A_141 = vector.broadcast %ne3A_140 : i32 to vector<16xi32>
    %ne3A_142 = arith.cmpi ne, %rem3A_139, %ne3A_141 : vector<16xi32>
    %lt3A = arith.constant 0 : i32
    %lt3A_143 = vector.broadcast %lt3A : i32 to vector<16xi32>
    %lt3A_144 = arith.cmpi slt, %rem3A_139, %lt3A_143 : vector<16xi32>
    %lt3A_145 = arith.constant 0 : i32
    %lt3A_146 = arith.cmpi slt, %select_n3A_137, %lt3A_145 : i32
    %ne3A_147 = vector.broadcast %lt3A_146 : i1 to vector<16xi1>
    %ne3A_148 = vector.broadcast %ne3A_147 : vector<16xi1> to vector<16xi1>
    %ne3A_149 = arith.xori %lt3A_144, %ne3A_148 : vector<16xi1>
    %and3A_150 = arith.andi %ne3A_149, %ne3A_142 : vector<16xi1>
    %add3A_151 = vector.broadcast %select_n3A_137 : i32 to vector<16xi32>
    %add3A_152 = arith.addi %rem3A_139, %add3A_151 : vector<16xi32>
    %select_n3A_153 = arith.select %and3A_150, %add3A_152, %rem3A_139 : vector<16xi1>, vector<16xi32>
    %add3A_154 = arith.constant 16 : i32
    %add3A_155 = vector.broadcast %add3A_154 : i32 to vector<16xi32>
    %add3A_156 = arith.addi %add3A_155, %iota3A : vector<16xi32>
    %jit3A_157 = arith.constant 8 : i32
    %eq3A_158 = arith.constant 0 : i32
    %eq3A_159 = arith.cmpi eq, %jit3A_157, %eq3A_158 : i32
    %jit3A_160 = arith.constant 1 : i32
    %select_n3A_161 = arith.select %eq3A_159, %jit3A_160, %jit3A_157 : i32
    %rem3A_162 = vector.broadcast %select_n3A_161 : i32 to vector<16xi32>
    %rem3A_163 = arith.remsi %add3A_156, %rem3A_162 : vector<16xi32>
    %ne3A_164 = arith.constant 0 : i32
    %ne3A_165 = vector.broadcast %ne3A_164 : i32 to vector<16xi32>
    %ne3A_166 = arith.cmpi ne, %rem3A_163, %ne3A_165 : vector<16xi32>
    %lt3A_167 = arith.constant 0 : i32
    %lt3A_168 = vector.broadcast %lt3A_167 : i32 to vector<16xi32>
    %lt3A_169 = arith.cmpi slt, %rem3A_163, %lt3A_168 : vector<16xi32>
    %lt3A_170 = arith.constant 0 : i32
    %lt3A_171 = arith.cmpi slt, %select_n3A_161, %lt3A_170 : i32
    %ne3A_172 = vector.broadcast %lt3A_171 : i1 to vector<16xi1>
    %ne3A_173 = vector.broadcast %ne3A_172 : vector<16xi1> to vector<16xi1>
    %ne3A_174 = arith.xori %lt3A_169, %ne3A_173 : vector<16xi1>
    %and3A_175 = arith.andi %ne3A_174, %ne3A_166 : vector<16xi1>
    %add3A_176 = vector.broadcast %select_n3A_161 : i32 to vector<16xi32>
    %add3A_177 = arith.addi %rem3A_163, %add3A_176 : vector<16xi32>
    %select_n3A_178 = arith.select %and3A_175, %add3A_177, %rem3A_163 : vector<16xi1>, vector<16xi32>
    %add3A_179 = arith.constant 32 : i32
    %add3A_180 = vector.broadcast %add3A_179 : i32 to vector<16xi32>
    %add3A_181 = arith.addi %add3A_180, %iota3A : vector<16xi32>
    %jit3A_182 = arith.constant 8 : i32
    %eq3A_183 = arith.constant 0 : i32
    %eq3A_184 = arith.cmpi eq, %jit3A_182, %eq3A_183 : i32
    %jit3A_185 = arith.constant 1 : i32
    %select_n3A_186 = arith.select %eq3A_184, %jit3A_185, %jit3A_182 : i32
    %rem3A_187 = vector.broadcast %select_n3A_186 : i32 to vector<16xi32>
    %rem3A_188 = arith.remsi %add3A_181, %rem3A_187 : vector<16xi32>
    %ne3A_189 = arith.constant 0 : i32
    %ne3A_190 = vector.broadcast %ne3A_189 : i32 to vector<16xi32>
    %ne3A_191 = arith.cmpi ne, %rem3A_188, %ne3A_190 : vector<16xi32>
    %lt3A_192 = arith.constant 0 : i32
    %lt3A_193 = vector.broadcast %lt3A_192 : i32 to vector<16xi32>
    %lt3A_194 = arith.cmpi slt, %rem3A_188, %lt3A_193 : vector<16xi32>
    %lt3A_195 = arith.constant 0 : i32
    %lt3A_196 = arith.cmpi slt, %select_n3A_186, %lt3A_195 : i32
    %ne3A_197 = vector.broadcast %lt3A_196 : i1 to vector<16xi1>
    %ne3A_198 = vector.broadcast %ne3A_197 : vector<16xi1> to vector<16xi1>
    %ne3A_199 = arith.xori %lt3A_194, %ne3A_198 : vector<16xi1>
    %and3A_200 = arith.andi %ne3A_199, %ne3A_191 : vector<16xi1>
    %add3A_201 = vector.broadcast %select_n3A_186 : i32 to vector<16xi32>
    %add3A_202 = arith.addi %rem3A_188, %add3A_201 : vector<16xi32>
    %select_n3A_203 = arith.select %and3A_200, %add3A_202, %rem3A_188 : vector<16xi1>, vector<16xi32>
    %add3A_204 = arith.constant 48 : i32
    %add3A_205 = vector.broadcast %add3A_204 : i32 to vector<16xi32>
    %add3A_206 = arith.addi %add3A_205, %iota3A : vector<16xi32>
    %jit3A_207 = arith.constant 8 : i32
    %eq3A_208 = arith.constant 0 : i32
    %eq3A_209 = arith.cmpi eq, %jit3A_207, %eq3A_208 : i32
    %jit3A_210 = arith.constant 1 : i32
    %select_n3A_211 = arith.select %eq3A_209, %jit3A_210, %jit3A_207 : i32
    %rem3A_212 = vector.broadcast %select_n3A_211 : i32 to vector<16xi32>
    %rem3A_213 = arith.remsi %add3A_206, %rem3A_212 : vector<16xi32>
    %ne3A_214 = arith.constant 0 : i32
    %ne3A_215 = vector.broadcast %ne3A_214 : i32 to vector<16xi32>
    %ne3A_216 = arith.cmpi ne, %rem3A_213, %ne3A_215 : vector<16xi32>
    %lt3A_217 = arith.constant 0 : i32
    %lt3A_218 = vector.broadcast %lt3A_217 : i32 to vector<16xi32>
    %lt3A_219 = arith.cmpi slt, %rem3A_213, %lt3A_218 : vector<16xi32>
    %lt3A_220 = arith.constant 0 : i32
    %lt3A_221 = arith.cmpi slt, %select_n3A_211, %lt3A_220 : i32
    %ne3A_222 = vector.broadcast %lt3A_221 : i1 to vector<16xi1>
    %ne3A_223 = vector.broadcast %ne3A_222 : vector<16xi1> to vector<16xi1>
    %ne3A_224 = arith.xori %lt3A_219, %ne3A_223 : vector<16xi1>
    %and3A_225 = arith.andi %ne3A_224, %ne3A_216 : vector<16xi1>
    %add3A_226 = vector.broadcast %select_n3A_211 : i32 to vector<16xi32>
    %add3A_227 = arith.addi %rem3A_213, %add3A_226 : vector<16xi32>
    %select_n3A_228 = arith.select %and3A_225, %add3A_227, %rem3A_213 : vector<16xi1>, vector<16xi32>
    %dma_start3A = arith.constant 0 : i32
    %dma_start3A_229 = arith.constant 0 : i32
    %dma_start3A_230 = arith.constant 0 : i32
    %dma_start3A_231 = arith.constant 0 : i32
    %dma_start3A_232 = tpu.memref_slice %arg6[%dma_start3A_229, %dma_start3A_230, %dma_start3A_231] : memref<4x128x128xf32, #tpu.memory_space<vmem>> -> memref<1x128x128xf32, #tpu.memory_space<vmem>>
    %dma_start3A_233 = tpu.memref_squeeze %dma_start3A_232 : memref<1x128x128xf32, #tpu.memory_space<vmem>> -> memref<128x128xf32, #tpu.memory_space<vmem>>
    %dma_start3A_234 = arith.constant 0 : i32
    %dma_start3A_235 = tpu.memref_slice %arg5[%dma_start3A, %dma_start3A_234] : memref<200x128xi32, #tpu.memory_space<vmem>> -> memref<1x128xi32, #tpu.memory_space<vmem>>
    %dma_start3A_236 = tpu.memref_squeeze %dma_start3A_235 : memref<1x128xi32, #tpu.memory_space<vmem>> -> memref<128xi32, #tpu.memory_space<vmem>>
    %dma_start3A_237 = arith.constant 0 : i32
    %dma_start3A_238 = arith.constant 0 : i32
    %dma_start3A_239 = tpu.memref_slice %arg3[%dma_start3A_237, %dma_start3A_238] : memref<1000000x128xf32, #tpu.memory_space<hbm>> -> memref<1000000x128xf32, #tpu.memory_space<hbm>>
    tpu.enqueue_indirect_dma source(%dma_start3A_239 : memref<1000000x128xf32, #tpu.memory_space<hbm>>) target(%dma_start3A_233 : memref<128x128xf32, #tpu.memory_space<vmem>>) offsets(%dma_start3A_236 : memref<128xi32, #tpu.memory_space<vmem>>) semaphore(%arg8 : memref<!tpu.dma_semaphore, #tpu.memory_space<semaphore_mem>>)
    %dma_start3A_240 = arith.constant 1 : i32
    %dma_start3A_241 = arith.constant 1 : i32
    %dma_start3A_242 = arith.constant 0 : i32
    %dma_start3A_243 = arith.constant 0 : i32
    %dma_start3A_244 = tpu.memref_slice %arg6[%dma_start3A_241, %dma_start3A_242, %dma_start3A_243] : memref<4x128x128xf32, #tpu.memory_space<vmem>> -> memref<1x128x128xf32, #tpu.memory_space<vmem>>
    %dma_start3A_245 = tpu.memref_squeeze %dma_start3A_244 : memref<1x128x128xf32, #tpu.memory_space<vmem>> -> memref<128x128xf32, #tpu.memory_space<vmem>>
    %dma_start3A_246 = arith.constant 0 : i32
    %dma_start3A_247 = tpu.memref_slice %arg5[%dma_start3A_240, %dma_start3A_246] : memref<200x128xi32, #tpu.memory_space<vmem>> -> memref<1x128xi32, #tpu.memory_space<vmem>>
    %dma_start3A_248 = tpu.memref_squeeze %dma_start3A_247 : memref<1x128xi32, #tpu.memory_space<vmem>> -> memref<128xi32, #tpu.memory_space<vmem>>
    %dma_start3A_249 = arith.constant 0 : i32
    %dma_start3A_250 = arith.constant 0 : i32
    %dma_start3A_251 = tpu.memref_slice %arg3[%dma_start3A_249, %dma_start3A_250] : memref<1000000x128xf32, #tpu.memory_space<hbm>> -> memref<1000000x128xf32, #tpu.memory_space<hbm>>
    tpu.enqueue_indirect_dma source(%dma_start3A_251 : memref<1000000x128xf32, #tpu.memory_space<hbm>>) target(%dma_start3A_245 : memref<128x128xf32, #tpu.memory_space<vmem>>) offsets(%dma_start3A_248 : memref<128xi32, #tpu.memory_space<vmem>>) semaphore(%arg8 : memref<!tpu.dma_semaphore, #tpu.memory_space<semaphore_mem>>)
    %dma_start3A_252 = arith.constant 2 : i32
    %dma_start3A_253 = arith.constant 2 : i32
    %dma_start3A_254 = arith.constant 0 : i32
    %dma_start3A_255 = arith.constant 0 : i32
    %dma_start3A_256 = tpu.memref_slice %arg6[%dma_start3A_253, %dma_start3A_254, %dma_start3A_255] : memref<4x128x128xf32, #tpu.memory_space<vmem>> -> memref<1x128x128xf32, #tpu.memory_space<vmem>>
    %dma_start3A_257 = tpu.memref_squeeze %dma_start3A_256 : memref<1x128x128xf32, #tpu.memory_space<vmem>> -> memref<128x128xf32, #tpu.memory_space<vmem>>
    %dma_start3A_258 = arith.constant 0 : i32
    %dma_start3A_259 = tpu.memref_slice %arg5[%dma_start3A_252, %dma_start3A_258] : memref<200x128xi32, #tpu.memory_space<vmem>> -> memref<1x128xi32, #tpu.memory_space<vmem>>
    %dma_start3A_260 = tpu.memref_squeeze %dma_start3A_259 : memref<1x128xi32, #tpu.memory_space<vmem>> -> memref<128xi32, #tpu.memory_space<vmem>>
    %dma_start3A_261 = arith.constant 0 : i32
    %dma_start3A_262 = arith.constant 0 : i32
    %dma_start3A_263 = tpu.memref_slice %arg3[%dma_start3A_261, %dma_start3A_262] : memref<1000000x128xf32, #tpu.memory_space<hbm>> -> memref<1000000x128xf32, #tpu.memory_space<hbm>>
    tpu.enqueue_indirect_dma source(%dma_start3A_263 : memref<1000000x128xf32, #tpu.memory_space<hbm>>) target(%dma_start3A_257 : memref<128x128xf32, #tpu.memory_space<vmem>>) offsets(%dma_start3A_260 : memref<128xi32, #tpu.memory_space<vmem>>) semaphore(%arg8 : memref<!tpu.dma_semaphore, #tpu.memory_space<semaphore_mem>>)
    %scan3A = arith.constant 0 : i32
    %scan3A_264 = arith.constant 0 : i32
    %scan3A_265 = arith.constant 50 : i32
    %scan3A_266 = arith.addi %scan3A_264, %scan3A_265 : i32
    %scan3A_267 = arith.constant 1 : i32
    scf.for %scan3A_314 = %scan3A_264 to %scan3A_266 step %scan3A_267  : i32 {
      %mul3A_315 = arith.constant 4 : i32
      %mul3A_316 = arith.muli %scan3A_314, %mul3A_315 : i32
      %add3A_317 = arith.constant 0 : i32
      %add3A_318 = arith.addi %mul3A_316, %add3A_317 : i32
      %dma_wait3A_319 = arith.constant 0 : i32
      %dma_wait3A_320 = arith.constant 0 : i32
      %dma_wait3A_321 = arith.constant 0 : i32
      %dma_wait3A_322 = tpu.memref_slice %arg6[%dma_wait3A_319, %dma_wait3A_320, %dma_wait3A_321] : memref<4x128x128xf32, #tpu.memory_space<vmem>> -> memref<1x128x128xf32, #tpu.memory_space<vmem>>
      %dma_wait3A_323 = tpu.memref_squeeze %dma_wait3A_322 : memref<1x128x128xf32, #tpu.memory_space<vmem>> -> memref<128x128xf32, #tpu.memory_space<vmem>>
      %dma_wait3A_324 = arith.constant 0 : i32
      %dma_wait3A_325 = arith.constant 0 : i32
      %dma_wait3A_326 = tpu.memref_slice %arg3[%dma_wait3A_324, %dma_wait3A_325] : memref<1000000x128xf32, #tpu.memory_space<hbm>> -> memref<128x128xf32, #tpu.memory_space<hbm>>
      %dma_wait3A_327 = arith.constant 0 : i32
      %dma_wait3A_328 = arith.constant 0 : i32
      %dma_wait3A_329 = tpu.memref_slice %arg6[%dma_wait3A_319, %dma_wait3A_327, %dma_wait3A_328] : memref<4x128x128xf32, #tpu.memory_space<vmem>> -> memref<1x128x128xf32, #tpu.memory_space<vmem>>
      %dma_wait3A_330 = tpu.memref_squeeze %dma_wait3A_329 : memref<1x128x128xf32, #tpu.memory_space<vmem>> -> memref<128x128xf32, #tpu.memory_space<vmem>>
      %dma_wait3A_331 = arith.constant 0 : i32
      %dma_wait3A_332 = arith.constant 0 : i32
      %dma_wait3A_333 = tpu.memref_slice %arg3[%dma_wait3A_331, %dma_wait3A_332] : memref<1000000x128xf32, #tpu.memory_space<hbm>> -> memref<128x128xf32, #tpu.memory_space<hbm>>
      tpu.wait_dma2 semaphore(%arg8 : memref<!tpu.dma_semaphore, #tpu.memory_space<semaphore_mem>>) src(%dma_wait3A_333 : memref<128x128xf32, #tpu.memory_space<hbm>>) dst(%dma_wait3A_330 : memref<128x128xf32, #tpu.memory_space<vmem>>)
      %add3A_334 = arith.constant 3 : i32
      %add3A_335 = arith.addi %add3A_318, %add3A_334 : i32
      %lt3A_336 = arith.constant 200 : i32
      %lt3A_337 = arith.cmpi slt, %add3A_335, %lt3A_336 : i32
      %convert_element_type3A = arith.extui %lt3A_337 : i1 to i32
      %cond3A = arith.constant 0 : i32
      %cond3A_338 = arith.cmpi ne, %convert_element_type3A, %cond3A : i32
      scf.if %cond3A_338 {
        %add3A_531 = arith.constant 3 : i32
        %add3A_532 = arith.addi %add3A_318, %add3A_531 : i32
        %dma_start3A_533 = arith.constant 3 : i32
        %dma_start3A_534 = arith.constant 0 : i32
        %dma_start3A_535 = arith.constant 0 : i32
        %dma_start3A_536 = tpu.memref_slice %arg6[%dma_start3A_533, %dma_start3A_534, %dma_start3A_535] : memref<4x128x128xf32, #tpu.memory_space<vmem>> -> memref<1x128x128xf32, #tpu.memory_space<vmem>>
        %dma_start3A_537 = tpu.memref_squeeze %dma_start3A_536 : memref<1x128x128xf32, #tpu.memory_space<vmem>> -> memref<128x128xf32, #tpu.memory_space<vmem>>
        %dma_start3A_538 = arith.constant 0 : i32
        %dma_start3A_539 = tpu.memref_slice %arg5[%add3A_532, %dma_start3A_538] : memref<200x128xi32, #tpu.memory_space<vmem>> -> memref<1x128xi32, #tpu.memory_space<vmem>>
        %dma_start3A_540 = tpu.memref_squeeze %dma_start3A_539 : memref<1x128xi32, #tpu.memory_space<vmem>> -> memref<128xi32, #tpu.memory_space<vmem>>
        %dma_start3A_541 = arith.constant 0 : i32
        %dma_start3A_542 = arith.constant 0 : i32
        %dma_start3A_543 = tpu.memref_slice %arg3[%dma_start3A_541, %dma_start3A_542] : memref<1000000x128xf32, #tpu.memory_space<hbm>> -> memref<1000000x128xf32, #tpu.memory_space<hbm>>
        tpu.enqueue_indirect_dma source(%dma_start3A_543 : memref<1000000x128xf32, #tpu.memory_space<hbm>>) target(%dma_start3A_537 : memref<128x128xf32, #tpu.memory_space<vmem>>) offsets(%dma_start3A_540 : memref<128xi32, #tpu.memory_space<vmem>>) semaphore(%arg8 : memref<!tpu.dma_semaphore, #tpu.memory_space<semaphore_mem>>)
      } else {
      }
      %ge3A = arith.constant 2 : i32
      %ge3A_339 = arith.cmpi sge, %add3A_318, %ge3A : i32
      %convert_element_type3A_340 = arith.extui %ge3A_339 : i1 to i32
      %cond3A_341 = arith.constant 0 : i32
      %cond3A_342 = arith.cmpi ne, %convert_element_type3A_340, %cond3A_341 : i32
      scf.if %cond3A_342 {
        %dma_wait3A_531 = arith.constant 0 : i32
        %dma_wait3A_532 = arith.constant 0 : i32
        %dma_wait3A_533 = arith.constant 0 : i32
        %dma_wait3A_534 = arith.constant 0 : i32
        %dma_wait3A_535 = arith.constant 0 : i32
        %dma_wait3A_536 = arith.constant 0 : i32
        %dma_wait3A_537 = tpu.memref_slice %arg7[%dma_wait3A_533, %dma_wait3A_534, %dma_wait3A_535, %dma_wait3A_536] : memref<2x8x8x129xf32, #tpu.memory_space<vmem>> -> memref<1x8x8x128xf32, #tpu.memory_space<vmem>>
        %dma_wait3A_538 = tpu.memref_squeeze %dma_wait3A_537 : memref<1x8x8x128xf32, #tpu.memory_space<vmem>> -> memref<8x8x128xf32, #tpu.memory_space<vmem>>
        %dma_wait3A_539 = arith.constant 0 : i32
        %dma_wait3A_540 = arith.constant 0 : i32
        %dma_wait3A_541 = arith.constant 0 : i32
        %dma_wait3A_542 = tpu.memref_slice %arg4[%dma_wait3A_531, %dma_wait3A_539, %dma_wait3A_532, %dma_wait3A_540, %dma_wait3A_541] : memref<200x8x32x8x128xf32, #tpu.memory_space<hbm>> -> memref<1x8x1x8x128xf32, #tpu.memory_space<hbm>>
        %dma_wait3A_543 = tpu.memref_squeeze %dma_wait3A_542 : memref<1x8x1x8x128xf32, #tpu.memory_space<hbm>> -> memref<8x8x128xf32, #tpu.memory_space<hbm>>
        %dma_wait3A_544 = arith.constant 0 : i32
        %dma_wait3A_545 = arith.constant 0 : i32
        %dma_wait3A_546 = arith.constant 0 : i32
        %dma_wait3A_547 = tpu.memref_slice %arg7[%dma_wait3A_533, %dma_wait3A_544, %dma_wait3A_545, %dma_wait3A_546] : memref<2x8x8x129xf32, #tpu.memory_space<vmem>> -> memref<1x8x8x128xf32, #tpu.memory_space<vmem>>
        %dma_wait3A_548 = tpu.memref_squeeze %dma_wait3A_547 : memref<1x8x8x128xf32, #tpu.memory_space<vmem>> -> memref<8x8x128xf32, #tpu.memory_space<vmem>>
        %dma_wait3A_549 = arith.constant 0 : i32
        %dma_wait3A_550 = arith.constant 0 : i32
        %dma_wait3A_551 = arith.constant 0 : i32
        %dma_wait3A_552 = tpu.memref_slice %arg4[%dma_wait3A_531, %dma_wait3A_549, %dma_wait3A_532, %dma_wait3A_550, %dma_wait3A_551] : memref<200x8x32x8x128xf32, #tpu.memory_space<hbm>> -> memref<1x8x1x8x128xf32, #tpu.memory_space<hbm>>
        %dma_wait3A_553 = tpu.memref_squeeze %dma_wait3A_552 : memref<1x8x1x8x128xf32, #tpu.memory_space<hbm>> -> memref<8x8x128xf32, #tpu.memory_space<hbm>>
        tpu.wait_dma2 semaphore(%arg9 : memref<!tpu.dma_semaphore, #tpu.memory_space<semaphore_mem>>) src(%dma_wait3A_553 : memref<8x8x128xf32, #tpu.memory_space<hbm>>) dst(%dma_wait3A_548 : memref<8x8x128xf32, #tpu.memory_space<vmem>>)
      } else {
      }
      %parallel_loop3A = arith.constant 0 : i32
      %parallel_loop3A_343 = arith.constant 128 : i32
      %parallel_loop3A_344 = arith.constant 1 : i32
      scf.for %parallel_loop3A_531 = %parallel_loop3A to %parallel_loop3A_343 step %parallel_loop3A_344  : i32 {
        %parallel_loop3A_532 = vector.broadcast %parallel_loop3A_531 : i32 to vector<16xi32>
        %parallel_loop3A_533 = arith.constant 0 : i32
        %parallel_loop3A_534 = arith.index_cast %parallel_loop3A_533 : i32 to index
        %parallel_loop3A_535 = arith.index_cast %parallel_loop3A_531 : i32 to index
        %parallel_loop3A_536 = arith.constant 0 : index
        %parallel_loop3A_537 = tpu.vector_load %arg6[%parallel_loop3A_534, %parallel_loop3A_535, %parallel_loop3A_536] {strides = array<i32>} : memref<4x128x128xf32, #tpu.memory_space<vmem>>, vector<16xf32>,
        %parallel_loop3A_538 = arith.constant 0 : i32
        %parallel_loop3A_539 = arith.constant 0 : i32
        %parallel_loop3A_540 = arith.constant 0 : i32
        %parallel_loop3A_541 = arith.constant 0 : i32
        %parallel_loop3A_542 = tpu.memref_slice %arg7[%parallel_loop3A_538, %parallel_loop3A_539, %parallel_loop3A_540, %parallel_loop3A_541] : memref<2x8x8x129xf32, #tpu.memory_space<vmem>> -> memref<1x8x8x129xf32, #tpu.memory_space<vmem>>
        %parallel_loop3A_543 = tpu.memref_squeeze %parallel_loop3A_542 : memref<1x8x8x129xf32, #tpu.memory_space<vmem>> -> memref<8x8x129xf32, #tpu.memory_space<vmem>>
        tpu.vector_store_idx %parallel_loop3A_543[%select_n3A, %select_n3A_153, %parallel_loop3A_532], %parallel_loop3A_537 : memref<8x8x129xf32, #tpu.memory_space<vmem>>[vector<16xi32>, vector<16xi32>, vector<16xi32>], vector<16xf32>,
        %parallel_loop3A_544 = arith.constant 0 : i32
        %parallel_loop3A_545 = arith.index_cast %parallel_loop3A_544 : i32 to index
        %parallel_loop3A_546 = arith.index_cast %parallel_loop3A_531 : i32 to index
        %parallel_loop3A_547 = arith.constant 16 : index
        %parallel_loop3A_548 = tpu.vector_load %arg6[%parallel_loop3A_545, %parallel_loop3A_546, %parallel_loop3A_547] {strides = array<i32>} : memref<4x128x128xf32, #tpu.memory_space<vmem>>, vector<16xf32>,
        %parallel_loop3A_549 = arith.constant 0 : i32
        %parallel_loop3A_550 = arith.constant 0 : i32
        %parallel_loop3A_551 = arith.constant 0 : i32
        %parallel_loop3A_552 = arith.constant 0 : i32
        %parallel_loop3A_553 = tpu.memref_slice %arg7[%parallel_loop3A_549, %parallel_loop3A_550, %parallel_loop3A_551, %parallel_loop3A_552] : memref<2x8x8x129xf32, #tpu.memory_space<vmem>> -> memref<1x8x8x129xf32, #tpu.memory_space<vmem>>
        %parallel_loop3A_554 = tpu.memref_squeeze %parallel_loop3A_553 : memref<1x8x8x129xf32, #tpu.memory_space<vmem>> -> memref<8x8x129xf32, #tpu.memory_space<vmem>>
        tpu.vector_store_idx %parallel_loop3A_554[%select_n3A_62, %select_n3A_178, %parallel_loop3A_532], %parallel_loop3A_548 : memref<8x8x129xf32, #tpu.memory_space<vmem>>[vector<16xi32>, vector<16xi32>, vector<16xi32>], vector<16xf32>,
        %parallel_loop3A_555 = arith.constant 0 : i32
        %parallel_loop3A_556 = arith.index_cast %parallel_loop3A_555 : i32 to index
        %parallel_loop3A_557 = arith.index_cast %parallel_loop3A_531 : i32 to index
        %parallel_loop3A_558 = arith.constant 32 : index
        %parallel_loop3A_559 = tpu.vector_load %arg6[%parallel_loop3A_556, %parallel_loop3A_557, %parallel_loop3A_558] {strides = array<i32>} : memref<4x128x128xf32, #tpu.memory_space<vmem>>, vector<16xf32>,
        %parallel_loop3A_560 = arith.constant 0 : i32
        %parallel_loop3A_561 = arith.constant 0 : i32
        %parallel_loop3A_562 = arith.constant 0 : i32
        %parallel_loop3A_563 = arith.constant 0 : i32
        %parallel_loop3A_564 = tpu.memref_slice %arg7[%parallel_loop3A_560, %parallel_loop3A_561, %parallel_loop3A_562, %parallel_loop3A_563] : memref<2x8x8x129xf32, #tpu.memory_space<vmem>> -> memref<1x8x8x129xf32, #tpu.memory_space<vmem>>
        %parallel_loop3A_565 = tpu.memref_squeeze %parallel_loop3A_564 : memref<1x8x8x129xf32, #tpu.memory_space<vmem>> -> memref<8x8x129xf32, #tpu.memory_space<vmem>>
        tpu.vector_store_idx %parallel_loop3A_565[%select_n3A_96, %select_n3A_203, %parallel_loop3A_532], %parallel_loop3A_559 : memref<8x8x129xf32, #tpu.memory_space<vmem>>[vector<16xi32>, vector<16xi32>, vector<16xi32>], vector<16xf32>,
        %parallel_loop3A_566 = arith.constant 0 : i32
        %parallel_loop3A_567 = arith.index_cast %parallel_loop3A_566 : i32 to index
        %parallel_loop3A_568 = arith.index_cast %parallel_loop3A_531 : i32 to index
        %parallel_loop3A_569 = arith.constant 48 : index
        %parallel_loop3A_570 = tpu.vector_load %arg6[%parallel_loop3A_567, %parallel_loop3A_568, %parallel_loop3A_569] {strides = array<i32>} : memref<4x128x128xf32, #tpu.memory_space<vmem>>, vector<16xf32>,
        %parallel_loop3A_571 = arith.constant 0 : i32
        %parallel_loop3A_572 = arith.constant 0 : i32
        %parallel_loop3A_573 = arith.constant 0 : i32
        %parallel_loop3A_574 = arith.constant 0 : i32
        %parallel_loop3A_575 = tpu.memref_slice %arg7[%parallel_loop3A_571, %parallel_loop3A_572, %parallel_loop3A_573, %parallel_loop3A_574] : memref<2x8x8x129xf32, #tpu.memory_space<vmem>> -> memref<1x8x8x129xf32, #tpu.memory_space<vmem>>
        %parallel_loop3A_576 = tpu.memref_squeeze %parallel_loop3A_575 : memref<1x8x8x129xf32, #tpu.memory_space<vmem>> -> memref<8x8x129xf32, #tpu.memory_space<vmem>>
        tpu.vector_store_idx %parallel_loop3A_576[%select_n3A_130, %select_n3A_228, %parallel_loop3A_532], %parallel_loop3A_570 : memref<8x8x129xf32, #tpu.memory_space<vmem>>[vector<16xi32>, vector<16xi32>, vector<16xi32>], vector<16xf32>,
      } {sc.loop_unroll_factor = 16 : i64, sc.parallel_access}
      %dma_start3A_345 = arith.constant 0 : i32
      %dma_start3A_346 = arith.constant 0 : i32
      %dma_start3A_347 = arith.constant 0 : i32
      %dma_start3A_348 = arith.constant 0 : i32
      %dma_start3A_349 = tpu.memref_slice %arg7[%dma_start3A_345, %dma_start3A_346, %dma_start3A_347, %dma_start3A_348] : memref<2x8x8x129xf32, #tpu.memory_space<vmem>> -> memref<1x8x8x128xf32, #tpu.memory_space<vmem>>
      %dma_start3A_350 = tpu.memref_squeeze %dma_start3A_349 : memref<1x8x8x128xf32, #tpu.memory_space<vmem>> -> memref<8x8x128xf32, #tpu.memory_space<vmem>>
      %dma_start3A_351 = arith.constant 0 : i32
      %dma_start3A_352 = arith.constant 0 : i32
      %dma_start3A_353 = arith.constant 0 : i32
      %dma_start3A_354 = tpu.memref_slice %arg4[%add3A_318, %dma_start3A_351, %add3A, %dma_start3A_352, %dma_start3A_353] : memref<200x8x32x8x128xf32, #tpu.memory_space<hbm>> -> memref<1x8x1x8x128xf32, #tpu.memory_space<hbm>>
      %dma_start3A_355 = tpu.memref_squeeze %dma_start3A_354 : memref<1x8x1x8x128xf32, #tpu.memory_space<hbm>> -> memref<8x8x128xf32, #tpu.memory_space<hbm>>
      %dma_start3A_356 = arith.constant 0 : i32
      %dma_start3A_357 = arith.constant 0 : i32
      %dma_start3A_358 = arith.constant 0 : i32
      %dma_start3A_359 = tpu.memref_slice %arg4[%add3A_318, %dma_start3A_356, %add3A, %dma_start3A_357, %dma_start3A_358] : memref<200x8x32x8x128xf32, #tpu.memory_space<hbm>> -> memref<1x8x1x8x128xf32, #tpu.memory_space<hbm>>
      %dma_start3A_360 = tpu.memref_squeeze %dma_start3A_359 : memref<1x8x1x8x128xf32, #tpu.memory_space<hbm>> -> memref<8x8x128xf32, #tpu.memory_space<hbm>>
      %dma_start3A_361 = arith.constant 0 : i32
      %dma_start3A_362 = arith.constant 0 : i32
      %dma_start3A_363 = arith.constant 0 : i32
      %dma_start3A_364 = tpu.memref_slice %arg7[%dma_start3A_345, %dma_start3A_361, %dma_start3A_362, %dma_start3A_363] : memref<2x8x8x129xf32, #tpu.memory_space<vmem>> -> memref<1x8x8x128xf32, #tpu.memory_space<vmem>>
      %dma_start3A_365 = tpu.memref_squeeze %dma_start3A_364 : memref<1x8x8x128xf32, #tpu.memory_space<vmem>> -> memref<8x8x128xf32, #tpu.memory_space<vmem>>
      tpu.enqueue_dma source(%dma_start3A_365 : memref<8x8x128xf32, #tpu.memory_space<vmem>>) target(%dma_start3A_360 : memref<8x8x128xf32, #tpu.memory_space<hbm>>) target_semaphore(%arg9 : memref<!tpu.dma_semaphore, #tpu.memory_space<semaphore_mem>>)
      %mul3A_366 = arith.constant 4 : i32
      %mul3A_367 = arith.muli %scan3A_314, %mul3A_366 : i32
      %add3A_368 = arith.constant 1 : i32
      %add3A_369 = arith.addi %mul3A_367, %add3A_368 : i32
      %dma_wait3A_370 = arith.constant 1 : i32
      %dma_wait3A_371 = arith.constant 0 : i32
      %dma_wait3A_372 = arith.constant 0 : i32
      %dma_wait3A_373 = tpu.memref_slice %arg6[%dma_wait3A_370, %dma_wait3A_371, %dma_wait3A_372] : memref<4x128x128xf32, #tpu.memory_space<vmem>> -> memref<1x128x128xf32, #tpu.memory_space<vmem>>
      %dma_wait3A_374 = tpu.memref_squeeze %dma_wait3A_373 : memref<1x128x128xf32, #tpu.memory_space<vmem>> -> memref<128x128xf32, #tpu.memory_space<vmem>>
      %dma_wait3A_375 = arith.constant 0 : i32
      %dma_wait3A_376 = arith.constant 0 : i32
      %dma_wait3A_377 = tpu.memref_slice %arg3[%dma_wait3A_375, %dma_wait3A_376] : memref<1000000x128xf32, #tpu.memory_space<hbm>> -> memref<128x128xf32, #tpu.memory_space<hbm>>
      %dma_wait3A_378 = arith.constant 0 : i32
      %dma_wait3A_379 = arith.constant 0 : i32
      %dma_wait3A_380 = tpu.memref_slice %arg6[%dma_wait3A_370, %dma_wait3A_378, %dma_wait3A_379] : memref<4x128x128xf32, #tpu.memory_space<vmem>> -> memref<1x128x128xf32, #tpu.memory_space<vmem>>
      %dma_wait3A_381 = tpu.memref_squeeze %dma_wait3A_380 : memref<1x128x128xf32, #tpu.memory_space<vmem>> -> memref<128x128xf32, #tpu.memory_space<vmem>>
      %dma_wait3A_382 = arith.constant 0 : i32
      %dma_wait3A_383 = arith.constant 0 : i32
      %dma_wait3A_384 = tpu.memref_slice %arg3[%dma_wait3A_382, %dma_wait3A_383] : memref<1000000x128xf32, #tpu.memory_space<hbm>> -> memref<128x128xf32, #tpu.memory_space<hbm>>
      tpu.wait_dma2 semaphore(%arg8 : memref<!tpu.dma_semaphore, #tpu.memory_space<semaphore_mem>>) src(%dma_wait3A_384 : memref<128x128xf32, #tpu.memory_space<hbm>>) dst(%dma_wait3A_381 : memref<128x128xf32, #tpu.memory_space<vmem>>)
      %add3A_385 = arith.constant 3 : i32
      %add3A_386 = arith.addi %add3A_369, %add3A_385 : i32
      %lt3A_387 = arith.constant 200 : i32
      %lt3A_388 = arith.cmpi slt, %add3A_386, %lt3A_387 : i32
      %convert_element_type3A_389 = arith.extui %lt3A_388 : i1 to i32
      %cond3A_390 = arith.constant 0 : i32
      %cond3A_391 = arith.cmpi ne, %convert_element_type3A_389, %cond3A_390 : i32
      scf.if %cond3A_391 {
        %add3A_531 = arith.constant 3 : i32
        %add3A_532 = arith.addi %add3A_369, %add3A_531 : i32
        %dma_start3A_533 = arith.constant 0 : i32
        %dma_start3A_534 = arith.constant 0 : i32
        %dma_start3A_535 = arith.constant 0 : i32
        %dma_start3A_536 = tpu.memref_slice %arg6[%dma_start3A_533, %dma_start3A_534, %dma_start3A_535] : memref<4x128x128xf32, #tpu.memory_space<vmem>> -> memref<1x128x128xf32, #tpu.memory_space<vmem>>
        %dma_start3A_537 = tpu.memref_squeeze %dma_start3A_536 : memref<1x128x128xf32, #tpu.memory_space<vmem>> -> memref<128x128xf32, #tpu.memory_space<vmem>>
        %dma_start3A_538 = arith.constant 0 : i32
        %dma_start3A_539 = tpu.memref_slice %arg5[%add3A_532, %dma_start3A_538] : memref<200x128xi32, #tpu.memory_space<vmem>> -> memref<1x128xi32, #tpu.memory_space<vmem>>
        %dma_start3A_540 = tpu.memref_squeeze %dma_start3A_539 : memref<1x128xi32, #tpu.memory_space<vmem>> -> memref<128xi32, #tpu.memory_space<vmem>>
        %dma_start3A_541 = arith.constant 0 : i32
        %dma_start3A_542 = arith.constant 0 : i32
        %dma_start3A_543 = tpu.memref_slice %arg3[%dma_start3A_541, %dma_start3A_542] : memref<1000000x128xf32, #tpu.memory_space<hbm>> -> memref<1000000x128xf32, #tpu.memory_space<hbm>>
        tpu.enqueue_indirect_dma source(%dma_start3A_543 : memref<1000000x128xf32, #tpu.memory_space<hbm>>) target(%dma_start3A_537 : memref<128x128xf32, #tpu.memory_space<vmem>>) offsets(%dma_start3A_540 : memref<128xi32, #tpu.memory_space<vmem>>) semaphore(%arg8 : memref<!tpu.dma_semaphore, #tpu.memory_space<semaphore_mem>>)
      } else {
      }
      %ge3A_392 = arith.constant 2 : i32
      %ge3A_393 = arith.cmpi sge, %add3A_369, %ge3A_392 : i32
      %convert_element_type3A_394 = arith.extui %ge3A_393 : i1 to i32
      %cond3A_395 = arith.constant 0 : i32
      %cond3A_396 = arith.cmpi ne, %convert_element_type3A_394, %cond3A_395 : i32
      scf.if %cond3A_396 {
        %dma_wait3A_531 = arith.constant 0 : i32
        %dma_wait3A_532 = arith.constant 0 : i32
        %dma_wait3A_533 = arith.constant 1 : i32
        %dma_wait3A_534 = arith.constant 0 : i32
        %dma_wait3A_535 = arith.constant 0 : i32
        %dma_wait3A_536 = arith.constant 0 : i32
        %dma_wait3A_537 = tpu.memref_slice %arg7[%dma_wait3A_533, %dma_wait3A_534, %dma_wait3A_535, %dma_wait3A_536] : memref<2x8x8x129xf32, #tpu.memory_space<vmem>> -> memref<1x8x8x128xf32, #tpu.memory_space<vmem>>
        %dma_wait3A_538 = tpu.memref_squeeze %dma_wait3A_537 : memref<1x8x8x128xf32, #tpu.memory_space<vmem>> -> memref<8x8x128xf32, #tpu.memory_space<vmem>>
        %dma_wait3A_539 = arith.constant 0 : i32
        %dma_wait3A_540 = arith.constant 0 : i32
        %dma_wait3A_541 = arith.constant 0 : i32
        %dma_wait3A_542 = tpu.memref_slice %arg4[%dma_wait3A_531, %dma_wait3A_539, %dma_wait3A_532, %dma_wait3A_540, %dma_wait3A_541] : memref<200x8x32x8x128xf32, #tpu.memory_space<hbm>> -> memref<1x8x1x8x128xf32, #tpu.memory_space<hbm>>
        %dma_wait3A_543 = tpu.memref_squeeze %dma_wait3A_542 : memref<1x8x1x8x128xf32, #tpu.memory_space<hbm>> -> memref<8x8x128xf32, #tpu.memory_space<hbm>>
        %dma_wait3A_544 = arith.constant 0 : i32
        %dma_wait3A_545 = arith.constant 0 : i32
        %dma_wait3A_546 = arith.constant 0 : i32
        %dma_wait3A_547 = tpu.memref_slice %arg7[%dma_wait3A_533, %dma_wait3A_544, %dma_wait3A_545, %dma_wait3A_546] : memref<2x8x8x129xf32, #tpu.memory_space<vmem>> -> memref<1x8x8x128xf32, #tpu.memory_space<vmem>>
        %dma_wait3A_548 = tpu.memref_squeeze %dma_wait3A_547 : memref<1x8x8x128xf32, #tpu.memory_space<vmem>> -> memref<8x8x128xf32, #tpu.memory_space<vmem>>
        %dma_wait3A_549 = arith.constant 0 : i32
        %dma_wait3A_550 = arith.constant 0 : i32
        %dma_wait3A_551 = arith.constant 0 : i32
        %dma_wait3A_552 = tpu.memref_slice %arg4[%dma_wait3A_531, %dma_wait3A_549, %dma_wait3A_532, %dma_wait3A_550, %dma_wait3A_551] : memref<200x8x32x8x128xf32, #tpu.memory_space<hbm>> -> memref<1x8x1x8x128xf32, #tpu.memory_space<hbm>>
        %dma_wait3A_553 = tpu.memref_squeeze %dma_wait3A_552 : memref<1x8x1x8x128xf32, #tpu.memory_space<hbm>> -> memref<8x8x128xf32, #tpu.memory_space<hbm>>
        tpu.wait_dma2 semaphore(%arg9 : memref<!tpu.dma_semaphore, #tpu.memory_space<semaphore_mem>>) src(%dma_wait3A_553 : memref<8x8x128xf32, #tpu.memory_space<hbm>>) dst(%dma_wait3A_548 : memref<8x8x128xf32, #tpu.memory_space<vmem>>)
      } else {
      }
      %parallel_loop3A_397 = arith.constant 0 : i32
      %parallel_loop3A_398 = arith.constant 128 : i32
      %parallel_loop3A_399 = arith.constant 1 : i32
      scf.for %parallel_loop3A_531 = %parallel_loop3A_397 to %parallel_loop3A_398 step %parallel_loop3A_399  : i32 {
        %parallel_loop3A_532 = vector.broadcast %parallel_loop3A_531 : i32 to vector<16xi32>
        %parallel_loop3A_533 = arith.constant 1 : i32
        %parallel_loop3A_534 = arith.index_cast %parallel_loop3A_533 : i32 to index
        %parallel_loop3A_535 = arith.index_cast %parallel_loop3A_531 : i32 to index
        %parallel_loop3A_536 = arith.constant 0 : index
        %parallel_loop3A_537 = tpu.vector_load %arg6[%parallel_loop3A_534, %parallel_loop3A_535, %parallel_loop3A_536] {strides = array<i32>} : memref<4x128x128xf32, #tpu.memory_space<vmem>>, vector<16xf32>,
        %parallel_loop3A_538 = arith.constant 1 : i32
        %parallel_loop3A_539 = arith.constant 0 : i32
        %parallel_loop3A_540 = arith.constant 0 : i32
        %parallel_loop3A_541 = arith.constant 0 : i32
        %parallel_loop3A_542 = tpu.memref_slice %arg7[%parallel_loop3A_538, %parallel_loop3A_539, %parallel_loop3A_540, %parallel_loop3A_541] : memref<2x8x8x129xf32, #tpu.memory_space<vmem>> -> memref<1x8x8x129xf32, #tpu.memory_space<vmem>>
        %parallel_loop3A_543 = tpu.memref_squeeze %parallel_loop3A_542 : memref<1x8x8x129xf32, #tpu.memory_space<vmem>> -> memref<8x8x129xf32, #tpu.memory_space<vmem>>
        tpu.vector_store_idx %parallel_loop3A_543[%select_n3A, %select_n3A_153, %parallel_loop3A_532], %parallel_loop3A_537 : memref<8x8x129xf32, #tpu.memory_space<vmem>>[vector<16xi32>, vector<16xi32>, vector<16xi32>], vector<16xf32>,
        %parallel_loop3A_544 = arith.constant 1 : i32
        %parallel_loop3A_545 = arith.index_cast %parallel_loop3A_544 : i32 to index
        %parallel_loop3A_546 = arith.index_cast %parallel_loop3A_531 : i32 to index
        %parallel_loop3A_547 = arith.constant 16 : index
        %parallel_loop3A_548 = tpu.vector_load %arg6[%parallel_loop3A_545, %parallel_loop3A_546, %parallel_loop3A_547] {strides = array<i32>} : memref<4x128x128xf32, #tpu.memory_space<vmem>>, vector<16xf32>,
        %parallel_loop3A_549 = arith.constant 1 : i32
        %parallel_loop3A_550 = arith.constant 0 : i32
        %parallel_loop3A_551 = arith.constant 0 : i32
        %parallel_loop3A_552 = arith.constant 0 : i32
        %parallel_loop3A_553 = tpu.memref_slice %arg7[%parallel_loop3A_549, %parallel_loop3A_550, %parallel_loop3A_551, %parallel_loop3A_552] : memref<2x8x8x129xf32, #tpu.memory_space<vmem>> -> memref<1x8x8x129xf32, #tpu.memory_space<vmem>>
        %parallel_loop3A_554 = tpu.memref_squeeze %parallel_loop3A_553 : memref<1x8x8x129xf32, #tpu.memory_space<vmem>> -> memref<8x8x129xf32, #tpu.memory_space<vmem>>
        tpu.vector_store_idx %parallel_loop3A_554[%select_n3A_62, %select_n3A_178, %parallel_loop3A_532], %parallel_loop3A_548 : memref<8x8x129xf32, #tpu.memory_space<vmem>>[vector<16xi32>, vector<16xi32>, vector<16xi32>], vector<16xf32>,
        %parallel_loop3A_555 = arith.constant 1 : i32
        %parallel_loop3A_556 = arith.index_cast %parallel_loop3A_555 : i32 to index
        %parallel_loop3A_557 = arith.index_cast %parallel_loop3A_531 : i32 to index
        %parallel_loop3A_558 = arith.constant 32 : index
        %parallel_loop3A_559 = tpu.vector_load %arg6[%parallel_loop3A_556, %parallel_loop3A_557, %parallel_loop3A_558] {strides = array<i32>} : memref<4x128x128xf32, #tpu.memory_space<vmem>>, vector<16xf32>,
        %parallel_loop3A_560 = arith.constant 1 : i32
        %parallel_loop3A_561 = arith.constant 0 : i32
        %parallel_loop3A_562 = arith.constant 0 : i32
        %parallel_loop3A_563 = arith.constant 0 : i32
        %parallel_loop3A_564 = tpu.memref_slice %arg7[%parallel_loop3A_560, %parallel_loop3A_561, %parallel_loop3A_562, %parallel_loop3A_563] : memref<2x8x8x129xf32, #tpu.memory_space<vmem>> -> memref<1x8x8x129xf32, #tpu.memory_space<vmem>>
        %parallel_loop3A_565 = tpu.memref_squeeze %parallel_loop3A_564 : memref<1x8x8x129xf32, #tpu.memory_space<vmem>> -> memref<8x8x129xf32, #tpu.memory_space<vmem>>
        tpu.vector_store_idx %parallel_loop3A_565[%select_n3A_96, %select_n3A_203, %parallel_loop3A_532], %parallel_loop3A_559 : memref<8x8x129xf32, #tpu.memory_space<vmem>>[vector<16xi32>, vector<16xi32>, vector<16xi32>], vector<16xf32>,
        %parallel_loop3A_566 = arith.constant 1 : i32
        %parallel_loop3A_567 = arith.index_cast %parallel_loop3A_566 : i32 to index
        %parallel_loop3A_568 = arith.index_cast %parallel_loop3A_531 : i32 to index
        %parallel_loop3A_569 = arith.constant 48 : index
        %parallel_loop3A_570 = tpu.vector_load %arg6[%parallel_loop3A_567, %parallel_loop3A_568, %parallel_loop3A_569] {strides = array<i32>} : memref<4x128x128xf32, #tpu.memory_space<vmem>>, vector<16xf32>,
        %parallel_loop3A_571 = arith.constant 1 : i32
        %parallel_loop3A_572 = arith.constant 0 : i32
        %parallel_loop3A_573 = arith.constant 0 : i32
        %parallel_loop3A_574 = arith.constant 0 : i32
        %parallel_loop3A_575 = tpu.memref_slice %arg7[%parallel_loop3A_571, %parallel_loop3A_572, %parallel_loop3A_573, %parallel_loop3A_574] : memref<2x8x8x129xf32, #tpu.memory_space<vmem>> -> memref<1x8x8x129xf32, #tpu.memory_space<vmem>>
        %parallel_loop3A_576 = tpu.memref_squeeze %parallel_loop3A_575 : memref<1x8x8x129xf32, #tpu.memory_space<vmem>> -> memref<8x8x129xf32, #tpu.memory_space<vmem>>
        tpu.vector_store_idx %parallel_loop3A_576[%select_n3A_130, %select_n3A_228, %parallel_loop3A_532], %parallel_loop3A_570 : memref<8x8x129xf32, #tpu.memory_space<vmem>>[vector<16xi32>, vector<16xi32>, vector<16xi32>], vector<16xf32>,
      } {sc.loop_unroll_factor = 16 : i64, sc.parallel_access}
      %dma_start3A_400 = arith.constant 1 : i32
      %dma_start3A_401 = arith.constant 0 : i32
      %dma_start3A_402 = arith.constant 0 : i32
      %dma_start3A_403 = arith.constant 0 : i32
      %dma_start3A_404 = tpu.memref_slice %arg7[%dma_start3A_400, %dma_start3A_401, %dma_start3A_402, %dma_start3A_403] : memref<2x8x8x129xf32, #tpu.memory_space<vmem>> -> memref<1x8x8x128xf32, #tpu.memory_space<vmem>>
      %dma_start3A_405 = tpu.memref_squeeze %dma_start3A_404 : memref<1x8x8x128xf32, #tpu.memory_space<vmem>> -> memref<8x8x128xf32, #tpu.memory_space<vmem>>
      %dma_start3A_406 = arith.constant 0 : i32
      %dma_start3A_407 = arith.constant 0 : i32
      %dma_start3A_408 = arith.constant 0 : i32
      %dma_start3A_409 = tpu.memref_slice %arg4[%add3A_369, %dma_start3A_406, %add3A, %dma_start3A_407, %dma_start3A_408] : memref<200x8x32x8x128xf32, #tpu.memory_space<hbm>> -> memref<1x8x1x8x128xf32, #tpu.memory_space<hbm>>
      %dma_start3A_410 = tpu.memref_squeeze %dma_start3A_409 : memref<1x8x1x8x128xf32, #tpu.memory_space<hbm>> -> memref<8x8x128xf32, #tpu.memory_space<hbm>>
      %dma_start3A_411 = arith.constant 0 : i32
      %dma_start3A_412 = arith.constant 0 : i32
      %dma_start3A_413 = arith.constant 0 : i32
      %dma_start3A_414 = tpu.memref_slice %arg4[%add3A_369, %dma_start3A_411, %add3A, %dma_start3A_412, %dma_start3A_413] : memref<200x8x32x8x128xf32, #tpu.memory_space<hbm>> -> memref<1x8x1x8x128xf32, #tpu.memory_space<hbm>>
      %dma_start3A_415 = tpu.memref_squeeze %dma_start3A_414 : memref<1x8x1x8x128xf32, #tpu.memory_space<hbm>> -> memref<8x8x128xf32, #tpu.memory_space<hbm>>
      %dma_start3A_416 = arith.constant 0 : i32
      %dma_start3A_417 = arith.constant 0 : i32
      %dma_start3A_418 = arith.constant 0 : i32
      %dma_start3A_419 = tpu.memref_slice %arg7[%dma_start3A_400, %dma_start3A_416, %dma_start3A_417, %dma_start3A_418] : memref<2x8x8x129xf32, #tpu.memory_space<vmem>> -> memref<1x8x8x128xf32, #tpu.memory_space<vmem>>
      %dma_start3A_420 = tpu.memref_squeeze %dma_start3A_419 : memref<1x8x8x128xf32, #tpu.memory_space<vmem>> -> memref<8x8x128xf32, #tpu.memory_space<vmem>>
      tpu.enqueue_dma source(%dma_start3A_420 : memref<8x8x128xf32, #tpu.memory_space<vmem>>) target(%dma_start3A_415 : memref<8x8x128xf32, #tpu.memory_space<hbm>>) target_semaphore(%arg9 : memref<!tpu.dma_semaphore, #tpu.memory_space<semaphore_mem>>)
      %mul3A_421 = arith.constant 4 : i32
      %mul3A_422 = arith.muli %scan3A_314, %mul3A_421 : i32
      %add3A_423 = arith.constant 2 : i32
      %add3A_424 = arith.addi %mul3A_422, %add3A_423 : i32
      %dma_wait3A_425 = arith.constant 2 : i32
      %dma_wait3A_426 = arith.constant 0 : i32
      %dma_wait3A_427 = arith.constant 0 : i32
      %dma_wait3A_428 = tpu.memref_slice %arg6[%dma_wait3A_425, %dma_wait3A_426, %dma_wait3A_427] : memref<4x128x128xf32, #tpu.memory_space<vmem>> -> memref<1x128x128xf32, #tpu.memory_space<vmem>>
      %dma_wait3A_429 = tpu.memref_squeeze %dma_wait3A_428 : memref<1x128x128xf32, #tpu.memory_space<vmem>> -> memref<128x128xf32, #tpu.memory_space<vmem>>
      %dma_wait3A_430 = arith.constant 0 : i32
      %dma_wait3A_431 = arith.constant 0 : i32
      %dma_wait3A_432 = tpu.memref_slice %arg3[%dma_wait3A_430, %dma_wait3A_431] : memref<1000000x128xf32, #tpu.memory_space<hbm>> -> memref<128x128xf32, #tpu.memory_space<hbm>>
      %dma_wait3A_433 = arith.constant 0 : i32
      %dma_wait3A_434 = arith.constant 0 : i32
      %dma_wait3A_435 = tpu.memref_slice %arg6[%dma_wait3A_425, %dma_wait3A_433, %dma_wait3A_434] : memref<4x128x128xf32, #tpu.memory_space<vmem>> -> memref<1x128x128xf32, #tpu.memory_space<vmem>>
      %dma_wait3A_436 = tpu.memref_squeeze %dma_wait3A_435 : memref<1x128x128xf32, #tpu.memory_space<vmem>> -> memref<128x128xf32, #tpu.memory_space<vmem>>
      %dma_wait3A_437 = arith.constant 0 : i32
      %dma_wait3A_438 = arith.constant 0 : i32
      %dma_wait3A_439 = tpu.memref_slice %arg3[%dma_wait3A_437, %dma_wait3A_438] : memref<1000000x128xf32, #tpu.memory_space<hbm>> -> memref<128x128xf32, #tpu.memory_space<hbm>>
      tpu.wait_dma2 semaphore(%arg8 : memref<!tpu.dma_semaphore, #tpu.memory_space<semaphore_mem>>) src(%dma_wait3A_439 : memref<128x128xf32, #tpu.memory_space<hbm>>) dst(%dma_wait3A_436 : memref<128x128xf32, #tpu.memory_space<vmem>>)
      %add3A_440 = arith.constant 3 : i32
      %add3A_441 = arith.addi %add3A_424, %add3A_440 : i32
      %lt3A_442 = arith.constant 200 : i32
      %lt3A_443 = arith.cmpi slt, %add3A_441, %lt3A_442 : i32
      %convert_element_type3A_444 = arith.extui %lt3A_443 : i1 to i32
      %cond3A_445 = arith.constant 0 : i32
      %cond3A_446 = arith.cmpi ne, %convert_element_type3A_444, %cond3A_445 : i32
      scf.if %cond3A_446 {
        %add3A_531 = arith.constant 3 : i32
        %add3A_532 = arith.addi %add3A_424, %add3A_531 : i32
        %dma_start3A_533 = arith.constant 1 : i32
        %dma_start3A_534 = arith.constant 0 : i32
        %dma_start3A_535 = arith.constant 0 : i32
        %dma_start3A_536 = tpu.memref_slice %arg6[%dma_start3A_533, %dma_start3A_534, %dma_start3A_535] : memref<4x128x128xf32, #tpu.memory_space<vmem>> -> memref<1x128x128xf32, #tpu.memory_space<vmem>>
        %dma_start3A_537 = tpu.memref_squeeze %dma_start3A_536 : memref<1x128x128xf32, #tpu.memory_space<vmem>> -> memref<128x128xf32, #tpu.memory_space<vmem>>
        %dma_start3A_538 = arith.constant 0 : i32
        %dma_start3A_539 = tpu.memref_slice %arg5[%add3A_532, %dma_start3A_538] : memref<200x128xi32, #tpu.memory_space<vmem>> -> memref<1x128xi32, #tpu.memory_space<vmem>>
        %dma_start3A_540 = tpu.memref_squeeze %dma_start3A_539 : memref<1x128xi32, #tpu.memory_space<vmem>> -> memref<128xi32, #tpu.memory_space<vmem>>
        %dma_start3A_541 = arith.constant 0 : i32
        %dma_start3A_542 = arith.constant 0 : i32
        %dma_start3A_543 = tpu.memref_slice %arg3[%dma_start3A_541, %dma_start3A_542] : memref<1000000x128xf32, #tpu.memory_space<hbm>> -> memref<1000000x128xf32, #tpu.memory_space<hbm>>
        tpu.enqueue_indirect_dma source(%dma_start3A_543 : memref<1000000x128xf32, #tpu.memory_space<hbm>>) target(%dma_start3A_537 : memref<128x128xf32, #tpu.memory_space<vmem>>) offsets(%dma_start3A_540 : memref<128xi32, #tpu.memory_space<vmem>>) semaphore(%arg8 : memref<!tpu.dma_semaphore, #tpu.memory_space<semaphore_mem>>)
      } else {
      }
      %ge3A_447 = arith.constant 2 : i32
      %ge3A_448 = arith.cmpi sge, %add3A_424, %ge3A_447 : i32
      %convert_element_type3A_449 = arith.extui %ge3A_448 : i1 to i32
      %cond3A_450 = arith.constant 0 : i32
      %cond3A_451 = arith.cmpi ne, %convert_element_type3A_449, %cond3A_450 : i32
      scf.if %cond3A_451 {
        %dma_wait3A_531 = arith.constant 0 : i32
        %dma_wait3A_532 = arith.constant 0 : i32
        %dma_wait3A_533 = arith.constant 0 : i32
        %dma_wait3A_534 = arith.constant 0 : i32
        %dma_wait3A_535 = arith.constant 0 : i32
        %dma_wait3A_536 = arith.constant 0 : i32
        %dma_wait3A_537 = tpu.memref_slice %arg7[%dma_wait3A_533, %dma_wait3A_534, %dma_wait3A_535, %dma_wait3A_536] : memref<2x8x8x129xf32, #tpu.memory_space<vmem>> -> memref<1x8x8x128xf32, #tpu.memory_space<vmem>>
        %dma_wait3A_538 = tpu.memref_squeeze %dma_wait3A_537 : memref<1x8x8x128xf32, #tpu.memory_space<vmem>> -> memref<8x8x128xf32, #tpu.memory_space<vmem>>
        %dma_wait3A_539 = arith.constant 0 : i32
        %dma_wait3A_540 = arith.constant 0 : i32
        %dma_wait3A_541 = arith.constant 0 : i32
        %dma_wait3A_542 = tpu.memref_slice %arg4[%dma_wait3A_531, %dma_wait3A_539, %dma_wait3A_532, %dma_wait3A_540, %dma_wait3A_541] : memref<200x8x32x8x128xf32, #tpu.memory_space<hbm>> -> memref<1x8x1x8x128xf32, #tpu.memory_space<hbm>>
        %dma_wait3A_543 = tpu.memref_squeeze %dma_wait3A_542 : memref<1x8x1x8x128xf32, #tpu.memory_space<hbm>> -> memref<8x8x128xf32, #tpu.memory_space<hbm>>
        %dma_wait3A_544 = arith.constant 0 : i32
        %dma_wait3A_545 = arith.constant 0 : i32
        %dma_wait3A_546 = arith.constant 0 : i32
        %dma_wait3A_547 = tpu.memref_slice %arg7[%dma_wait3A_533, %dma_wait3A_544, %dma_wait3A_545, %dma_wait3A_546] : memref<2x8x8x129xf32, #tpu.memory_space<vmem>> -> memref<1x8x8x128xf32, #tpu.memory_space<vmem>>
        %dma_wait3A_548 = tpu.memref_squeeze %dma_wait3A_547 : memref<1x8x8x128xf32, #tpu.memory_space<vmem>> -> memref<8x8x128xf32, #tpu.memory_space<vmem>>
        %dma_wait3A_549 = arith.constant 0 : i32
        %dma_wait3A_550 = arith.constant 0 : i32
        %dma_wait3A_551 = arith.constant 0 : i32
        %dma_wait3A_552 = tpu.memref_slice %arg4[%dma_wait3A_531, %dma_wait3A_549, %dma_wait3A_532, %dma_wait3A_550, %dma_wait3A_551] : memref<200x8x32x8x128xf32, #tpu.memory_space<hbm>> -> memref<1x8x1x8x128xf32, #tpu.memory_space<hbm>>
        %dma_wait3A_553 = tpu.memref_squeeze %dma_wait3A_552 : memref<1x8x1x8x128xf32, #tpu.memory_space<hbm>> -> memref<8x8x128xf32, #tpu.memory_space<hbm>>
        tpu.wait_dma2 semaphore(%arg9 : memref<!tpu.dma_semaphore, #tpu.memory_space<semaphore_mem>>) src(%dma_wait3A_553 : memref<8x8x128xf32, #tpu.memory_space<hbm>>) dst(%dma_wait3A_548 : memref<8x8x128xf32, #tpu.memory_space<vmem>>)
      } else {
      }
      %parallel_loop3A_452 = arith.constant 0 : i32
      %parallel_loop3A_453 = arith.constant 128 : i32
      %parallel_loop3A_454 = arith.constant 1 : i32
      scf.for %parallel_loop3A_531 = %parallel_loop3A_452 to %parallel_loop3A_453 step %parallel_loop3A_454  : i32 {
        %parallel_loop3A_532 = vector.broadcast %parallel_loop3A_531 : i32 to vector<16xi32>
        %parallel_loop3A_533 = arith.constant 2 : i32
        %parallel_loop3A_534 = arith.index_cast %parallel_loop3A_533 : i32 to index
        %parallel_loop3A_535 = arith.index_cast %parallel_loop3A_531 : i32 to index
        %parallel_loop3A_536 = arith.constant 0 : index
        %parallel_loop3A_537 = tpu.vector_load %arg6[%parallel_loop3A_534, %parallel_loop3A_535, %parallel_loop3A_536] {strides = array<i32>} : memref<4x128x128xf32, #tpu.memory_space<vmem>>, vector<16xf32>,
        %parallel_loop3A_538 = arith.constant 0 : i32
        %parallel_loop3A_539 = arith.constant 0 : i32
        %parallel_loop3A_540 = arith.constant 0 : i32
        %parallel_loop3A_541 = arith.constant 0 : i32
        %parallel_loop3A_542 = tpu.memref_slice %arg7[%parallel_loop3A_538, %parallel_loop3A_539, %parallel_loop3A_540, %parallel_loop3A_541] : memref<2x8x8x129xf32, #tpu.memory_space<vmem>> -> memref<1x8x8x129xf32, #tpu.memory_space<vmem>>
        %parallel_loop3A_543 = tpu.memref_squeeze %parallel_loop3A_542 : memref<1x8x8x129xf32, #tpu.memory_space<vmem>> -> memref<8x8x129xf32, #tpu.memory_space<vmem>>
        tpu.vector_store_idx %parallel_loop3A_543[%select_n3A, %select_n3A_153, %parallel_loop3A_532], %parallel_loop3A_537 : memref<8x8x129xf32, #tpu.memory_space<vmem>>[vector<16xi32>, vector<16xi32>, vector<16xi32>], vector<16xf32>,
        %parallel_loop3A_544 = arith.constant 2 : i32
        %parallel_loop3A_545 = arith.index_cast %parallel_loop3A_544 : i32 to index
        %parallel_loop3A_546 = arith.index_cast %parallel_loop3A_531 : i32 to index
        %parallel_loop3A_547 = arith.constant 16 : index
        %parallel_loop3A_548 = tpu.vector_load %arg6[%parallel_loop3A_545, %parallel_loop3A_546, %parallel_loop3A_547] {strides = array<i32>} : memref<4x128x128xf32, #tpu.memory_space<vmem>>, vector<16xf32>,
        %parallel_loop3A_549 = arith.constant 0 : i32
        %parallel_loop3A_550 = arith.constant 0 : i32
        %parallel_loop3A_551 = arith.constant 0 : i32
        %parallel_loop3A_552 = arith.constant 0 : i32
        %parallel_loop3A_553 = tpu.memref_slice %arg7[%parallel_loop3A_549, %parallel_loop3A_550, %parallel_loop3A_551, %parallel_loop3A_552] : memref<2x8x8x129xf32, #tpu.memory_space<vmem>> -> memref<1x8x8x129xf32, #tpu.memory_space<vmem>>
        %parallel_loop3A_554 = tpu.memref_squeeze %parallel_loop3A_553 : memref<1x8x8x129xf32, #tpu.memory_space<vmem>> -> memref<8x8x129xf32, #tpu.memory_space<vmem>>
        tpu.vector_store_idx %parallel_loop3A_554[%select_n3A_62, %select_n3A_178, %parallel_loop3A_532], %parallel_loop3A_548 : memref<8x8x129xf32, #tpu.memory_space<vmem>>[vector<16xi32>, vector<16xi32>, vector<16xi32>], vector<16xf32>,
        %parallel_loop3A_555 = arith.constant 2 : i32
        %parallel_loop3A_556 = arith.index_cast %parallel_loop3A_555 : i32 to index
        %parallel_loop3A_557 = arith.index_cast %parallel_loop3A_531 : i32 to index
        %parallel_loop3A_558 = arith.constant 32 : index
        %parallel_loop3A_559 = tpu.vector_load %arg6[%parallel_loop3A_556, %parallel_loop3A_557, %parallel_loop3A_558] {strides = array<i32>} : memref<4x128x128xf32, #tpu.memory_space<vmem>>, vector<16xf32>,
        %parallel_loop3A_560 = arith.constant 0 : i32
        %parallel_loop3A_561 = arith.constant 0 : i32
        %parallel_loop3A_562 = arith.constant 0 : i32
        %parallel_loop3A_563 = arith.constant 0 : i32
        %parallel_loop3A_564 = tpu.memref_slice %arg7[%parallel_loop3A_560, %parallel_loop3A_561, %parallel_loop3A_562, %parallel_loop3A_563] : memref<2x8x8x129xf32, #tpu.memory_space<vmem>> -> memref<1x8x8x129xf32, #tpu.memory_space<vmem>>
        %parallel_loop3A_565 = tpu.memref_squeeze %parallel_loop3A_564 : memref<1x8x8x129xf32, #tpu.memory_space<vmem>> -> memref<8x8x129xf32, #tpu.memory_space<vmem>>
        tpu.vector_store_idx %parallel_loop3A_565[%select_n3A_96, %select_n3A_203, %parallel_loop3A_532], %parallel_loop3A_559 : memref<8x8x129xf32, #tpu.memory_space<vmem>>[vector<16xi32>, vector<16xi32>, vector<16xi32>], vector<16xf32>,
        %parallel_loop3A_566 = arith.constant 2 : i32
        %parallel_loop3A_567 = arith.index_cast %parallel_loop3A_566 : i32 to index
        %parallel_loop3A_568 = arith.index_cast %parallel_loop3A_531 : i32 to index
        %parallel_loop3A_569 = arith.constant 48 : index
        %parallel_loop3A_570 = tpu.vector_load %arg6[%parallel_loop3A_567, %parallel_loop3A_568, %parallel_loop3A_569] {strides = array<i32>} : memref<4x128x128xf32, #tpu.memory_space<vmem>>, vector<16xf32>,
        %parallel_loop3A_571 = arith.constant 0 : i32
        %parallel_loop3A_572 = arith.constant 0 : i32
        %parallel_loop3A_573 = arith.constant 0 : i32
        %parallel_loop3A_574 = arith.constant 0 : i32
        %parallel_loop3A_575 = tpu.memref_slice %arg7[%parallel_loop3A_571, %parallel_loop3A_572, %parallel_loop3A_573, %parallel_loop3A_574] : memref<2x8x8x129xf32, #tpu.memory_space<vmem>> -> memref<1x8x8x129xf32, #tpu.memory_space<vmem>>
        %parallel_loop3A_576 = tpu.memref_squeeze %parallel_loop3A_575 : memref<1x8x8x129xf32, #tpu.memory_space<vmem>> -> memref<8x8x129xf32, #tpu.memory_space<vmem>>
        tpu.vector_store_idx %parallel_loop3A_576[%select_n3A_130, %select_n3A_228, %parallel_loop3A_532], %parallel_loop3A_570 : memref<8x8x129xf32, #tpu.memory_space<vmem>>[vector<16xi32>, vector<16xi32>, vector<16xi32>], vector<16xf32>,
      } {sc.loop_unroll_factor = 16 : i64, sc.parallel_access}
      %dma_start3A_455 = arith.constant 0 : i32
      %dma_start3A_456 = arith.constant 0 : i32
      %dma_start3A_457 = arith.constant 0 : i32
      %dma_start3A_458 = arith.constant 0 : i32
      %dma_start3A_459 = tpu.memref_slice %arg7[%dma_start3A_455, %dma_start3A_456, %dma_start3A_457, %dma_start3A_458] : memref<2x8x8x129xf32, #tpu.memory_space<vmem>> -> memref<1x8x8x128xf32, #tpu.memory_space<vmem>>
      %dma_start3A_460 = tpu.memref_squeeze %dma_start3A_459 : memref<1x8x8x128xf32, #tpu.memory_space<vmem>> -> memref<8x8x128xf32, #tpu.memory_space<vmem>>
      %dma_start3A_461 = arith.constant 0 : i32
      %dma_start3A_462 = arith.constant 0 : i32
      %dma_start3A_463 = arith.constant 0 : i32
      %dma_start3A_464 = tpu.memref_slice %arg4[%add3A_424, %dma_start3A_461, %add3A, %dma_start3A_462, %dma_start3A_463] : memref<200x8x32x8x128xf32, #tpu.memory_space<hbm>> -> memref<1x8x1x8x128xf32, #tpu.memory_space<hbm>>
      %dma_start3A_465 = tpu.memref_squeeze %dma_start3A_464 : memref<1x8x1x8x128xf32, #tpu.memory_space<hbm>> -> memref<8x8x128xf32, #tpu.memory_space<hbm>>
      %dma_start3A_466 = arith.constant 0 : i32
      %dma_start3A_467 = arith.constant 0 : i32
      %dma_start3A_468 = arith.constant 0 : i32
      %dma_start3A_469 = tpu.memref_slice %arg4[%add3A_424, %dma_start3A_466, %add3A, %dma_start3A_467, %dma_start3A_468] : memref<200x8x32x8x128xf32, #tpu.memory_space<hbm>> -> memref<1x8x1x8x128xf32, #tpu.memory_space<hbm>>
      %dma_start3A_470 = tpu.memref_squeeze %dma_start3A_469 : memref<1x8x1x8x128xf32, #tpu.memory_space<hbm>> -> memref<8x8x128xf32, #tpu.memory_space<hbm>>
      %dma_start3A_471 = arith.constant 0 : i32
      %dma_start3A_472 = arith.constant 0 : i32
      %dma_start3A_473 = arith.constant 0 : i32
      %dma_start3A_474 = tpu.memref_slice %arg7[%dma_start3A_455, %dma_start3A_471, %dma_start3A_472, %dma_start3A_473] : memref<2x8x8x129xf32, #tpu.memory_space<vmem>> -> memref<1x8x8x128xf32, #tpu.memory_space<vmem>>
      %dma_start3A_475 = tpu.memref_squeeze %dma_start3A_474 : memref<1x8x8x128xf32, #tpu.memory_space<vmem>> -> memref<8x8x128xf32, #tpu.memory_space<vmem>>
      tpu.enqueue_dma source(%dma_start3A_475 : memref<8x8x128xf32, #tpu.memory_space<vmem>>) target(%dma_start3A_470 : memref<8x8x128xf32, #tpu.memory_space<hbm>>) target_semaphore(%arg9 : memref<!tpu.dma_semaphore, #tpu.memory_space<semaphore_mem>>)
      %mul3A_476 = arith.constant 4 : i32
      %mul3A_477 = arith.muli %scan3A_314, %mul3A_476 : i32
      %add3A_478 = arith.constant 3 : i32
      %add3A_479 = arith.addi %mul3A_477, %add3A_478 : i32
      %dma_wait3A_480 = arith.constant 3 : i32
      %dma_wait3A_481 = arith.constant 0 : i32
      %dma_wait3A_482 = arith.constant 0 : i32
      %dma_wait3A_483 = tpu.memref_slice %arg6[%dma_wait3A_480, %dma_wait3A_481, %dma_wait3A_482] : memref<4x128x128xf32, #tpu.memory_space<vmem>> -> memref<1x128x128xf32, #tpu.memory_space<vmem>>
      %dma_wait3A_484 = tpu.memref_squeeze %dma_wait3A_483 : memref<1x128x128xf32, #tpu.memory_space<vmem>> -> memref<128x128xf32, #tpu.memory_space<vmem>>
      %dma_wait3A_485 = arith.constant 0 : i32
      %dma_wait3A_486 = arith.constant 0 : i32
      %dma_wait3A_487 = tpu.memref_slice %arg3[%dma_wait3A_485, %dma_wait3A_486] : memref<1000000x128xf32, #tpu.memory_space<hbm>> -> memref<128x128xf32, #tpu.memory_space<hbm>>
      %dma_wait3A_488 = arith.constant 0 : i32
      %dma_wait3A_489 = arith.constant 0 : i32
      %dma_wait3A_490 = tpu.memref_slice %arg6[%dma_wait3A_480, %dma_wait3A_488, %dma_wait3A_489] : memref<4x128x128xf32, #tpu.memory_space<vmem>> -> memref<1x128x128xf32, #tpu.memory_space<vmem>>
      %dma_wait3A_491 = tpu.memref_squeeze %dma_wait3A_490 : memref<1x128x128xf32, #tpu.memory_space<vmem>> -> memref<128x128xf32, #tpu.memory_space<vmem>>
      %dma_wait3A_492 = arith.constant 0 : i32
      %dma_wait3A_493 = arith.constant 0 : i32
      %dma_wait3A_494 = tpu.memref_slice %arg3[%dma_wait3A_492, %dma_wait3A_493] : memref<1000000x128xf32, #tpu.memory_space<hbm>> -> memref<128x128xf32, #tpu.memory_space<hbm>>
      tpu.wait_dma2 semaphore(%arg8 : memref<!tpu.dma_semaphore, #tpu.memory_space<semaphore_mem>>) src(%dma_wait3A_494 : memref<128x128xf32, #tpu.memory_space<hbm>>) dst(%dma_wait3A_491 : memref<128x128xf32, #tpu.memory_space<vmem>>)
      %add3A_495 = arith.constant 3 : i32
      %add3A_496 = arith.addi %add3A_479, %add3A_495 : i32
      %lt3A_497 = arith.constant 200 : i32
      %lt3A_498 = arith.cmpi slt, %add3A_496, %lt3A_497 : i32
      %convert_element_type3A_499 = arith.extui %lt3A_498 : i1 to i32
      %cond3A_500 = arith.constant 0 : i32
      %cond3A_501 = arith.cmpi ne, %convert_element_type3A_499, %cond3A_500 : i32
      scf.if %cond3A_501 {
        %add3A_531 = arith.constant 3 : i32
        %add3A_532 = arith.addi %add3A_479, %add3A_531 : i32
        %dma_start3A_533 = arith.constant 2 : i32
        %dma_start3A_534 = arith.constant 0 : i32
        %dma_start3A_535 = arith.constant 0 : i32
        %dma_start3A_536 = tpu.memref_slice %arg6[%dma_start3A_533, %dma_start3A_534, %dma_start3A_535] : memref<4x128x128xf32, #tpu.memory_space<vmem>> -> memref<1x128x128xf32, #tpu.memory_space<vmem>>
        %dma_start3A_537 = tpu.memref_squeeze %dma_start3A_536 : memref<1x128x128xf32, #tpu.memory_space<vmem>> -> memref<128x128xf32, #tpu.memory_space<vmem>>
        %dma_start3A_538 = arith.constant 0 : i32
        %dma_start3A_539 = tpu.memref_slice %arg5[%add3A_532, %dma_start3A_538] : memref<200x128xi32, #tpu.memory_space<vmem>> -> memref<1x128xi32, #tpu.memory_space<vmem>>
        %dma_start3A_540 = tpu.memref_squeeze %dma_start3A_539 : memref<1x128xi32, #tpu.memory_space<vmem>> -> memref<128xi32, #tpu.memory_space<vmem>>
        %dma_start3A_541 = arith.constant 0 : i32
        %dma_start3A_542 = arith.constant 0 : i32
        %dma_start3A_543 = tpu.memref_slice %arg3[%dma_start3A_541, %dma_start3A_542] : memref<1000000x128xf32, #tpu.memory_space<hbm>> -> memref<1000000x128xf32, #tpu.memory_space<hbm>>
        tpu.enqueue_indirect_dma source(%dma_start3A_543 : memref<1000000x128xf32, #tpu.memory_space<hbm>>) target(%dma_start3A_537 : memref<128x128xf32, #tpu.memory_space<vmem>>) offsets(%dma_start3A_540 : memref<128xi32, #tpu.memory_space<vmem>>) semaphore(%arg8 : memref<!tpu.dma_semaphore, #tpu.memory_space<semaphore_mem>>)
      } else {
      }
      %ge3A_502 = arith.constant 2 : i32
      %ge3A_503 = arith.cmpi sge, %add3A_479, %ge3A_502 : i32
      %convert_element_type3A_504 = arith.extui %ge3A_503 : i1 to i32
      %cond3A_505 = arith.constant 0 : i32
      %cond3A_506 = arith.cmpi ne, %convert_element_type3A_504, %cond3A_505 : i32
      scf.if %cond3A_506 {
        %dma_wait3A_531 = arith.constant 0 : i32
        %dma_wait3A_532 = arith.constant 0 : i32
        %dma_wait3A_533 = arith.constant 1 : i32
        %dma_wait3A_534 = arith.constant 0 : i32
        %dma_wait3A_535 = arith.constant 0 : i32
        %dma_wait3A_536 = arith.constant 0 : i32
        %dma_wait3A_537 = tpu.memref_slice %arg7[%dma_wait3A_533, %dma_wait3A_534, %dma_wait3A_535, %dma_wait3A_536] : memref<2x8x8x129xf32, #tpu.memory_space<vmem>> -> memref<1x8x8x128xf32, #tpu.memory_space<vmem>>
        %dma_wait3A_538 = tpu.memref_squeeze %dma_wait3A_537 : memref<1x8x8x128xf32, #tpu.memory_space<vmem>> -> memref<8x8x128xf32, #tpu.memory_space<vmem>>
        %dma_wait3A_539 = arith.constant 0 : i32
        %dma_wait3A_540 = arith.constant 0 : i32
        %dma_wait3A_541 = arith.constant 0 : i32
        %dma_wait3A_542 = tpu.memref_slice %arg4[%dma_wait3A_531, %dma_wait3A_539, %dma_wait3A_532, %dma_wait3A_540, %dma_wait3A_541] : memref<200x8x32x8x128xf32, #tpu.memory_space<hbm>> -> memref<1x8x1x8x128xf32, #tpu.memory_space<hbm>>
        %dma_wait3A_543 = tpu.memref_squeeze %dma_wait3A_542 : memref<1x8x1x8x128xf32, #tpu.memory_space<hbm>> -> memref<8x8x128xf32, #tpu.memory_space<hbm>>
        %dma_wait3A_544 = arith.constant 0 : i32
        %dma_wait3A_545 = arith.constant 0 : i32
        %dma_wait3A_546 = arith.constant 0 : i32
        %dma_wait3A_547 = tpu.memref_slice %arg7[%dma_wait3A_533, %dma_wait3A_544, %dma_wait3A_545, %dma_wait3A_546] : memref<2x8x8x129xf32, #tpu.memory_space<vmem>> -> memref<1x8x8x128xf32, #tpu.memory_space<vmem>>
        %dma_wait3A_548 = tpu.memref_squeeze %dma_wait3A_547 : memref<1x8x8x128xf32, #tpu.memory_space<vmem>> -> memref<8x8x128xf32, #tpu.memory_space<vmem>>
        %dma_wait3A_549 = arith.constant 0 : i32
        %dma_wait3A_550 = arith.constant 0 : i32
        %dma_wait3A_551 = arith.constant 0 : i32
        %dma_wait3A_552 = tpu.memref_slice %arg4[%dma_wait3A_531, %dma_wait3A_549, %dma_wait3A_532, %dma_wait3A_550, %dma_wait3A_551] : memref<200x8x32x8x128xf32, #tpu.memory_space<hbm>> -> memref<1x8x1x8x128xf32, #tpu.memory_space<hbm>>
        %dma_wait3A_553 = tpu.memref_squeeze %dma_wait3A_552 : memref<1x8x1x8x128xf32, #tpu.memory_space<hbm>> -> memref<8x8x128xf32, #tpu.memory_space<hbm>>
        tpu.wait_dma2 semaphore(%arg9 : memref<!tpu.dma_semaphore, #tpu.memory_space<semaphore_mem>>) src(%dma_wait3A_553 : memref<8x8x128xf32, #tpu.memory_space<hbm>>) dst(%dma_wait3A_548 : memref<8x8x128xf32, #tpu.memory_space<vmem>>)
      } else {
      }
      %parallel_loop3A_507 = arith.constant 0 : i32
      %parallel_loop3A_508 = arith.constant 128 : i32
      %parallel_loop3A_509 = arith.constant 1 : i32
      scf.for %parallel_loop3A_531 = %parallel_loop3A_507 to %parallel_loop3A_508 step %parallel_loop3A_509  : i32 {
        %parallel_loop3A_532 = vector.broadcast %parallel_loop3A_531 : i32 to vector<16xi32>
        %parallel_loop3A_533 = arith.constant 3 : i32
        %parallel_loop3A_534 = arith.index_cast %parallel_loop3A_533 : i32 to index
        %parallel_loop3A_535 = arith.index_cast %parallel_loop3A_531 : i32 to index
        %parallel_loop3A_536 = arith.constant 0 : index
        %parallel_loop3A_537 = tpu.vector_load %arg6[%parallel_loop3A_534, %parallel_loop3A_535, %parallel_loop3A_536] {strides = array<i32>} : memref<4x128x128xf32, #tpu.memory_space<vmem>>, vector<16xf32>,
        %parallel_loop3A_538 = arith.constant 1 : i32
        %parallel_loop3A_539 = arith.constant 0 : i32
        %parallel_loop3A_540 = arith.constant 0 : i32
        %parallel_loop3A_541 = arith.constant 0 : i32
        %parallel_loop3A_542 = tpu.memref_slice %arg7[%parallel_loop3A_538, %parallel_loop3A_539, %parallel_loop3A_540, %parallel_loop3A_541] : memref<2x8x8x129xf32, #tpu.memory_space<vmem>> -> memref<1x8x8x129xf32, #tpu.memory_space<vmem>>
        %parallel_loop3A_543 = tpu.memref_squeeze %parallel_loop3A_542 : memref<1x8x8x129xf32, #tpu.memory_space<vmem>> -> memref<8x8x129xf32, #tpu.memory_space<vmem>>
        tpu.vector_store_idx %parallel_loop3A_543[%select_n3A, %select_n3A_153, %parallel_loop3A_532], %parallel_loop3A_537 : memref<8x8x129xf32, #tpu.memory_space<vmem>>[vector<16xi32>, vector<16xi32>, vector<16xi32>], vector<16xf32>,
        %parallel_loop3A_544 = arith.constant 3 : i32
        %parallel_loop3A_545 = arith.index_cast %parallel_loop3A_544 : i32 to index
        %parallel_loop3A_546 = arith.index_cast %parallel_loop3A_531 : i32 to index
        %parallel_loop3A_547 = arith.constant 16 : index
        %parallel_loop3A_548 = tpu.vector_load %arg6[%parallel_loop3A_545, %parallel_loop3A_546, %parallel_loop3A_547] {strides = array<i32>} : memref<4x128x128xf32, #tpu.memory_space<vmem>>, vector<16xf32>,
        %parallel_loop3A_549 = arith.constant 1 : i32
        %parallel_loop3A_550 = arith.constant 0 : i32
        %parallel_loop3A_551 = arith.constant 0 : i32
        %parallel_loop3A_552 = arith.constant 0 : i32
        %parallel_loop3A_553 = tpu.memref_slice %arg7[%parallel_loop3A_549, %parallel_loop3A_550, %parallel_loop3A_551, %parallel_loop3A_552] : memref<2x8x8x129xf32, #tpu.memory_space<vmem>> -> memref<1x8x8x129xf32, #tpu.memory_space<vmem>>
        %parallel_loop3A_554 = tpu.memref_squeeze %parallel_loop3A_553 : memref<1x8x8x129xf32, #tpu.memory_space<vmem>> -> memref<8x8x129xf32, #tpu.memory_space<vmem>>
        tpu.vector_store_idx %parallel_loop3A_554[%select_n3A_62, %select_n3A_178, %parallel_loop3A_532], %parallel_loop3A_548 : memref<8x8x129xf32, #tpu.memory_space<vmem>>[vector<16xi32>, vector<16xi32>, vector<16xi32>], vector<16xf32>,
        %parallel_loop3A_555 = arith.constant 3 : i32
        %parallel_loop3A_556 = arith.index_cast %parallel_loop3A_555 : i32 to index
        %parallel_loop3A_557 = arith.index_cast %parallel_loop3A_531 : i32 to index
        %parallel_loop3A_558 = arith.constant 32 : index
        %parallel_loop3A_559 = tpu.vector_load %arg6[%parallel_loop3A_556, %parallel_loop3A_557, %parallel_loop3A_558] {strides = array<i32>} : memref<4x128x128xf32, #tpu.memory_space<vmem>>, vector<16xf32>,
        %parallel_loop3A_560 = arith.constant 1 : i32
        %parallel_loop3A_561 = arith.constant 0 : i32
        %parallel_loop3A_562 = arith.constant 0 : i32
        %parallel_loop3A_563 = arith.constant 0 : i32
        %parallel_loop3A_564 = tpu.memref_slice %arg7[%parallel_loop3A_560, %parallel_loop3A_561, %parallel_loop3A_562, %parallel_loop3A_563] : memref<2x8x8x129xf32, #tpu.memory_space<vmem>> -> memref<1x8x8x129xf32, #tpu.memory_space<vmem>>
        %parallel_loop3A_565 = tpu.memref_squeeze %parallel_loop3A_564 : memref<1x8x8x129xf32, #tpu.memory_space<vmem>> -> memref<8x8x129xf32, #tpu.memory_space<vmem>>
        tpu.vector_store_idx %parallel_loop3A_565[%select_n3A_96, %select_n3A_203, %parallel_loop3A_532], %parallel_loop3A_559 : memref<8x8x129xf32, #tpu.memory_space<vmem>>[vector<16xi32>, vector<16xi32>, vector<16xi32>], vector<16xf32>,
        %parallel_loop3A_566 = arith.constant 3 : i32
        %parallel_loop3A_567 = arith.index_cast %parallel_loop3A_566 : i32 to index
        %parallel_loop3A_568 = arith.index_cast %parallel_loop3A_531 : i32 to index
        %parallel_loop3A_569 = arith.constant 48 : index
        %parallel_loop3A_570 = tpu.vector_load %arg6[%parallel_loop3A_567, %parallel_loop3A_568, %parallel_loop3A_569] {strides = array<i32>} : memref<4x128x128xf32, #tpu.memory_space<vmem>>, vector<16xf32>,
        %parallel_loop3A_571 = arith.constant 1 : i32
        %parallel_loop3A_572 = arith.constant 0 : i32
        %parallel_loop3A_573 = arith.constant 0 : i32
        %parallel_loop3A_574 = arith.constant 0 : i32
        %parallel_loop3A_575 = tpu.memref_slice %arg7[%parallel_loop3A_571, %parallel_loop3A_572, %parallel_loop3A_573, %parallel_loop3A_574] : memref<2x8x8x129xf32, #tpu.memory_space<vmem>> -> memref<1x8x8x129xf32, #tpu.memory_space<vmem>>
        %parallel_loop3A_576 = tpu.memref_squeeze %parallel_loop3A_575 : memref<1x8x8x129xf32, #tpu.memory_space<vmem>> -> memref<8x8x129xf32, #tpu.memory_space<vmem>>
        tpu.vector_store_idx %parallel_loop3A_576[%select_n3A_130, %select_n3A_228, %parallel_loop3A_532], %parallel_loop3A_570 : memref<8x8x129xf32, #tpu.memory_space<vmem>>[vector<16xi32>, vector<16xi32>, vector<16xi32>], vector<16xf32>,
      } {sc.loop_unroll_factor = 16 : i64, sc.parallel_access}
      %dma_start3A_510 = arith.constant 1 : i32
      %dma_start3A_511 = arith.constant 0 : i32
      %dma_start3A_512 = arith.constant 0 : i32
      %dma_start3A_513 = arith.constant 0 : i32
      %dma_start3A_514 = tpu.memref_slice %arg7[%dma_start3A_510, %dma_start3A_511, %dma_start3A_512, %dma_start3A_513] : memref<2x8x8x129xf32, #tpu.memory_space<vmem>> -> memref<1x8x8x128xf32, #tpu.memory_space<vmem>>
      %dma_start3A_515 = tpu.memref_squeeze %dma_start3A_514 : memref<1x8x8x128xf32, #tpu.memory_space<vmem>> -> memref<8x8x128xf32, #tpu.memory_space<vmem>>
      %dma_start3A_516 = arith.constant 0 : i32
      %dma_start3A_517 = arith.constant 0 : i32
      %dma_start3A_518 = arith.constant 0 : i32
      %dma_start3A_519 = tpu.memref_slice %arg4[%add3A_479, %dma_start3A_516, %add3A, %dma_start3A_517, %dma_start3A_518] : memref<200x8x32x8x128xf32, #tpu.memory_space<hbm>> -> memref<1x8x1x8x128xf32, #tpu.memory_space<hbm>>
      %dma_start3A_520 = tpu.memref_squeeze %dma_start3A_519 : memref<1x8x1x8x128xf32, #tpu.memory_space<hbm>> -> memref<8x8x128xf32, #tpu.memory_space<hbm>>
      %dma_start3A_521 = arith.constant 0 : i32
      %dma_start3A_522 = arith.constant 0 : i32
      %dma_start3A_523 = arith.constant 0 : i32
      %dma_start3A_524 = tpu.memref_slice %arg4[%add3A_479, %dma_start3A_521, %add3A, %dma_start3A_522, %dma_start3A_523] : memref<200x8x32x8x128xf32, #tpu.memory_space<hbm>> -> memref<1x8x1x8x128xf32, #tpu.memory_space<hbm>>
      %dma_start3A_525 = tpu.memref_squeeze %dma_start3A_524 : memref<1x8x1x8x128xf32, #tpu.memory_space<hbm>> -> memref<8x8x128xf32, #tpu.memory_space<hbm>>
      %dma_start3A_526 = arith.constant 0 : i32
      %dma_start3A_527 = arith.constant 0 : i32
      %dma_start3A_528 = arith.constant 0 : i32
      %dma_start3A_529 = tpu.memref_slice %arg7[%dma_start3A_510, %dma_start3A_526, %dma_start3A_527, %dma_start3A_528] : memref<2x8x8x129xf32, #tpu.memory_space<vmem>> -> memref<1x8x8x128xf32, #tpu.memory_space<vmem>>
      %dma_start3A_530 = tpu.memref_squeeze %dma_start3A_529 : memref<1x8x8x128xf32, #tpu.memory_space<vmem>> -> memref<8x8x128xf32, #tpu.memory_space<vmem>>
      tpu.enqueue_dma source(%dma_start3A_530 : memref<8x8x128xf32, #tpu.memory_space<vmem>>) target(%dma_start3A_525 : memref<8x8x128xf32, #tpu.memory_space<hbm>>) target_semaphore(%arg9 : memref<!tpu.dma_semaphore, #tpu.memory_space<semaphore_mem>>)
    }
    %scan3A_268 = arith.constant 50 : i32
    %dma_wait3A = arith.constant 0 : i32
    %dma_wait3A_269 = arith.constant 0 : i32
    %dma_wait3A_270 = arith.constant 0 : i32
    %dma_wait3A_271 = arith.constant 0 : i32
    %dma_wait3A_272 = arith.constant 0 : i32
    %dma_wait3A_273 = arith.constant 0 : i32
    %dma_wait3A_274 = tpu.memref_slice %arg7[%dma_wait3A_270, %dma_wait3A_271, %dma_wait3A_272, %dma_wait3A_273] : memref<2x8x8x129xf32, #tpu.memory_space<vmem>> -> memref<1x8x8x128xf32, #tpu.memory_space<vmem>>
    %dma_wait3A_275 = tpu.memref_squeeze %dma_wait3A_274 : memref<1x8x8x128xf32, #tpu.memory_space<vmem>> -> memref<8x8x128xf32, #tpu.memory_space<vmem>>
    %dma_wait3A_276 = arith.constant 0 : i32
    %dma_wait3A_277 = arith.constant 0 : i32
    %dma_wait3A_278 = arith.constant 0 : i32
    %dma_wait3A_279 = tpu.memref_slice %arg4[%dma_wait3A, %dma_wait3A_276, %dma_wait3A_269, %dma_wait3A_277, %dma_wait3A_278] : memref<200x8x32x8x128xf32, #tpu.memory_space<hbm>> -> memref<1x8x1x8x128xf32, #tpu.memory_space<hbm>>
    %dma_wait3A_280 = tpu.memref_squeeze %dma_wait3A_279 : memref<1x8x1x8x128xf32, #tpu.memory_space<hbm>> -> memref<8x8x128xf32, #tpu.memory_space<hbm>>
    %dma_wait3A_281 = arith.constant 0 : i32
    %dma_wait3A_282 = arith.constant 0 : i32
    %dma_wait3A_283 = arith.constant 0 : i32
    %dma_wait3A_284 = tpu.memref_slice %arg7[%dma_wait3A_270, %dma_wait3A_281, %dma_wait3A_282, %dma_wait3A_283] : memref<2x8x8x129xf32, #tpu.memory_space<vmem>> -> memref<1x8x8x128xf32, #tpu.memory_space<vmem>>
    %dma_wait3A_285 = tpu.memref_squeeze %dma_wait3A_284 : memref<1x8x8x128xf32, #tpu.memory_space<vmem>> -> memref<8x8x128xf32, #tpu.memory_space<vmem>>
    %dma_wait3A_286 = arith.constant 0 : i32
    %dma_wait3A_287 = arith.constant 0 : i32
    %dma_wait3A_288 = arith.constant 0 : i32
    %dma_wait3A_289 = tpu.memref_slice %arg4[%dma_wait3A, %dma_wait3A_286, %dma_wait3A_269, %dma_wait3A_287, %dma_wait3A_288] : memref<200x8x32x8x128xf32, #tpu.memory_space<hbm>> -> memref<1x8x1x8x128xf32, #tpu.memory_space<hbm>>
    %dma_wait3A_290 = tpu.memref_squeeze %dma_wait3A_289 : memref<1x8x1x8x128xf32, #tpu.memory_space<hbm>> -> memref<8x8x128xf32, #tpu.memory_space<hbm>>
    tpu.wait_dma2 semaphore(%arg9 : memref<!tpu.dma_semaphore, #tpu.memory_space<semaphore_mem>>) src(%dma_wait3A_290 : memref<8x8x128xf32, #tpu.memory_space<hbm>>) dst(%dma_wait3A_285 : memref<8x8x128xf32, #tpu.memory_space<vmem>>)
    %dma_wait3A_291 = arith.constant 0 : i32
    %dma_wait3A_292 = arith.constant 0 : i32
    %dma_wait3A_293 = arith.constant 1 : i32
    %dma_wait3A_294 = arith.constant 0 : i32
    %dma_wait3A_295 = arith.constant 0 : i32
    %dma_wait3A_296 = arith.constant 0 : i32
    %dma_wait3A_297 = tpu.memref_slice %arg7[%dma_wait3A_293, %dma_wait3A_294, %dma_wait3A_295, %dma_wait3A_296] : memref<2x8x8x129xf32, #tpu.memory_space<vmem>> -> memref<1x8x8x128xf32, #tpu.memory_space<vmem>>
    %dma_wait3A_298 = tpu.memref_squeeze %dma_wait3A_297 : memref<1x8x8x128xf32, #tpu.memory_space<vmem>> -> memref<8x8x128xf32, #tpu.memory_space<vmem>>
    %dma_wait3A_299 = arith.constant 0 : i32
    %dma_wait3A_300 = arith.constant 0 : i32
    %dma_wait3A_301 = arith.constant 0 : i32
    %dma_wait3A_302 = tpu.memref_slice %arg4[%dma_wait3A_291, %dma_wait3A_299, %dma_wait3A_292, %dma_wait3A_300, %dma_wait3A_301] : memref<200x8x32x8x128xf32, #tpu.memory_space<hbm>> -> memref<1x8x1x8x128xf32, #tpu.memory_space<hbm>>
    %dma_wait3A_303 = tpu.memref_squeeze %dma_wait3A_302 : memref<1x8x1x8x128xf32, #tpu.memory_space<hbm>> -> memref<8x8x128xf32, #tpu.memory_space<hbm>>
    %dma_wait3A_304 = arith.constant 0 : i32
    %dma_wait3A_305 = arith.constant 0 : i32
    %dma_wait3A_306 = arith.constant 0 : i32
    %dma_wait3A_307 = tpu.memref_slice %arg7[%dma_wait3A_293, %dma_wait3A_304, %dma_wait3A_305, %dma_wait3A_306] : memref<2x8x8x129xf32, #tpu.memory_space<vmem>> -> memref<1x8x8x128xf32, #tpu.memory_space<vmem>>
    %dma_wait3A_308 = tpu.memref_squeeze %dma_wait3A_307 : memref<1x8x8x128xf32, #tpu.memory_space<vmem>> -> memref<8x8x128xf32, #tpu.memory_space<vmem>>
    %dma_wait3A_309 = arith.constant 0 : i32
    %dma_wait3A_310 = arith.constant 0 : i32
    %dma_wait3A_311 = arith.constant 0 : i32
    %dma_wait3A_312 = tpu.memref_slice %arg4[%dma_wait3A_291, %dma_wait3A_309, %dma_wait3A_292, %dma_wait3A_310, %dma_wait3A_311] : memref<200x8x32x8x128xf32, #tpu.memory_space<hbm>> -> memref<1x8x1x8x128xf32, #tpu.memory_space<hbm>>
    %dma_wait3A_313 = tpu.memref_squeeze %dma_wait3A_312 : memref<1x8x1x8x128xf32, #tpu.memory_space<hbm>> -> memref<8x8x128xf32, #tpu.memory_space<hbm>>
    tpu.wait_dma2 semaphore(%arg9 : memref<!tpu.dma_semaphore, #tpu.memory_space<semaphore_mem>>) src(%dma_wait3A_313 : memref<8x8x128xf32, #tpu.memory_space<hbm>>) dst(%dma_wait3A_308 : memref<8x8x128xf32, #tpu.memory_space<vmem>>)
    return
  }
}

</mosaic_0001>

<sc_bundles>
// kernel: kernel.3.cloned.1.call-start
scs
__scs_entry_jumppad:
0x0: {  	(pc) =	sbr.rel $0x88, $3  }
0x1: {  	(tag) =	ssettag $0x0;
	lr =	simm.s32 $0x1  }
0x2: {  	[smem:$0x3F9F] =	sst lr;
	_ =	strace $0xD0000000  }
0x3: {  	_ = 	snop  }
0x4: {  	_ = 	snop  }
0x5: {  	_ = 	snop  }
0x6: {  	_ = 	snop  }
0x7: {  	_ = 	snop  }
__scs_overlays_trampoline_lowered:
0x8: {  	[smem:$0x3FAE] =	sst s0  }
0x9: {  	[smem:$0x3FAF] =	sst s1  }
0xa: {  	[smem:$0x3FB0] =	sst s2  }
0xb: {  	[smem:$0x3FB1] =	sst s3  }
0xc: {  	[smem:$0x3FB2] =	sst s4  }
0xd: {  	[smem:$0x3FB3] =	sst s5  }
0xe: {  	[smem:$0x3FB4] =	sst s6  }
0xf: {  	[smem:$0x3FB5] =	sst s7  }
0x10: {  	[smem:$0x3FB6] =	sst s8  }
0x11: {  	[smem:$0x3FB7] =	sst s9;
	s0 =	simm.s32 @!p0 $0x0  }
0x12: {  	s1 =	sld [smem:$0x3F9D];
	s0 =	simm.s32 @p0 $0x1  }
0x13: {  	[smem:$0x3FB8] =	sst s0;
	s0 =	simm.s32 @!p1 $0x0  }
0x14: {  	s2 =	sld [smem:$0x3F9C];
	s0 =	simm.s32 @p1 $0x1  }
0x15: {  	[smem:$0x3FB9] =	sst s0;
	s0 =	simm.s32 @!p2 $0x0  }
0x16: {  	s3 =	sld [smem:$0x3FDB];
	s0 =	simm.s32 @p2 $0x1  }
0x17: {  	s4 =	simm.s32 $0x1BF5;
	[smem:$0x3FBB] =	sst s0  }
0x18: {  	s0 =	sld [smem:$0x3F9E];
	_ =	swait.ge [sflag:s4], $0x0  }
0x19: {  	s7 =	sld [smem:$0x3F9F]  }
0x1a: {  	s8 =	sadd.s32 $0xFFFFE003, lr  }
0x1b: {  	s9 =	sadd.s32 $0xFFFFFEF7, lr;
	s5 =	simm.s32 $0xFFFFFFFF;
	p2 =	slt.u32 s8, $0xFFFFF086  }
0x1c: {  	p1 =	slt.u32 s9, $0xF7A;
	s5 =	simm.s32 @!p2 $0x0  }
0x1d: {  	s5 =	simm.s32 @p1 $0x1;
	p0 =	seq.s32 s7, s2  }
0x1e: {  	s7 =	smul.u32 @!p0 $0xF7A, s2;
	p2 =	seq.s32 @!p0 s5, $0x0  }
0x1f: {  	s9 =	smul.u32 $0xF7A, s1;
	s8 =	simm.s32 @!p0 $0x1BF5;
	p2 =	por !p2, p0  }
0x20: {  	[sflag:s8] =	ssyncset.s32 @!p0 $0xFFFFF086;
	s6 =	sadd.s32 @!p0 s3, s7;
	s7 =	simm.s32 @!p0 $0x108  }
0x21: {  	s3 =	sadd.s32 s3, s9;
	s6 =	sadd.s32 @!p0 $0x88, s6;
	s7 =	simm.s32 @p2 $0x1082  }
0x22: {  	[simem:s7], [sflag:s8] =	dma.local @!p0 [hbm:s6], $0xF7A  }
0x23: {  	s9 =	sor.u32 $0xD0000000, s2;
	s6 =	simm.s32 $0x108;
	_ =	swait.ge @!p0 [sflag:s8], $0x0  }
0x24: {  	s3 =	sadd.s32 $0x88, s3;
	s6 =	simm.s32 @!p1 $0x1082;
	[sflag:s4] =	ssyncset.s32 $0xFFFFF086  }
0x25: {  	[simem:s6], [sflag:s4] =	dma.local [hbm:s3], $0xF7A  }
0x26: {  	[smem:$0x3F9F] =	sst s1;
	(tag) =	ssettag s2;
	_ =	strace s9  }
0x27: {  	s1 =	sld [smem:$0x3FAF]  }
0x28: {  	s2 =	sld [smem:$0x3FB0]  }
0x29: {  	s4 =	sld [smem:$0x3FB2]  }
0x2a: {  	p0 =	seq.s32 s5, $0x0;
	s5 =	sld [smem:$0x3FB3]  }
0x2b: {  	s6 =	sld [smem:$0x3FB4]  }
0x2c: {  	s7 =	sld [smem:$0x3FB5]  }
0x2d: {  	s3 =	simm.s32 $0x108;
	s8 =	sld [smem:$0x3FB6]  }
0x2e: {  	s3 =	simm.s32 @!p0 $0x1082;
	s9 =	sld [smem:$0x3FB7]  }
0x2f: {  	lr =	sadd.s32 s0, s3;
	s0 =	sld [smem:$0x3FAE]  }
0x30: {  	s3 =	sld [smem:$0x3FB1]  }
0x31: {  	[smem:$0x3FBA] =	sst s10  }
0x32: {  	s10 =	sld [smem:$0x3FB8];
	_ =	sdelay $0x3  }
0x33: {  	p0 =	seq.s32 s10, $0x1;
	s10 =	sld [smem:$0x3FBA];
	_ =	sdelay $0x3  }
0x34: {  	[smem:$0x3FBA] =	sst s10  }
0x35: {  	s10 =	sld [smem:$0x3FB9];
	_ =	sdelay $0x3  }
0x36: {  	p1 =	seq.s32 s10, $0x1;
	s10 =	sld [smem:$0x3FBA];
	_ =	sdelay $0x3  }
0x37: {  	[smem:$0x3FBA] =	sst s10  }
0x38: {  	s10 =	sld [smem:$0x3FBB]  }
0x39: {  	_ = 	snop;
	(pc) =	sbr.ind lr, $3  }
0x3a: {  	_ = 	snop  }
0x3b: {  	_ = 	snop  }
0x3c: {  	p2 =	seq.s32 s10, $0x1;
	s10 =	sld [smem:$0x3FBA]  }
0x3d: {  	_ =	shalt  }
0x3e: {  	_ =	shalt  }
0x3f: {  	_ =	shalt  }
0x40: {  	_ =	shalt  }
0x41: {  	_ =	shalt  }
0x42: {  	_ =	shalt  }
0x43: {  	_ =	shalt  }
0x44: {  	_ =	shalt  }
0x45: {  	_ =	shalt  }
0x46: {  	_ =	shalt  }
0x47: {  	_ =	shalt  }
0x48: {  	_ =	shalt  }
0x49: {  	_ =	shalt  }
0x4a: {  	_ =	shalt  }
0x4b: {  	_ =	shalt  }
0x4c: {  	_ =	shalt  }
0x4d: {  	_ =	shalt  }
0x4e: {  	_ =	shalt  }
0x4f: {  	_ =	shalt  }
0x50: {  	_ =	shalt  }
0x51: {  	_ =	shalt  }
0x52: {  	_ =	shalt  }
0x53: {  	_ =	shalt  }
0x54: {  	_ =	shalt  }
0x55: {  	_ =	shalt  }
0x56: {  	_ =	shalt  }
0x57: {  	_ =	shalt  }
0x58: {  	_ =	shalt  }
0x59: {  	_ =	shalt  }
0x5a: {  	_ =	shalt  }
0x5b: {  	_ =	shalt  }
0x5c: {  	_ =	shalt  }
0x5d: {  	_ =	shalt  }
0x5e: {  	_ =	shalt  }
0x5f: {  	_ =	shalt  }
0x60: {  	_ =	shalt  }
0x61: {  	_ =	shalt  }
0x62: {  	_ =	shalt  }
0x63: {  	_ =	shalt  }
0x64: {  	_ =	shalt  }
0x65: {  	_ =	shalt  }
0x66: {  	_ =	shalt  }
0x67: {  	_ =	shalt  }
0x68: {  	_ =	shalt  }
0x69: {  	_ =	shalt  }
0x6a: {  	_ =	shalt  }
0x6b: {  	_ =	shalt  }
0x6c: {  	_ =	shalt  }
0x6d: {  	_ =	shalt  }
0x6e: {  	_ =	shalt  }
0x6f: {  	_ =	shalt  }
0x70: {  	_ =	shalt  }
0x71: {  	_ =	shalt  }
0x72: {  	_ =	shalt  }
0x73: {  	_ =	shalt  }
0x74: {  	_ =	shalt  }
0x75: {  	_ =	shalt  }
0x76: {  	_ =	shalt  }
0x77: {  	_ =	shalt  }
0x78: {  	_ =	shalt  }
0x79: {  	_ =	shalt  }
0x7a: {  	_ =	shalt  }
0x7b: {  	_ =	shalt  }
0x7c: {  	_ =	shalt  }
0x7d: {  	_ =	shalt  }
0x7e: {  	_ =	shalt  }
0x7f: {  	_ =	shalt  }
0x80: {  	_ =	shalt  }
0x81: {  	_ =	shalt  }
0x82: {  	_ =	shalt  }
0x83: {  	_ =	shalt  }
0x84: {  	_ =	shalt  }
0x85: {  	_ =	shalt  }
0x86: {  	_ =	shalt  }
0x87: {  	_ =	shalt  }
.Lfunc_end0:
.L_simem_size_0:
called_computation_lowered:
.L_overlay_start_0:
0x88: {  	s2 =	sld [smem:$0x3FD9]  }
0x89: {  	s3 =	sld [smem:$0x3FFE];
	_ =	sdelay $0x1  }
0x8a: {  	s1 =	srdreg.scid  }
0x8b: {  	s0 =	sand.u32 $0x1, s1  }
0x8c: {  	s17 =	sshll.u32 s0, $0xA;
	s2 =	sadd.s32 s3, s2  }
0x8d: {  	s2 =	sadd.s32 s2, s17  }
0x8e: {  	[smem:$0x3FC6] =	sst s2  }
0x8f: {  	_ = 	snop  }
0x90: {  	s2 =	sld [smem:$0x3FC9]  }
0x91: {  	s18 =	sld [smem:$0x3FD0];
	(tm) =	ssettm $0x1  }
0x92: {  	s4 =	sld [smem:$0x3FFB];
	_ =	sdelay $0x3  }
0x93: {  	_ =	strace s4  }
0x94: {  	s4 =	sld [smem:$0x3FFC];
	_ =	sdelay $0x3  }
0x95: {  	_ =	strace s4  }
0x96: {  	s4 =	sld [smem:$0x3FFD];
	_ =	sdelay $0x3  }
0x97: {  	_ =	strace s4  }
0x98: {  	_ =	strace $0x8FFFFFFF  }
0x99: {  	s19 =	sld [smem:$0x3FDB];
	_ =	sdelay $0x1  }
0x9a: {  	s5 =	simm.s32 $_scs_section_size  }
0x9b: {  	s6 =	simm.s32 $_size__tile_overlayer_lowered;
	s7 =	simm.s32 $_tile_overlayer_lowered  }
0x9c: {  	s22 =	simm.s32 $0x1BFF;
	s21 =	sshll.u32 s7, $0x1;
	s4 =	sadd.s32 s5, s19  }
0x9d: {  	s8 =	simm.s32 $0x0;
	s20 =	sshll.u32 s6, $0x1;
	s6 =	sadd.s32 s21, s4  }
0x9e: {  	[timem:s8], [sflag:s22] =	dma.local [hbm:s6], s20  }
0x9f: {  	_ =	swait.ge [sflag:s22], s20  }
0xa0: {  	s5 =	ssub.s32 $0x0, s20;
	[sflag:s22] =	ssyncset.done $0x0  }
0xa1: {  	[sflag:s22] =	ssyncadd.s32 s5;
	_ =	sdelay $0x1  }
0xa2: {  	s23 =	simm.s32 $0x1B8B  }
0xa3: {  	_ =	swait.ge [sflag:s23], $0x1  }
0xa4: {  	[sflag:s23] =	ssyncset.done $0x0  }
0xa5: {  	s25 =	simm.s32 $0x1B8E;
	s24 =	sld [smem:$0x3FFE];
	[sflag:s23] =	ssyncadd.s32 $0xFFFFFFFF  }
0xa6: {  	s26 =	simm.s32 $execute0_lowered;
	[smem:$0x3FD2] =	sst s25  }
0xa7: {  	s6 =	sshll.u32 s26, $0x1;
	_ =	strace $0x80000046;
	[dreg:$0x1] =	wrdreg $0xFFFFFFFF  }
0xa8: {  	s28 =	simm.s32 $_size_execute0_lowered;
	s4 =	sadd.s32 s4, s6;
	[dreg:$0x0] =	wrdreg $0x0  }
0xa9: {  	s6 =	sshll.u32 s28, $0x1;
	[dreg:$0x2] =	wrdreg s4  }
0xaa: {  	[dreg:$0x3] =	wrdreg s6  }
0xab: {  	[dreg:$0x4] =	wrdreg $0xC0  }
0xac: {  	_ =	task [dreg:s8], $0x5FFFF  }
0xad: {  	[dreg:$0x1] =	wrdreg $0xFFFFFFFF  }
0xae: {  	[dreg:$0x0] =	wrdreg $0x60  }
0xaf: {  	[dreg:$0x2] =	wrdreg s2  }
0xb0: {  	[dreg:$0x3] =	wrdreg s24  }
0xb1: {  	[dreg:$0x4] =	wrdreg s18  }
0xb2: {  	[dreg:$0x5] =	wrdreg $0x9  }
0xb3: {  	_ =	task.clear_ibuf [dreg:s8], $0x6FFFF;
	_ =	strace $0x90000046  }
0xb4: {  	s29 =	simm.s32 $0x9;
	_ =	strace $0x80000048  }
0xb5: {  	_ =	swait.ge [sflag:s29], $0x1  }
0xb6: {  	[sflag:s29] =	ssyncadd.s32 $0xFFFFFFFF  }
0xb7: {  	_ =	strace $0x90000048  }
0xb8: {  	_ =	sfence  }
0xb9: {  	s30 =	sld [smem:$0x0];
	_ =	sdelay $0x2  }
0xba: {  	s31 =	sshll.u32 s1, $0xD;
	s1 =	sshrl.u32 s1, $0x2  }
0xbb: {  	s3 =	sand.u32 $0x4000, s31;
	s1 =	sadd.s32 s1, s30  }
0xbc: {  	s0 =	sor.u32 s3, s0;
	s1 =	sshll.u32 s1, $0x11  }
0xbd: {  	s0 =	sor.u32 s1, s0  }
0xbe: {  	s0 =	sadd.s32 $0x8F2B, s0  }
0xbf: {  	[sflag:s0] =	ssyncadd.remote.s32 $0x1  }
0xc0: {  	_ =	sfence.sel $0xFFFF  }
0xc1: {  	[dreg:$0x0] =	wrdreg $0xFFFFFFFF;
	(pc) =	sbr.abs _section_cstart, $3  }
0xc2: {  	[dreg:$0x1] =	wrdreg $0xFFFFFFFF  }
0xc3: {  	_ =	task.clear_ibuf [dreg:s8], $0x2FFFF;
	_ =	strace $0x9FFFFFFF  }
0xc4: {  	(tm) =	ssettm $0x7FFFFFFF  }
0xc5: {  	_ =	shalt  }
tec
execute0_lowered:
.L_overlay_start_1:
0x0: {  	(tag) =	ssettag $0x1  }
0x1: {  	v0 =	vimm.s32 $0xB80  }
0x2: {  	vm14 =	vcmask $0x300;
	vm13 =	vcmask $0x704;
	vm12 =	vcmask $0xB08  }
0x3: {  	vm11 =	vcmask $0xF0C;
	vm10 =	vcmask $0x1310;
	vm9 =	vcmask $0x1714  }
0x4: {  	vm8 =	vcmask $0x1B18;
	vm7 =	vcmask $0x1F1C;
	vm6 =	vcmask $0x2320  }
0x5: {  	vm5 =	vcmask $0x2724;
	vm4 =	vcmask $0x2B28;
	vm3 =	vcmask $0x2F2C  }
0x6: {  	vm2 =	vcmask $0x3330;
	vm1 =	vcmask $0x3734;
	vm0 =	vcmask $0x3B38  }
0x7: {  	v1 =	vimm.s32 $0x1B80;
	v2 =	vimm.s32 $0x2B80;
	v3 =	vimm.s32 $0x3B80  }
0x8: {  	v0 =	vsel vm14, $0x0, v0;
	v1 =	vsel vm14, $0x1000, v1;
	v2 =	vsel vm14, $0x2000, v2  }
0x9: {  	v3 =	vsel vm14, $0x3000, v3;
	v0 =	vsel vm13, $0x80, v0;
	v1 =	vsel vm13, $0x1080, v1  }
0xa: {  	v2 =	vsel vm13, $0x2080, v2;
	v3 =	vsel vm13, $0x3080, v3;
	v0 =	vsel vm12, $0x100, v0  }
0xb: {  	v1 =	vsel vm12, $0x1100, v1;
	v2 =	vsel vm12, $0x2100, v2;
	v3 =	vsel vm12, $0x3100, v3  }
0xc: {  	v0 =	vsel vm11, $0x180, v0;
	v1 =	vsel vm11, $0x1180, v1;
	v2 =	vsel vm11, $0x2180, v2  }
0xd: {  	v3 =	vsel vm11, $0x3180, v3;
	v0 =	vsel vm10, $0x200, v0;
	v1 =	vsel vm10, $0x1200, v1  }
0xe: {  	v2 =	vsel vm10, $0x2200, v2;
	v3 =	vsel vm10, $0x3200, v3;
	v0 =	vsel vm9, $0x280, v0  }
0xf: {  	v1 =	vsel vm9, $0x1280, v1;
	v2 =	vsel vm9, $0x2280, v2;
	v3 =	vsel vm9, $0x3280, v3  }
0x10: {  	s0 =	rddreg [dreg:$0x0];
	v0 =	vsel vm8, $0x300, v0;
	v1 =	vsel vm8, $0x1300, v1;
	v2 =	vsel vm8, $0x2300, v2  }
0x11: {  	s1 =	rddreg [dreg:$0x1];
	v3 =	vsel vm8, $0x3300, v3;
	v0 =	vsel vm7, $0x380, v0;
	v1 =	vsel vm7, $0x1380, v1  }
0x12: {  	s31 =	rddreg [dreg:$0x2];
	v2 =	vsel vm7, $0x2380, v2;
	v3 =	vsel vm7, $0x3380, v3;
	v0 =	vsel vm6, $0x800, v0  }
0x13: {  	s2 =	srdreg.scid;
	s3 =	simm.s32 $0x0;
	s4 =	stileid.u32;
	v1 =	vsel vm6, $0x1800, v1;
	v2 =	vsel vm6, $0x2800, v2;
	v3 =	vsel vm6, $0x3800, v3  }
0x14: {  	s18 =	simm.s32 $0x1;
	s20 =	simm.s32 $0x16400;
	s29 =	simm.s32 $0x1A400;
	v0 =	vsel vm5, $0x880, v0;
	v1 =	vsel vm5, $0x1880, v1;
	v2 =	vsel vm5, $0x2880, v2  }
0x15: {  	s15 =	simm.s32 $0x2;
	s2 =	sand.u32 $0x1, s2;
	[smem:$0x7FF] =	sst s3;
	v3 =	vsel vm5, $0x3880, v3;
	v0 =	vsel vm4, $0x900, v0;
	v1 =	vsel vm4, $0x1900, v1  }
0x16: {  	s4 =	sshll.u32 s4, $0x1;
	s26 =	sadd.s32 $0x8000, s31;
	s28 =	sadd.s32 $0x10000, s31;
	v2 =	vsel vm4, $0x2900, v2;
	v3 =	vsel vm4, $0x3900, v3;
	v0 =	vsel vm3, $0x980, v0  }
0x17: {  	s5 =	ssub.s32 $0x2, s2;
	_ =	strace $0x80000047;
	s2 =	sor.u32 s2, s4;
	v1 =	vsel vm3, $0x1980, v1;
	v2 =	vsel vm3, $0x2980, v2;
	v3 =	vsel vm3, $0x3980, v3  }
0x18: {  	[dreg:$0x5] =	wrdreg s26;
	s6 =	sshrl.u32 s5, $0x1;
	s25 =	sshll.u32 s2, $0x7;
	v0 =	vsel vm2, $0xA00, v0;
	v1 =	vsel vm2, $0x1A00, v1;
	v2 =	vsel vm2, $0x2A00, v2  }
0x19: {  	[dreg:$0x6] =	wrdreg s28;
	s24 =	ssub.s32 s5, s6;
	s0 =	sadd.s32 s0, s25;
	v3 =	vsel vm2, $0x3A00, v3;
	v0 =	vsel vm1, $0xA80, v0;
	v1 =	vsel vm1, $0x1A80, v1  }
0x1a: {  	s4 =	sadd.s32 $0xF42800, s1;
	[dreg:$0x4] =	wrdreg s0;
	s30 =	smax.u32 s24, $0x1;
	v2 =	vsel vm1, $0x2A80, v2;
	v3 =	vsel vm1, $0x3A80, v3;
	v0 =	vsel vm0, $0xB00, v0  }
0x1b: {  	s1 =	simm.s32 $0x0;
	s6 =	sshll.u32 s2, $0xA;
	[dreg:$0x7] =	wrdreg s30;
	v1 =	vsel vm0, $0x1B00, v1;
	v2 =	vsel vm0, $0x2B00, v2;
	v3 =	vsel vm0, $0x3B00, v3  }
.LBB2_1:
0x1c: {  	[dreg:$0x8] =	wrdreg s1  }
0x1d: {  	s0 =	rddreg [dreg:$0x4]  }
0x1e: {  	s22 =	simm.s32 $0x400;
	s2 =	simm.s32 $0x8000;
	s23 =	simm.s32 $0x3  }
0x1f: {  	[tilespmem:s3], [sflag:$0x3] =	stream.strided.gather [hbm4b:s0+s22], $0x6400, s2, s22, $0x38;
	[tilespmem:$0x1E400] =	vst v63  }
0x20: {  	_ =	swait.ge [sflag:s23], $0x6400  }
0x21: {  	[sflag:s23] =	ssyncset.done $0x0  }
0x22: {  	s24 =	simm.s32 $0x80;
	s25 =	simm.s32 $0x6400;
	[sflag:s23] =	ssyncadd.s32 $0xFFFF9C00  }
0x23: {  	[tilespmem:s25], [sflag:$0x1] =	stream.indirect.gather [hbm4b:s4+s24], $0x80, s3, s24, $0xb8;
	[tilespmem:$0x1E400] =	vst v63  }
0x24: {  	s26 =	simm.s32 $0xA400  }
0x25: {  	[tilespmem:s26], [sflag:$0x1] =	stream.indirect.gather [hbm4b:s4+s24], $0x80, s24, s24, $0xb8;
	[tilespmem:$0x1E400] =	vst v63  }
0x26: {  	s28 =	simm.s32 $0x100;
	s30 =	simm.s32 $0xE400;
	s17 =	simm.s32 $0x0  }
0x27: {  	[tilespmem:s30], [sflag:$0x1] =	stream.indirect.gather [hbm4b:s4+s24], $0x80, s28, s24, $0xb8;
	[tilespmem:$0x1E400] =	vst v63  }
.LBB2_2:
0x28: {  	_ =	swait.ge [sflag:s18], $0x4000;
	s5 =	sshllo.u32 s17, $0x2;
	s1 =	simm.s32 $0x80  }
0x29: {  	s2 =	simm.s32 $0x12400;
	[sflag:s18] =	ssyncset.done $0x0;
	s0 =	sshll.u32 s5, $0x7  }
0x2a: {  	p0 =	seq.s32 s17, $0x0;
	[sflag:s18] =	ssyncadd.s32 $0xFFFFC000;
	s0 =	sand.u32 $0x3FFFFF80, s0  }
0x2b: {  	[tilespmem:s2], [sflag:$0x1] =	stream.indirect.gather [hbm4b:s4+s1], $0x80, s0, s1, $0xb8;
	[tilespmem:$0x1E400] =	vst v63  }
0x2c: {  	s0 =	simm.s32 @!p0 $0x2  }
0x2d: {  	_ =	swait.ge @!p0 [sflag:s0], $0x2000  }
0x2e: {  	[sflag:s0] =	ssyncset.done @!p0 $0x0  }
0x2f: {  	s26 =	simm.s32 $0x6800;
	s25 =	simm.s32 $0xF;
	[sflag:s0] =	ssyncadd.s32 @!p0 $0xFFFFE000  }
0x30: {  	s28 =	simm.s32 $0x1;
	v5 =	vor.u32 s25, v0;
	v4 =	vld [tilespmem:s26+$0x380]  }
0x31: {  	s7 =	simm.s32 $0x2;
	v7 =	vor.u32 s28, v0;
	v6 =	vld [tilespmem:s26+$0xFFFFFC80]  }
0x32: {  	s8 =	simm.s32 $0x3;
	v9 =	vor.u32 s7, v0;
	v8 =	vld [tilespmem:s26+$0xFFFFFD00]  }
0x33: {  	s9 =	simm.s32 $0x4;
	v11 =	vor.u32 s8, v0;
	v10 =	vld [tilespmem:s26+$0xFFFFFD80]  }
0x34: {  	s30 =	simm.s32 $0x5;
	v13 =	vor.u32 s9, v0;
	v12 =	vld [tilespmem:s26+$0xFFFFFE00]  }
0x35: {  	s10 =	simm.s32 $0x6;
	v15 =	vor.u32 s30, v0;
	v14 =	vld [tilespmem:s26+$0xFFFFFE80];
	[tilespmem:v5+s20+$0x0] =	vst.idx.msk $0xffff, v4  }
0x36: {  	s11 =	simm.s32 $0x7;
	[tilespmem:v7+s20+$0x0] =	vst.idx.msk $0xffff, v6;
	v6 =	vld [tilespmem:s26+$0xFFFFFF00];
	v7 =	vor.u32 s10, v0  }
0x37: {  	s12 =	simm.s32 $0x8;
	[tilespmem:v9+s20+$0x0] =	vst.idx.msk $0xffff, v8;
	v8 =	vld [tilespmem:s26+$0xFFFFFF80];
	v9 =	vor.u32 s11, v0  }
0x38: {  	[tilespmem:v11+s20+$0x0] =	vst.idx.msk $0xffff, v10;
	v10 =	vld [tilespmem:s26+$0x0];
	v11 =	vor.u32 s12, v0  }
0x39: {  	s13 =	simm.s32 $0x9;
	v5 =	vor.u32 s25, v1;
	[tilespmem:v13+s20+$0x0] =	vst.idx.msk $0xffff, v12;
	v4 =	vld [tilespmem:s26+$0x390]  }
0x3a: {  	s16 =	simm.s32 $0xA;
	[tilespmem:v15+s20+$0x0] =	vst.idx.msk $0xffff, v14;
	v12 =	vld [tilespmem:s26+$0x80];
	v13 =	vor.u32 s13, v0  }
0x3b: {  	s19 =	simm.s32 $0xB;
	v14 =	vld [tilespmem:s26+$0x100];
	v15 =	vor.u32 s16, v0;
	[tilespmem:v7+s20+$0x0] =	vst.idx.msk $0xffff, v6  }
0x3c: {  	s21 =	simm.s32 $0xC;
	[tilespmem:v9+s20+$0x0] =	vst.idx.msk $0xffff, v8;
	v6 =	vld [tilespmem:s26+$0x180];
	v7 =	vor.u32 s19, v0  }
0x3d: {  	s23 =	simm.s32 $0xD;
	[tilespmem:v11+s20+$0x0] =	vst.idx.msk $0xffff, v10;
	v8 =	vld [tilespmem:s26+$0x200];
	v9 =	vor.u32 s21, v0  }
0x3e: {  	v10 =	vld [tilespmem:s26+$0x280];
	v11 =	vor.u32 s23, v0;
	[tilespmem:v5+s20+$0x0] =	vst.idx.msk $0xffff, v4  }
0x3f: {  	s24 =	simm.s32 $0xE;
	[tilespmem:v13+s20+$0x0] =	vst.idx.msk $0xffff, v12;
	v5 =	vor.u32 s25, v2;
	v4 =	vld [tilespmem:s26+$0x3A0]  }
0x40: {  	s22 =	simm.s32 $0x0;
	[tilespmem:v15+s20+$0x0] =	vst.idx.msk $0xffff, v14;
	v12 =	vld [tilespmem:s26+$0x300];
	v13 =	vor.u32 s24, v0  }
0x41: {  	v14 =	vld [tilespmem:s26+$0xFFFFFC00];
	v15 =	vor.u32 s22, v0;
	[tilespmem:v7+s20+$0x0] =	vst.idx.msk $0xffff, v6  }
0x42: {  	v6 =	vld [tilespmem:s26+$0xFFFFFC90];
	v7 =	vor.u32 s28, v1;
	[tilespmem:v9+s20+$0x0] =	vst.idx.msk $0xffff, v8  }
0x43: {  	v8 =	vld [tilespmem:s26+$0xFFFFFD10];
	v9 =	vor.u32 s7, v1;
	[tilespmem:v11+s20+$0x0] =	vst.idx.msk $0xffff, v10  }
0x44: {  	v10 =	vld [tilespmem:s26+$0xFFFFFD90];
	v11 =	vor.u32 s8, v1;
	[tilespmem:v5+s20+$0x0] =	vst.idx.msk $0xffff, v4  }
0x45: {  	[tilespmem:v13+s20+$0x0] =	vst.idx.msk $0xffff, v12;
	v5 =	vor.u32 s25, v3;
	v4 =	vld [tilespmem:s26+$0x3B0]  }
0x46: {  	[tilespmem:v15+s20+$0x0] =	vst.idx.msk $0xffff, v14;
	v12 =	vld [tilespmem:s26+$0xFFFFFE10];
	v13 =	vor.u32 s9, v1  }
0x47: {  	v14 =	vld [tilespmem:s26+$0xFFFFFE90];
	v15 =	vor.u32 s30, v1;
	[tilespmem:v7+s20+$0x0] =	vst.idx.msk $0xffff, v6  }
0x48: {  	[tilespmem:v9+s20+$0x0] =	vst.idx.msk $0xffff, v8;
	v6 =	vld [tilespmem:s26+$0xFFFFFF90];
	v7 =	vor.u32 s11, v1  }
0x49: {  	[tilespmem:v11+s20+$0x0] =	vst.idx.msk $0xffff, v10;
	v8 =	vld [tilespmem:s26+$0x10];
	v9 =	vor.u32 s12, v1  }
0x4a: {  	[tilespmem:v5+s20+$0x0] =	vst.idx.msk $0xffff, v4;
	v4 =	vld [tilespmem:s26+$0xFFFFFF10];
	v5 =	vor.u32 s10, v1  }
0x4b: {  	[tilespmem:v13+s20+$0x0] =	vst.idx.msk $0xffff, v12;
	v10 =	vld [tilespmem:s26+$0x90];
	v11 =	vor.u32 s13, v1  }
0x4c: {  	[tilespmem:v15+s20+$0x0] =	vst.idx.msk $0xffff, v14;
	v12 =	vld [tilespmem:s26+$0x110];
	v13 =	vor.u32 s16, v1  }
0x4d: {  	v14 =	vld [tilespmem:s26+$0xFFFFFC10];
	v15 =	vor.u32 s22, v1;
	[tilespmem:v7+s20+$0x0] =	vst.idx.msk $0xffff, v6  }
0x4e: {  	v6 =	vld [tilespmem:s26+$0x210];
	v7 =	vor.u32 s21, v1;
	[tilespmem:v9+s20+$0x0] =	vst.idx.msk $0xffff, v8  }
0x4f: {  	[tilespmem:v5+s20+$0x0] =	vst.idx.msk $0xffff, v4;
	v4 =	vld [tilespmem:s26+$0x190];
	v5 =	vor.u32 s19, v1  }
0x50: {  	v8 =	vld [tilespmem:s26+$0x290];
	v9 =	vor.u32 s23, v1;
	[tilespmem:v11+s20+$0x0] =	vst.idx.msk $0xffff, v10  }
0x51: {  	v10 =	vld [tilespmem:s26+$0x310];
	v11 =	vor.u32 s24, v1;
	[tilespmem:v13+s20+$0x0] =	vst.idx.msk $0xffff, v12  }
0x52: {  	v12 =	vld [tilespmem:s26+$0xFFFFFCA0];
	v13 =	vor.u32 s28, v2;
	[tilespmem:v15+s20+$0x0] =	vst.idx.msk $0xffff, v14  }
0x53: {  	v15 =	vor.u32 s22, v2;
	v14 =	vld [tilespmem:s26+$0xFFFFFC20];
	[tilespmem:v7+s20+$0x0] =	vst.idx.msk $0xffff, v6  }
0x54: {  	[tilespmem:v5+s20+$0x0] =	vst.idx.msk $0xffff, v4;
	v4 =	vld [tilespmem:s26+$0xFFFFFD20];
	v5 =	vor.u32 s7, v2  }
0x55: {  	v6 =	vld [tilespmem:s26+$0xFFFFFDA0];
	v7 =	vor.u32 s8, v2;
	[tilespmem:v9+s20+$0x0] =	vst.idx.msk $0xffff, v8  }
0x56: {  	[tilespmem:v11+s20+$0x0] =	vst.idx.msk $0xffff, v10;
	v10 =	vld [tilespmem:s26+$0xFFFFFEA0];
	v11 =	vor.u32 s30, v2  }
0x57: {  	[tilespmem:v13+s20+$0x0] =	vst.idx.msk $0xffff, v12;
	v12 =	vld [tilespmem:s26+$0xFFFFFF20];
	v13 =	vor.u32 s10, v2  }
0x58: {  	v8 =	vld [tilespmem:s26+$0xFFFFFE20];
	v9 =	vor.u32 s9, v2;
	[tilespmem:v15+s20+$0x0] =	vst.idx.msk $0xffff, v14  }
0x59: {  	[tilespmem:v5+s20+$0x0] =	vst.idx.msk $0xffff, v4;
	v4 =	vld [tilespmem:s26+$0xFFFFFFA0];
	v5 =	vor.u32 s11, v2  }
0x5a: {  	[tilespmem:v7+s20+$0x0] =	vst.idx.msk $0xffff, v6;
	v6 =	vld [tilespmem:s26+$0x20];
	v7 =	vor.u32 s12, v2  }
0x5b: {  	[tilespmem:v11+s20+$0x0] =	vst.idx.msk $0xffff, v10;
	v10 =	vld [tilespmem:s26+$0x120];
	v11 =	vor.u32 s16, v2  }
0x5c: {  	[tilespmem:v13+s20+$0x0] =	vst.idx.msk $0xffff, v12;
	v12 =	vld [tilespmem:s26+$0x1A0];
	v13 =	vor.u32 s19, v2  }
0x5d: {  	[tilespmem:v9+s20+$0x0] =	vst.idx.msk $0xffff, v8;
	v8 =	vld [tilespmem:s26+$0xA0];
	v9 =	vor.u32 s13, v2  }
0x5e: {  	[tilespmem:v5+s20+$0x0] =	vst.idx.msk $0xffff, v4;
	v4 =	vld [tilespmem:s26+$0x220];
	v5 =	vor.u32 s21, v2  }
0x5f: {  	[tilespmem:v7+s20+$0x0] =	vst.idx.msk $0xffff, v6;
	v6 =	vld [tilespmem:s26+$0x2A0];
	v7 =	vor.u32 s23, v2  }
0x60: {  	[tilespmem:v11+s20+$0x0] =	vst.idx.msk $0xffff, v10;
	v10 =	vld [tilespmem:s26+$0xFFFFFCB0];
	v11 =	vor.u32 s28, v3  }
0x61: {  	[tilespmem:v13+s20+$0x0] =	vst.idx.msk $0xffff, v12;
	v12 =	vld [tilespmem:s26+$0xFFFFFD30];
	v13 =	vor.u32 s7, v3  }
0x62: {  	[tilespmem:v9+s20+$0x0] =	vst.idx.msk $0xffff, v8;
	v8 =	vld [tilespmem:s26+$0x320];
	v9 =	vor.u32 s24, v2  }
0x63: {  	[tilespmem:v5+s20+$0x0] =	vst.idx.msk $0xffff, v4;
	v4 =	vld [tilespmem:s26+$0xFFFFFDB0];
	v5 =	vor.u32 s8, v3  }
0x64: {  	[tilespmem:v7+s20+$0x0] =	vst.idx.msk $0xffff, v6;
	v6 =	vld [tilespmem:s26+$0xFFFFFE30];
	v7 =	vor.u32 s9, v3  }
0x65: {  	[tilespmem:v11+s20+$0x0] =	vst.idx.msk $0xffff, v10;
	v10 =	vld [tilespmem:s26+$0xFFFFFF30];
	v11 =	vor.u32 s10, v3  }
0x66: {  	[tilespmem:v13+s20+$0x0] =	vst.idx.msk $0xffff, v12;
	v12 =	vld [tilespmem:s26+$0xFFFFFFB0];
	v13 =	vor.u32 s11, v3  }
0x67: {  	[tilespmem:v9+s20+$0x0] =	vst.idx.msk $0xffff, v8;
	v8 =	vld [tilespmem:s26+$0xFFFFFEB0];
	v9 =	vor.u32 s30, v3  }
0x68: {  	[tilespmem:v5+s20+$0x0] =	vst.idx.msk $0xffff, v4;
	v4 =	vld [tilespmem:s26+$0x30];
	v5 =	vor.u32 s12, v3  }
0x69: {  	[tilespmem:v7+s20+$0x0] =	vst.idx.msk $0xffff, v6;
	v6 =	vld [tilespmem:s26+$0xB0];
	v7 =	vor.u32 s13, v3  }
0x6a: {  	v15 =	vor.u32 s16, v3;
	v14 =	vld [tilespmem:s26+$0x130];
	[tilespmem:v11+s20+$0x0] =	vst.idx.msk $0xffff, v10  }
0x6b: {  	v11 =	vld [tilespmem:s26+$0x1B0];
	[tilespmem:v13+s20+$0x0] =	vst.idx.msk $0xffff, v12;
	v13 =	vor.u32 s19, v3  }
0x6c: {  	[tilespmem:v9+s20+$0x0] =	vst.idx.msk $0xffff, v8;
	v9 =	vld [tilespmem:s26+$0x230];
	v12 =	vor.u32 s21, v3  }
0x6d: {  	v10 =	vor.u32 s23, v3;
	[tilespmem:v5+s20+$0x0] =	vst.idx.msk $0xffff, v4;
	v4 =	vld [tilespmem:s26+$0x2B0]  }
0x6e: {  	s16 =	simm.s32 $0x20;
	[tilespmem:v7+s20+$0x0] =	vst.idx.msk $0xffff, v6;
	v7 =	vor.u32 s24, v3;
	v5 =	vld [tilespmem:s26+$0x330]  }
0x6f: {  	s9 =	simm.s32 $0x10;
	s10 =	simm.s32 $0x1F;
	[tilespmem:v15+s20+$0x0] =	vst.idx.msk $0xffff, v14;
	v8 =	vor.u32 s22, v3;
	s12 =	simm.s32 $0x7000;
	v6 =	vld [tilespmem:s26+$0xFFFFFC30]  }
.LBB2_3:
0x70: {  	p0 =	slt.u32 s16, $0x70;
	s1 =	sadd.s32 $0x1, s9;
	v14 =	vld [tilespmem:s12+$0x380];
	v15 =	vor.u32 s10, v0;
	[tilespmem:v13+s20+$0x0] =	vst.idx.msk $0xffff, v11;
	s13 =	smov.u32 s9  }
0x71: {  	s9 =	smov.u32 s16;
	v11 =	vld [tilespmem:s12+$0xFFFFFC80];
	v13 =	vor.u32 s1, v0;
	s7 =	sadd.s32 $0x2, s13;
	[tilespmem:v12+s20+$0x0] =	vst.idx.msk $0xffff, v9  }
0x72: {  	s8 =	sadd.s32 $0x3, s13;
	v9 =	vld [tilespmem:s12+$0xFFFFFD00];
	v12 =	vor.u32 s7, v0;
	[tilespmem:v10+s20+$0x0] =	vst.idx.msk $0xffff, v4  }
0x73: {  	s19 =	sadd.s32 $0x4, s13;
	v10 =	vor.u32 s8, v0;
	v4 =	vld [tilespmem:s12+$0xFFFFFD80];
	[tilespmem:v7+s20+$0x0] =	vst.idx.msk $0xffff, v5  }
0x74: {  	s21 =	sadd.s32 $0x5, s13;
	v7 =	vor.u32 s19, v0;
	v5 =	vld [tilespmem:s12+$0xFFFFFE00];
	[tilespmem:v8+s20+$0x0] =	vst.idx.msk $0xffff, v6  }
0x75: {  	v8 =	vor.u32 s21, v0;
	v6 =	vld [tilespmem:s12+$0xFFFFFE80];
	[tilespmem:v15+s20+$0x0] =	vst.idx.msk $0xffff, v14  }
0x76: {  	s22 =	sadd.s32 $0x6, s13;
	[tilespmem:v13+s20+$0x0] =	vst.idx.msk $0xffff, v11;
	v11 =	vld [tilespmem:s12+$0x390];
	v13 =	vor.u32 s10, v1  }
0x77: {  	s23 =	sadd.s32 $0x7, s13;
	[tilespmem:v12+s20+$0x0] =	vst.idx.msk $0xffff, v9;
	v9 =	vld [tilespmem:s12+$0xFFFFFF00];
	v12 =	vor.u32 s22, v0  }
0x78: {  	s24 =	sadd.s32 $0x8, s13;
	[tilespmem:v10+s20+$0x0] =	vst.idx.msk $0xffff, v4;
	v4 =	vld [tilespmem:s12+$0xFFFFFF80];
	v10 =	vor.u32 s23, v0  }
0x79: {  	s25 =	sadd.s32 $0x9, s13;
	[tilespmem:v7+s20+$0x0] =	vst.idx.msk $0xffff, v5;
	v5 =	vld [tilespmem:s12+$0x0];
	v7 =	vor.u32 s24, v0  }
0x7a: {  	s26 =	sadd.s32 $0xA, s13;
	[tilespmem:v8+s20+$0x0] =	vst.idx.msk $0xffff, v6;
	v6 =	vld [tilespmem:s12+$0x80];
	v8 =	vor.u32 s25, v0  }
0x7b: {  	v15 =	vor.u32 s26, v0;
	v14 =	vld [tilespmem:s12+$0x100];
	[tilespmem:v13+s20+$0x0] =	vst.idx.msk $0xffff, v11  }
0x7c: {  	s28 =	sadd.s32 $0xB, s13;
	v11 =	vor.u32 s10, v2;
	[tilespmem:v12+s20+$0x0] =	vst.idx.msk $0xffff, v9;
	v9 =	vld [tilespmem:s12+$0x3A0]  }
0x7d: {  	s30 =	sadd.s32 $0xC, s13;
	[tilespmem:v10+s20+$0x0] =	vst.idx.msk $0xffff, v4;
	v4 =	vld [tilespmem:s12+$0x180];
	v10 =	vor.u32 s28, v0  }
0x7e: {  	s0 =	sadd.s32 $0xD, s13;
	[tilespmem:v7+s20+$0x0] =	vst.idx.msk $0xffff, v5;
	v5 =	vld [tilespmem:s12+$0x200];
	v7 =	vor.u32 s30, v0  }
0x7f: {  	s2 =	sadd.s32 $0xE, s13;
	[tilespmem:v8+s20+$0x0] =	vst.idx.msk $0xffff, v6;
	v6 =	vld [tilespmem:s12+$0x280];
	v8 =	vor.u32 s0, v0  }
0x80: {  	v13 =	vor.u32 s2, v0;
	[tilespmem:v15+s20+$0x0] =	vst.idx.msk $0xffff, v14;
	v12 =	vld [tilespmem:s12+$0x300]  }
0x81: {  	v15 =	vor.u32 s13, v0;
	v14 =	vld [tilespmem:s12+$0xFFFFFC00];
	[tilespmem:v11+s20+$0x0] =	vst.idx.msk $0xffff, v9  }
0x82: {  	v9 =	vor.u32 s10, v3;
	[tilespmem:v10+s20+$0x0] =	vst.idx.msk $0xffff, v4;
	v4 =	vld [tilespmem:s12+$0x3B0]  }
0x83: {  	v11 =	vor.u32 s1, v1;
	v10 =	vld [tilespmem:s12+$0xFFFFFC90];
	[tilespmem:v7+s20+$0x0] =	vst.idx.msk $0xffff, v5  }
0x84: {  	v7 =	vor.u32 s7, v1;
	v5 =	vld [tilespmem:s12+$0xFFFFFD10];
	[tilespmem:v8+s20+$0x0] =	vst.idx.msk $0xffff, v6  }
0x85: {  	v8 =	vor.u32 s8, v1;
	v6 =	vld [tilespmem:s12+$0xFFFFFD90];
	[tilespmem:v13+s20+$0x0] =	vst.idx.msk $0xffff, v12  }
0x86: {  	v13 =	vor.u32 s19, v1;
	[tilespmem:v15+s20+$0x0] =	vst.idx.msk $0xffff, v14;
	v12 =	vld [tilespmem:s12+$0xFFFFFE10]  }
0x87: {  	v15 =	vor.u32 s21, v1;
	v14 =	vld [tilespmem:s12+$0xFFFFFE90];
	[tilespmem:v9+s20+$0x0] =	vst.idx.msk $0xffff, v4  }
0x88: {  	v9 =	vor.u32 s22, v1;
	[tilespmem:v11+s20+$0x0] =	vst.idx.msk $0xffff, v10;
	v4 =	vld [tilespmem:s12+$0xFFFFFF10]  }
0x89: {  	[tilespmem:v7+s20+$0x0] =	vst.idx.msk $0xffff, v5;
	v5 =	vld [tilespmem:s12+$0xFFFFFF90];
	v7 =	vor.u32 s23, v1  }
0x8a: {  	[tilespmem:v8+s20+$0x0] =	vst.idx.msk $0xffff, v6;
	v6 =	vld [tilespmem:s12+$0x10];
	v8 =	vor.u32 s24, v1  }
0x8b: {  	v11 =	vor.u32 s25, v1;
	[tilespmem:v13+s20+$0x0] =	vst.idx.msk $0xffff, v12;
	v10 =	vld [tilespmem:s12+$0x90]  }
0x8c: {  	v13 =	vor.u32 s26, v1;
	[tilespmem:v15+s20+$0x0] =	vst.idx.msk $0xffff, v14;
	v12 =	vld [tilespmem:s12+$0x110]  }
0x8d: {  	[tilespmem:v9+s20+$0x0] =	vst.idx.msk $0xffff, v4;
	v4 =	vld [tilespmem:s12+$0x190];
	v9 =	vor.u32 s28, v1  }
0x8e: {  	[tilespmem:v7+s20+$0x0] =	vst.idx.msk $0xffff, v5;
	v5 =	vld [tilespmem:s12+$0x210];
	v7 =	vor.u32 s30, v1  }
0x8f: {  	[tilespmem:v8+s20+$0x0] =	vst.idx.msk $0xffff, v6;
	v6 =	vld [tilespmem:s12+$0x290];
	v8 =	vor.u32 s0, v1  }
0x90: {  	[tilespmem:v11+s20+$0x0] =	vst.idx.msk $0xffff, v10;
	v10 =	vld [tilespmem:s12+$0x310];
	v11 =	vor.u32 s2, v1  }
0x91: {  	v15 =	vor.u32 s13, v1;
	v14 =	vld [tilespmem:s12+$0xFFFFFC10];
	[tilespmem:v13+s20+$0x0] =	vst.idx.msk $0xffff, v12  }
0x92: {  	v13 =	vor.u32 s1, v2;
	v12 =	vld [tilespmem:s12+$0xFFFFFCA0];
	[tilespmem:v9+s20+$0x0] =	vst.idx.msk $0xffff, v4  }
0x93: {  	v9 =	vor.u32 s7, v2;
	v4 =	vld [tilespmem:s12+$0xFFFFFD20];
	[tilespmem:v7+s20+$0x0] =	vst.idx.msk $0xffff, v5  }
0x94: {  	v7 =	vor.u32 s8, v2;
	v5 =	vld [tilespmem:s12+$0xFFFFFDA0];
	[tilespmem:v8+s20+$0x0] =	vst.idx.msk $0xffff, v6  }
0x95: {  	v8 =	vor.u32 s19, v2;
	v6 =	vld [tilespmem:s12+$0xFFFFFE20];
	[tilespmem:v11+s20+$0x0] =	vst.idx.msk $0xffff, v10  }
0x96: {  	v11 =	vor.u32 s21, v2;
	[tilespmem:v15+s20+$0x0] =	vst.idx.msk $0xffff, v14;
	v10 =	vld [tilespmem:s12+$0xFFFFFEA0]  }
0x97: {  	[tilespmem:v13+s20+$0x0] =	vst.idx.msk $0xffff, v12;
	v12 =	vld [tilespmem:s12+$0xFFFFFF20];
	v13 =	vor.u32 s22, v2  }
0x98: {  	[tilespmem:v9+s20+$0x0] =	vst.idx.msk $0xffff, v4;
	v4 =	vld [tilespmem:s12+$0xFFFFFFA0];
	v9 =	vor.u32 s23, v2  }
0x99: {  	[tilespmem:v7+s20+$0x0] =	vst.idx.msk $0xffff, v5;
	v5 =	vld [tilespmem:s12+$0x20];
	v7 =	vor.u32 s24, v2  }
0x9a: {  	[tilespmem:v8+s20+$0x0] =	vst.idx.msk $0xffff, v6;
	v6 =	vld [tilespmem:s12+$0xA0];
	v8 =	vor.u32 s25, v2  }
0x9b: {  	[tilespmem:v11+s20+$0x0] =	vst.idx.msk $0xffff, v10;
	v10 =	vld [tilespmem:s12+$0x120];
	v11 =	vor.u32 s26, v2  }
0x9c: {  	[tilespmem:v13+s20+$0x0] =	vst.idx.msk $0xffff, v12;
	v12 =	vld [tilespmem:s12+$0x1A0];
	v13 =	vor.u32 s28, v2  }
0x9d: {  	[tilespmem:v9+s20+$0x0] =	vst.idx.msk $0xffff, v4;
	v4 =	vld [tilespmem:s12+$0x220];
	v9 =	vor.u32 s30, v2  }
0x9e: {  	[tilespmem:v7+s20+$0x0] =	vst.idx.msk $0xffff, v5;
	v5 =	vld [tilespmem:s12+$0x2A0];
	v7 =	vor.u32 s0, v2  }
0x9f: {  	[tilespmem:v8+s20+$0x0] =	vst.idx.msk $0xffff, v6;
	v6 =	vld [tilespmem:s12+$0x320];
	v8 =	vor.u32 s2, v2  }
0xa0: {  	v15 =	vor.u32 s13, v2;
	v14 =	vld [tilespmem:s12+$0xFFFFFC20];
	[tilespmem:v11+s20+$0x0] =	vst.idx.msk $0xffff, v10  }
0xa1: {  	v11 =	vor.u32 s1, v3;
	v10 =	vld [tilespmem:s12+$0xFFFFFCB0];
	[tilespmem:v13+s20+$0x0] =	vst.idx.msk $0xffff, v12  }
0xa2: {  	v13 =	vor.u32 s7, v3;
	v12 =	vld [tilespmem:s12+$0xFFFFFD30];
	[tilespmem:v9+s20+$0x0] =	vst.idx.msk $0xffff, v4  }
0xa3: {  	v9 =	vor.u32 s8, v3;
	v4 =	vld [tilespmem:s12+$0xFFFFFDB0];
	[tilespmem:v7+s20+$0x0] =	vst.idx.msk $0xffff, v5  }
0xa4: {  	v7 =	vor.u32 s19, v3;
	v5 =	vld [tilespmem:s12+$0xFFFFFE30];
	[tilespmem:v8+s20+$0x0] =	vst.idx.msk $0xffff, v6  }
0xa5: {  	v8 =	vor.u32 s21, v3;
	[tilespmem:v15+s20+$0x0] =	vst.idx.msk $0xffff, v14;
	v6 =	vld [tilespmem:s12+$0xFFFFFEB0]  }
0xa6: {  	[tilespmem:v11+s20+$0x0] =	vst.idx.msk $0xffff, v10;
	v10 =	vld [tilespmem:s12+$0xFFFFFF30];
	v11 =	vor.u32 s22, v3  }
0xa7: {  	v14 =	vor.u32 s23, v3;
	[tilespmem:v13+s20+$0x0] =	vst.idx.msk $0xffff, v12;
	v12 =	vld [tilespmem:s12+$0xFFFFFFB0]  }
0xa8: {  	v15 =	vor.u32 s24, v3;
	[tilespmem:v9+s20+$0x0] =	vst.idx.msk $0xffff, v4;
	v4 =	vld [tilespmem:s12+$0x30]  }
0xa9: {  	[tilespmem:v7+s20+$0x0] =	vst.idx.msk $0xffff, v5;
	v5 =	vld [tilespmem:s12+$0xB0];
	v7 =	vor.u32 s25, v3  }
0xaa: {  	v17 =	vor.u32 s26, v3;
	[tilespmem:v8+s20+$0x0] =	vst.idx.msk $0xffff, v6;
	v16 =	vld [tilespmem:s12+$0x130]  }
.Ltmp0:
0xab: {  	v13 =	vor.u32 s28, v3;
	[tilespmem:v11+s20+$0x0] =	vst.idx.msk $0xffff, v10;
	v11 =	vld [tilespmem:s12+$0x1B0];
	(pc) =	sbr.rel @p0 .LBB2_3-.Ltmp0, $4  }
0xac: {  	[tilespmem:v14+s20+$0x0] =	vst.idx.msk $0xffff, v12;
	v9 =	vld [tilespmem:s12+$0x230];
	v12 =	vor.u32 s30, v3  }
0xad: {  	v10 =	vor.u32 s0, v3;
	[tilespmem:v15+s20+$0x0] =	vst.idx.msk $0xffff, v4;
	v4 =	vld [tilespmem:s12+$0x2B0]  }
0xae: {  	[tilespmem:v7+s20+$0x0] =	vst.idx.msk $0xffff, v5;
	v5 =	vld [tilespmem:s12+$0x330];
	v7 =	vor.u32 s2, v3  }
0xaf: {  	s16 =	sadd.s32 $0x10, s16;
	s10 =	sadd.s32 $0xF, s9;
	v8 =	vor.u32 s13, v3;
	v6 =	vld [tilespmem:s12+$0xFFFFFC30];
	[tilespmem:v17+s20+$0x0] =	vst.idx.msk $0xffff, v16;
	s12 =	sadd.s32 $0x800, s12  }
0xb0: {  	_ =	sdelay $0x3  }
0xb1: {  	s0 =	sadd.s32 $0x1, s9;
	v14 =	vld [tilespmem:s12+$0x380];
	v15 =	vor.u32 s10, v0;
	[tilespmem:v13+s20+$0x0] =	vst.idx.msk $0xffff, v11  }
0xb2: {  	v11 =	vld [tilespmem:s12+$0xFFFFFC80];
	s1 =	sadd.s32 $0x2, s9;
	v13 =	vor.u32 s0, v0;
	[tilespmem:v12+s20+$0x0] =	vst.idx.msk $0xffff, v9  }
0xb3: {  	s2 =	sadd.s32 $0x3, s9;
	v9 =	vld [tilespmem:s12+$0xFFFFFD00];
	v12 =	vor.u32 s1, v0;
	[tilespmem:v10+s20+$0x0] =	vst.idx.msk $0xffff, v4  }
0xb4: {  	s7 =	sadd.s32 $0x4, s9;
	v4 =	vld [tilespmem:s12+$0xFFFFFD80];
	v10 =	vor.u32 s2, v0;
	[tilespmem:v7+s20+$0x0] =	vst.idx.msk $0xffff, v5  }
0xb5: {  	s8 =	sadd.s32 $0x5, s9;
	v5 =	vld [tilespmem:s12+$0xFFFFFE00];
	v7 =	vor.u32 s7, v0;
	[tilespmem:v8+s20+$0x0] =	vst.idx.msk $0xffff, v6  }
0xb6: {  	s21 =	sadd.s32 $0xA, s9;
	v6 =	vld [tilespmem:s12+$0xFFFFFE80];
	v8 =	vor.u32 s8, v0;
	[tilespmem:v15+s20+$0x0] =	vst.idx.msk $0xffff, v14  }
0xb7: {  	v14 =	vld [tilespmem:s12+$0x100];
	v15 =	vor.u32 s21, v0;
	[tilespmem:v13+s20+$0x0] =	vst.idx.msk $0xffff, v11  }
0xb8: {  	s11 =	sadd.s32 $0x6, s9;
	v11 =	vld [tilespmem:s12+$0x390];
	v13 =	vor.u32 s10, v1;
	[tilespmem:v12+s20+$0x0] =	vst.idx.msk $0xffff, v9  }
0xb9: {  	s13 =	sadd.s32 $0x7, s9;
	v9 =	vld [tilespmem:s12+$0xFFFFFF00];
	v12 =	vor.u32 s11, v0;
	[tilespmem:v10+s20+$0x0] =	vst.idx.msk $0xffff, v4  }
0xba: {  	s16 =	sadd.s32 $0x8, s9;
	v4 =	vld [tilespmem:s12+$0xFFFFFF80];
	v10 =	vor.u32 s13, v0;
	[tilespmem:v7+s20+$0x0] =	vst.idx.msk $0xffff, v5  }
0xbb: {  	s19 =	sadd.s32 $0x9, s9;
	v5 =	vld [tilespmem:s12+$0x0];
	v7 =	vor.u32 s16, v0;
	[tilespmem:v8+s20+$0x0] =	vst.idx.msk $0xffff, v6  }
0xbc: {  	v6 =	vld [tilespmem:s12+$0x80];
	v8 =	vor.u32 s19, v0;
	[tilespmem:v15+s20+$0x0] =	vst.idx.msk $0xffff, v14  }
0xbd: {  	s25 =	sadd.s32 $0xE, s9;
	v14 =	vld [tilespmem:s12+$0xFFFFFC00];
	v15 =	vor.u32 s9, v0;
	[tilespmem:v13+s20+$0x0] =	vst.idx.msk $0xffff, v11  }
0xbe: {  	[tilespmem:v12+s20+$0x0] =	vst.idx.msk $0xffff, v9;
	v12 =	vld [tilespmem:s12+$0x300];
	v13 =	vor.u32 s25, v0  }
0xbf: {  	s22 =	sadd.s32 $0xB, s9;
	v11 =	vor.u32 s10, v2;
	v9 =	vld [tilespmem:s12+$0x3A0];
	[tilespmem:v10+s20+$0x0] =	vst.idx.msk $0xffff, v4  }
0xc0: {  	s23 =	sadd.s32 $0xC, s9;
	v4 =	vld [tilespmem:s12+$0x180];
	v10 =	vor.u32 s22, v0;
	[tilespmem:v7+s20+$0x0] =	vst.idx.msk $0xffff, v5  }
0xc1: {  	s24 =	sadd.s32 $0xD, s9;
	v5 =	vld [tilespmem:s12+$0x200];
	v7 =	vor.u32 s23, v0;
	[tilespmem:v8+s20+$0x0] =	vst.idx.msk $0xffff, v6  }
0xc2: {  	v6 =	vld [tilespmem:s12+$0x280];
	v8 =	vor.u32 s24, v0;
	[tilespmem:v15+s20+$0x0] =	vst.idx.msk $0xffff, v14  }
0xc3: {  	v14 =	vld [tilespmem:s12+$0xFFFFFE90];
	v15 =	vor.u32 s8, v1;
	[tilespmem:v13+s20+$0x0] =	vst.idx.msk $0xffff, v12  }
0xc4: {  	v12 =	vld [tilespmem:s12+$0xFFFFFE10];
	v13 =	vor.u32 s7, v1;
	[tilespmem:v11+s20+$0x0] =	vst.idx.msk $0xffff, v9  }
0xc5: {  	[tilespmem:v10+s20+$0x0] =	vst.idx.msk $0xffff, v4;
	v10 =	vld [tilespmem:s12+$0xFFFFFC90];
	v11 =	vor.u32 s0, v1  }
0xc6: {  	v9 =	vor.u32 s10, v3;
	v4 =	vld [tilespmem:s12+$0x3B0];
	[tilespmem:v7+s20+$0x0] =	vst.idx.msk $0xffff, v5  }
0xc7: {  	v5 =	vld [tilespmem:s12+$0xFFFFFD10];
	v7 =	vor.u32 s1, v1;
	[tilespmem:v8+s20+$0x0] =	vst.idx.msk $0xffff, v6  }
0xc8: {  	v6 =	vld [tilespmem:s12+$0xFFFFFD90];
	v8 =	vor.u32 s2, v1;
	[tilespmem:v15+s20+$0x0] =	vst.idx.msk $0xffff, v14  }
0xc9: {  	v14 =	vld [tilespmem:s12+$0xFFFFFC10];
	v15 =	vor.u32 s9, v1;
	[tilespmem:v13+s20+$0x0] =	vst.idx.msk $0xffff, v12  }
0xca: {  	v12 =	vld [tilespmem:s12+$0x110];
	v13 =	vor.u32 s21, v1;
	[tilespmem:v11+s20+$0x0] =	vst.idx.msk $0xffff, v10  }
0xcb: {  	v10 =	vld [tilespmem:s12+$0x90];
	v11 =	vor.u32 s19, v1;
	[tilespmem:v9+s20+$0x0] =	vst.idx.msk $0xffff, v4  }
0xcc: {  	v4 =	vld [tilespmem:s12+$0xFFFFFF10];
	v9 =	vor.u32 s11, v1;
	[tilespmem:v7+s20+$0x0] =	vst.idx.msk $0xffff, v5  }
0xcd: {  	v5 =	vld [tilespmem:s12+$0xFFFFFF90];
	v7 =	vor.u32 s13, v1;
	[tilespmem:v8+s20+$0x0] =	vst.idx.msk $0xffff, v6  }
0xce: {  	v6 =	vld [tilespmem:s12+$0x10];
	v8 =	vor.u32 s16, v1;
	[tilespmem:v15+s20+$0x0] =	vst.idx.msk $0xffff, v14  }
0xcf: {  	[tilespmem:v13+s20+$0x0] =	vst.idx.msk $0xffff, v12;
	v12 =	vld [tilespmem:s12+$0xFFFFFCA0];
	v13 =	vor.u32 s0, v2  }
0xd0: {  	[tilespmem:v11+s20+$0x0] =	vst.idx.msk $0xffff, v10;
	v10 =	vld [tilespmem:s12+$0x310];
	v11 =	vor.u32 s25, v1  }
0xd1: {  	[tilespmem:v9+s20+$0x0] =	vst.idx.msk $0xffff, v4;
	v4 =	vld [tilespmem:s12+$0x190];
	v9 =	vor.u32 s22, v1  }
0xd2: {  	[tilespmem:v7+s20+$0x0] =	vst.idx.msk $0xffff, v5;
	v5 =	vld [tilespmem:s12+$0x210];
	v7 =	vor.u32 s23, v1  }
0xd3: {  	[tilespmem:v8+s20+$0x0] =	vst.idx.msk $0xffff, v6;
	v6 =	vld [tilespmem:s12+$0x290];
	v8 =	vor.u32 s24, v1  }
0xd4: {  	[tilespmem:v13+s20+$0x0] =	vst.idx.msk $0xffff, v12;
	v12 =	vld [tilespmem:s12+$0xFFFFFF20];
	v13 =	vor.u32 s11, v2  }
0xd5: {  	[tilespmem:v11+s20+$0x0] =	vst.idx.msk $0xffff, v10;
	v10 =	vld [tilespmem:s12+$0xFFFFFEA0];
	v11 =	vor.u32 s8, v2  }
0xd6: {  	[tilespmem:v9+s20+$0x0] =	vst.idx.msk $0xffff, v4;
	v4 =	vld [tilespmem:s12+$0xFFFFFD20];
	v9 =	vor.u32 s1, v2  }
0xd7: {  	[tilespmem:v7+s20+$0x0] =	vst.idx.msk $0xffff, v5;
	v5 =	vld [tilespmem:s12+$0xFFFFFDA0];
	v7 =	vor.u32 s2, v2  }
0xd8: {  	[tilespmem:v8+s20+$0x0] =	vst.idx.msk $0xffff, v6;
	v6 =	vld [tilespmem:s12+$0xFFFFFE20];
	v8 =	vor.u32 s7, v2  }
0xd9: {  	[tilespmem:v13+s20+$0x0] =	vst.idx.msk $0xffff, v12;
	v12 =	vld [tilespmem:s12+$0x1A0];
	v13 =	vor.u32 s22, v2  }
0xda: {  	[tilespmem:v11+s20+$0x0] =	vst.idx.msk $0xffff, v10;
	v10 =	vld [tilespmem:s12+$0x120];
	v11 =	vor.u32 s21, v2  }
0xdb: {  	[tilespmem:v9+s20+$0x0] =	vst.idx.msk $0xffff, v4;
	v4 =	vld [tilespmem:s12+$0xFFFFFFA0];
	v9 =	vor.u32 s13, v2  }
0xdc: {  	[tilespmem:v7+s20+$0x0] =	vst.idx.msk $0xffff, v5;
	v5 =	vld [tilespmem:s12+$0x20];
	v7 =	vor.u32 s16, v2  }
0xdd: {  	[tilespmem:v8+s20+$0x0] =	vst.idx.msk $0xffff, v6;
	v6 =	vld [tilespmem:s12+$0xA0];
	v8 =	vor.u32 s19, v2  }
0xde: {  	[tilespmem:v13+s20+$0x0] =	vst.idx.msk $0xffff, v12;
	v12 =	vor.u32 s1, v3;
	v13 =	vld [tilespmem:s12+$0xFFFFFD30]  }
0xdf: {  	[tilespmem:v11+s20+$0x0] =	vst.idx.msk $0xffff, v10;
	v10 =	vor.u32 s0, v3;
	v11 =	vld [tilespmem:s12+$0xFFFFFCB0]  }
0xe0: {  	[tilespmem:v9+s20+$0x0] =	vst.idx.msk $0xffff, v4;
	v4 =	vld [tilespmem:s12+$0x220];
	v9 =	vor.u32 s23, v2  }
0xe1: {  	[tilespmem:v7+s20+$0x0] =	vst.idx.msk $0xffff, v5;
	v5 =	vld [tilespmem:s12+$0x2A0];
	v7 =	vor.u32 s24, v2  }
0xe2: {  	v15 =	vor.u32 s9, v2;
	v14 =	vld [tilespmem:s12+$0xFFFFFC20];
	[tilespmem:v8+s20+$0x0] =	vst.idx.msk $0xffff, v6  }
0xe3: {  	v6 =	vld [tilespmem:s12+$0x320];
	v8 =	vor.u32 s25, v2;
	[tilespmem:v12+s20+$0x0] =	vst.idx.msk $0xffff, v13  }
0xe4: {  	v12 =	vld [tilespmem:s12+$0xFFFFFFB0];
	[tilespmem:v10+s20+$0x0] =	vst.idx.msk $0xffff, v11;
	v11 =	vor.u32 s13, v3  }
0xe5: {  	[tilespmem:v9+s20+$0x0] =	vst.idx.msk $0xffff, v4;
	v4 =	vor.u32 s2, v3;
	v9 =	vld [tilespmem:s12+$0xFFFFFDB0]  }
0xe6: {  	[tilespmem:v7+s20+$0x0] =	vst.idx.msk $0xffff, v5;
	v5 =	vor.u32 s7, v3;
	v7 =	vld [tilespmem:s12+$0xFFFFFE30]  }
0xe7: {  	[tilespmem:v15+s20+$0x0] =	vst.idx.msk $0xffff, v14;
	v14 =	vor.u32 s11, v3;
	v10 =	vld [tilespmem:s12+$0xFFFFFF30]  }
0xe8: {  	[tilespmem:v8+s20+$0x0] =	vst.idx.msk $0xffff, v6;
	v6 =	vor.u32 s8, v3;
	v8 =	vld [tilespmem:s12+$0xFFFFFEB0]  }
0xe9: {  	[tilespmem:v11+s20+$0x0] =	vst.idx.msk $0xffff, v12;
	v11 =	vld [tilespmem:s12+$0x230];
	v12 =	vor.u32 s23, v3  }
0xea: {  	v13 =	vor.u32 s16, v3;
	[tilespmem:v4+s20+$0x0] =	vst.idx.msk $0xffff, v9;
	v4 =	vld [tilespmem:s12+$0x30]  }
0xeb: {  	v9 =	vor.u32 s19, v3;
	[tilespmem:v5+s20+$0x0] =	vst.idx.msk $0xffff, v7;
	v5 =	vld [tilespmem:s12+$0xB0]  }
0xec: {  	v15 =	vor.u32 s9, v3;
	[tilespmem:v14+s20+$0x0] =	vst.idx.msk $0xffff, v10;
	v14 =	vld [tilespmem:s12+$0xFFFFFC30]  }
0xed: {  	v7 =	vor.u32 s21, v3;
	[tilespmem:v6+s20+$0x0] =	vst.idx.msk $0xffff, v8;
	v6 =	vld [tilespmem:s12+$0x130]  }
0xee: {  	v10 =	vld [tilespmem:s12+$0x1B0];
	v8 =	vor.u32 s22, v3;
	[tilespmem:v12+s20+$0x0] =	vst.idx.msk $0xffff, v11  }
0xef: {  	[tilespmem:v13+s20+$0x0] =	vst.idx.msk $0xffff, v4;
	v4 =	vld [tilespmem:s12+$0x2B0];
	v13 =	vor.u32 s24, v3  }
0xf0: {  	[tilespmem:v9+s20+$0x0] =	vst.idx.msk $0xffff, v5;
	v5 =	vld [tilespmem:s12+$0x330];
	v9 =	vor.u32 s25, v3  }
0xf1: {  	[tilespmem:v15+s20+$0x0] =	vst.idx.msk $0xffff, v14  }
0xf2: {  	s12 =	sshll.u32 s17, $0x14;
	[tilespmem:v7+s20+$0x0] =	vst.idx.msk $0xffff, v6  }
0xf3: {  	[tilespmem:v8+s20+$0x0] =	vst.idx.msk $0xffff, v10;
	s0 =	sor.u32 s6, s12  }
0xf4: {  	s9 =	sshrl.u32 s0, $0x3;
	[tilespmem:v13+s20+$0x0] =	vst.idx.msk $0xffff, v4  }
0xf5: {  	s0 =	sadd.s32 s31, s9;
	[tilespmem:v9+s20+$0x0] =	vst.idx.msk $0xffff, v5  }
0xf6: {  	[hbm4b:s0+s3] =	stream.linear.scatter [tilespmem:s20], [sflag:$0x2], $0x400, $0x38;
	[tilespmem:$0x1E400] =	vst v63  }
0xf7: {  	s16 =	simm.s32 $0x16C00;
	s13 =	sadd.s32 $0x1000, s0  }
0xf8: {  	[hbm4b:s13+s3] =	stream.linear.scatter [tilespmem:s16], [sflag:$0x2], $0x400, $0x38;
	[tilespmem:$0x1E400] =	vst v63  }
0xf9: {  	s21 =	simm.s32 $0x17400;
	s19 =	sadd.s32 $0x2000, s0  }
0xfa: {  	[hbm4b:s19+s3] =	stream.linear.scatter [tilespmem:s21], [sflag:$0x2], $0x400, $0x38;
	[tilespmem:$0x1E400] =	vst v63  }
0xfb: {  	s23 =	simm.s32 $0x17C00;
	s22 =	sadd.s32 $0x3000, s0  }
0xfc: {  	[hbm4b:s22+s3] =	stream.linear.scatter [tilespmem:s23], [sflag:$0x2], $0x400, $0x38;
	[tilespmem:$0x1E400] =	vst v63  }
0xfd: {  	s25 =	simm.s32 $0x18400;
	s24 =	sadd.s32 $0x4000, s0  }
0xfe: {  	[hbm4b:s24+s3] =	stream.linear.scatter [tilespmem:s25], [sflag:$0x2], $0x400, $0x38;
	[tilespmem:$0x1E400] =	vst v63  }
0xff: {  	s14 =	smov.u32 s31;
	s28 =	simm.s32 $0x18C00;
	s26 =	sadd.s32 $0x5000, s0  }
0x100: {  	[hbm4b:s26+s3] =	stream.linear.scatter [tilespmem:s28], [sflag:$0x2], $0x400, $0x38;
	[tilespmem:$0x1E400] =	vst v63  }
0x101: {  	p0 =	seq.s32 s17, $0x31;
	s31 =	simm.s32 $0x19400;
	s30 =	sadd.s32 $0x6000, s0  }
0x102: {  	[hbm4b:s30+s3] =	stream.linear.scatter [tilespmem:s31], [sflag:$0x2], $0x400, $0x38;
	[tilespmem:$0x1E400] =	vst v63  }
0x103: {  	p1 =	seq.s32 @!p0 s17, $0x0;
	s2 =	simm.s32 $0x19C00;
	s0 =	sadd.s32 $0x7000, s0  }
0x104: {  	[hbm4b:s0+s3] =	stream.linear.scatter [tilespmem:s2], [sflag:$0x2], $0x400, $0x38;
	[tilespmem:$0x1E400] =	vst v63  }
0x105: {  	p1 =	por p0, !p1;
	s0 =	sshll.u32 @!p0 s17, $0x9;
	_ =	swait.ge [sflag:s18], $0x4000  }
0x106: {  	s1 =	simm.s32 @!p0 $0x80;
	s12 =	sand.u32 @!p0 $0x3FFFFE00, s0;
	[sflag:s18] =	ssyncset.done $0x0  }
0x107: {  	s2 =	simm.s32 @!p0 $0x6400;
	s0 =	sadd.s32 @!p0 $0x200, s12;
	[sflag:s18] =	ssyncadd.s32 $0xFFFFC000  }
0x108: {  	[tilespmem:s2], [sflag:$0x1] =	stream.indirect.gather @!p0 [hbm4b:s4+s1], $0x80, s0, s1, $0xb8;
	[tilespmem:$0x1E400] =	vst v63  }
0x109: {  	_ =	swait.ge @p1 [sflag:s15], $0x2000  }
0x10a: {  	[sflag:s15] =	ssyncset.done @p1 $0x0  }
0x10b: {  	s28 =	simm.s32 $0xF;
	s1 =	simm.s32 $0xABB0;
	[sflag:s15] =	ssyncadd.s32 @p1 $0xFFFFE000  }
0x10c: {  	s7 =	simm.s32 $0x1;
	v5 =	vor.u32 s28, v0;
	v4 =	vld [tilespmem:s1+$0xFFFFFFD0]  }
0x10d: {  	s8 =	simm.s32 $0x2;
	v7 =	vor.u32 s7, v0;
	v6 =	vld [tilespmem:s1+$0xFFFFF8D0]  }
0x10e: {  	s10 =	simm.s32 $0x3;
	v9 =	vor.u32 s8, v0;
	v8 =	vld [tilespmem:s1+$0xFFFFF950]  }
0x10f: {  	s11 =	simm.s32 $0x4;
	v11 =	vor.u32 s10, v0;
	v10 =	vld [tilespmem:s1+$0xFFFFF9D0]  }
0x110: {  	v13 =	vor.u32 s11, v0;
	s13 =	simm.s32 $0x5;
	v12 =	vld [tilespmem:s1+$0xFFFFFA50]  }
0x111: {  	s16 =	simm.s32 $0x6;
	v15 =	vor.u32 s13, v0;
	v14 =	vld [tilespmem:s1+$0xFFFFFAD0];
	[tilespmem:v5+s29+$0x0] =	vst.idx.msk $0xffff, v4  }
0x112: {  	s19 =	simm.s32 $0x7;
	[tilespmem:v7+s29+$0x0] =	vst.idx.msk $0xffff, v6;
	v6 =	vld [tilespmem:s1+$0xFFFFFB50];
	v7 =	vor.u32 s16, v0  }
0x113: {  	s21 =	simm.s32 $0x8;
	[tilespmem:v9+s29+$0x0] =	vst.idx.msk $0xffff, v8;
	v8 =	vld [tilespmem:s1+$0xFFFFFBD0];
	v9 =	vor.u32 s19, v0  }
0x114: {  	[tilespmem:v11+s29+$0x0] =	vst.idx.msk $0xffff, v10;
	v10 =	vld [tilespmem:s1+$0xFFFFFC50];
	v11 =	vor.u32 s21, v0  }
0x115: {  	s22 =	simm.s32 $0x9;
	v5 =	vor.u32 s28, v1;
	[tilespmem:v13+s29+$0x0] =	vst.idx.msk $0xffff, v12;
	v4 =	vld [tilespmem:s1+$0xFFFFFFE0]  }
0x116: {  	s23 =	simm.s32 $0xA;
	[tilespmem:v15+s29+$0x0] =	vst.idx.msk $0xffff, v14;
	v12 =	vld [tilespmem:s1+$0xFFFFFCD0];
	v13 =	vor.u32 s22, v0  }
0x117: {  	s24 =	simm.s32 $0xB;
	v14 =	vld [tilespmem:s1+$0xFFFFFD50];
	v15 =	vor.u32 s23, v0;
	[tilespmem:v7+s29+$0x0] =	vst.idx.msk $0xffff, v6  }
0x118: {  	s25 =	simm.s32 $0xC;
	[tilespmem:v9+s29+$0x0] =	vst.idx.msk $0xffff, v8;
	v6 =	vld [tilespmem:s1+$0xFFFFFDD0];
	v7 =	vor.u32 s24, v0  }
0x119: {  	s30 =	simm.s32 $0xD;
	[tilespmem:v11+s29+$0x0] =	vst.idx.msk $0xffff, v10;
	v8 =	vld [tilespmem:s1+$0xFFFFFE50];
	v9 =	vor.u32 s25, v0  }
0x11a: {  	v10 =	vld [tilespmem:s1+$0xFFFFFED0];
	v11 =	vor.u32 s30, v0;
	[tilespmem:v5+s29+$0x0] =	vst.idx.msk $0xffff, v4  }
0x11b: {  	s26 =	simm.s32 $0xE;
	[tilespmem:v13+s29+$0x0] =	vst.idx.msk $0xffff, v12;
	v5 =	vor.u32 s28, v2;
	v4 =	vld [tilespmem:s1+$0xFFFFFFF0]  }
0x11c: {  	s31 =	simm.s32 $0x0;
	[tilespmem:v15+s29+$0x0] =	vst.idx.msk $0xffff, v14;
	v12 =	vld [tilespmem:s1+$0xFFFFFF50];
	v13 =	vor.u32 s26, v0  }
0x11d: {  	v14 =	vld [tilespmem:s1+$0xFFFFF850];
	v15 =	vor.u32 s31, v0;
	[tilespmem:v7+s29+$0x0] =	vst.idx.msk $0xffff, v6  }
0x11e: {  	v6 =	vld [tilespmem:s1+$0xFFFFF8E0];
	v7 =	vor.u32 s7, v1;
	[tilespmem:v9+s29+$0x0] =	vst.idx.msk $0xffff, v8  }
0x11f: {  	v8 =	vld [tilespmem:s1+$0xFFFFF960];
	v9 =	vor.u32 s8, v1;
	[tilespmem:v11+s29+$0x0] =	vst.idx.msk $0xffff, v10  }
0x120: {  	v10 =	vld [tilespmem:s1+$0xFFFFF9E0];
	v11 =	vor.u32 s10, v1;
	[tilespmem:v5+s29+$0x0] =	vst.idx.msk $0xffff, v4  }
0x121: {  	[tilespmem:v13+s29+$0x0] =	vst.idx.msk $0xffff, v12;
	v5 =	vor.u32 s28, v3;
	v4 =	vld [tilespmem:s1+$0x0]  }
0x122: {  	[tilespmem:v15+s29+$0x0] =	vst.idx.msk $0xffff, v14;
	v12 =	vld [tilespmem:s1+$0xFFFFFA60];
	v13 =	vor.u32 s11, v1  }
0x123: {  	v14 =	vld [tilespmem:s1+$0xFFFFFAE0];
	v15 =	vor.u32 s13, v1;
	[tilespmem:v7+s29+$0x0] =	vst.idx.msk $0xffff, v6  }
0x124: {  	[tilespmem:v9+s29+$0x0] =	vst.idx.msk $0xffff, v8;
	v6 =	vld [tilespmem:s1+$0xFFFFFBE0];
	v7 =	vor.u32 s19, v1  }
0x125: {  	[tilespmem:v11+s29+$0x0] =	vst.idx.msk $0xffff, v10;
	v8 =	vld [tilespmem:s1+$0xFFFFFC60];
	v9 =	vor.u32 s21, v1  }
0x126: {  	[tilespmem:v5+s29+$0x0] =	vst.idx.msk $0xffff, v4;
	v4 =	vld [tilespmem:s1+$0xFFFFFB60];
	v5 =	vor.u32 s16, v1  }
0x127: {  	[tilespmem:v13+s29+$0x0] =	vst.idx.msk $0xffff, v12;
	v10 =	vld [tilespmem:s1+$0xFFFFFCE0];
	v11 =	vor.u32 s22, v1  }
0x128: {  	[tilespmem:v15+s29+$0x0] =	vst.idx.msk $0xffff, v14;
	v12 =	vld [tilespmem:s1+$0xFFFFFD60];
	v13 =	vor.u32 s23, v1  }
0x129: {  	v14 =	vld [tilespmem:s1+$0xFFFFF860];
	v15 =	vor.u32 s31, v1;
	[tilespmem:v7+s29+$0x0] =	vst.idx.msk $0xffff, v6  }
0x12a: {  	v6 =	vld [tilespmem:s1+$0xFFFFFE60];
	v7 =	vor.u32 s25, v1;
	[tilespmem:v9+s29+$0x0] =	vst.idx.msk $0xffff, v8  }
0x12b: {  	[tilespmem:v5+s29+$0x0] =	vst.idx.msk $0xffff, v4;
	v4 =	vld [tilespmem:s1+$0xFFFFFDE0];
	v5 =	vor.u32 s24, v1  }
0x12c: {  	v8 =	vld [tilespmem:s1+$0xFFFFFEE0];
	v9 =	vor.u32 s30, v1;
	[tilespmem:v11+s29+$0x0] =	vst.idx.msk $0xffff, v10  }
0x12d: {  	v10 =	vld [tilespmem:s1+$0xFFFFFF60];
	v11 =	vor.u32 s26, v1;
	[tilespmem:v13+s29+$0x0] =	vst.idx.msk $0xffff, v12  }
0x12e: {  	v12 =	vld [tilespmem:s1+$0xFFFFF8F0];
	v13 =	vor.u32 s7, v2;
	[tilespmem:v15+s29+$0x0] =	vst.idx.msk $0xffff, v14  }
0x12f: {  	v15 =	vor.u32 s31, v2;
	v14 =	vld [tilespmem:s1+$0xFFFFF870];
	[tilespmem:v7+s29+$0x0] =	vst.idx.msk $0xffff, v6  }
0x130: {  	[tilespmem:v5+s29+$0x0] =	vst.idx.msk $0xffff, v4;
	v4 =	vld [tilespmem:s1+$0xFFFFF970];
	v5 =	vor.u32 s8, v2  }
0x131: {  	v6 =	vld [tilespmem:s1+$0xFFFFF9F0];
	v7 =	vor.u32 s10, v2;
	[tilespmem:v9+s29+$0x0] =	vst.idx.msk $0xffff, v8  }
0x132: {  	[tilespmem:v11+s29+$0x0] =	vst.idx.msk $0xffff, v10;
	v10 =	vld [tilespmem:s1+$0xFFFFFAF0];
	v11 =	vor.u32 s13, v2  }
0x133: {  	[tilespmem:v13+s29+$0x0] =	vst.idx.msk $0xffff, v12;
	v12 =	vld [tilespmem:s1+$0xFFFFFB70];
	v13 =	vor.u32 s16, v2  }
0x134: {  	v8 =	vld [tilespmem:s1+$0xFFFFFA70];
	v9 =	vor.u32 s11, v2;
	[tilespmem:v15+s29+$0x0] =	vst.idx.msk $0xffff, v14  }
0x135: {  	[tilespmem:v5+s29+$0x0] =	vst.idx.msk $0xffff, v4;
	v4 =	vld [tilespmem:s1+$0xFFFFFBF0];
	v5 =	vor.u32 s19, v2  }
0x136: {  	[tilespmem:v7+s29+$0x0] =	vst.idx.msk $0xffff, v6;
	v6 =	vld [tilespmem:s1+$0xFFFFFC70];
	v7 =	vor.u32 s21, v2  }
0x137: {  	[tilespmem:v11+s29+$0x0] =	vst.idx.msk $0xffff, v10;
	v10 =	vld [tilespmem:s1+$0xFFFFFD70];
	v11 =	vor.u32 s23, v2  }
0x138: {  	[tilespmem:v13+s29+$0x0] =	vst.idx.msk $0xffff, v12;
	v12 =	vld [tilespmem:s1+$0xFFFFFDF0];
	v13 =	vor.u32 s24, v2  }
0x139: {  	[tilespmem:v9+s29+$0x0] =	vst.idx.msk $0xffff, v8;
	v8 =	vld [tilespmem:s1+$0xFFFFFCF0];
	v9 =	vor.u32 s22, v2  }
0x13a: {  	[tilespmem:v5+s29+$0x0] =	vst.idx.msk $0xffff, v4;
	v4 =	vld [tilespmem:s1+$0xFFFFFE70];
	v5 =	vor.u32 s25, v2  }
0x13b: {  	[tilespmem:v7+s29+$0x0] =	vst.idx.msk $0xffff, v6;
	v6 =	vld [tilespmem:s1+$0xFFFFFEF0];
	v7 =	vor.u32 s30, v2  }
0x13c: {  	[tilespmem:v11+s29+$0x0] =	vst.idx.msk $0xffff, v10;
	v10 =	vld [tilespmem:s1+$0xFFFFF900];
	v11 =	vor.u32 s7, v3  }
0x13d: {  	[tilespmem:v13+s29+$0x0] =	vst.idx.msk $0xffff, v12;
	v12 =	vld [tilespmem:s1+$0xFFFFF980];
	v13 =	vor.u32 s8, v3  }
0x13e: {  	[tilespmem:v9+s29+$0x0] =	vst.idx.msk $0xffff, v8;
	v8 =	vld [tilespmem:s1+$0xFFFFFF70];
	v9 =	vor.u32 s26, v2  }
0x13f: {  	[tilespmem:v5+s29+$0x0] =	vst.idx.msk $0xffff, v4;
	v4 =	vld [tilespmem:s1+$0xFFFFFA00];
	v5 =	vor.u32 s10, v3  }
0x140: {  	[tilespmem:v7+s29+$0x0] =	vst.idx.msk $0xffff, v6;
	v6 =	vld [tilespmem:s1+$0xFFFFFA80];
	v7 =	vor.u32 s11, v3  }
0x141: {  	[tilespmem:v11+s29+$0x0] =	vst.idx.msk $0xffff, v10;
	v10 =	vld [tilespmem:s1+$0xFFFFFB80];
	v11 =	vor.u32 s16, v3  }
0x142: {  	[tilespmem:v13+s29+$0x0] =	vst.idx.msk $0xffff, v12;
	v12 =	vld [tilespmem:s1+$0xFFFFFC00];
	v13 =	vor.u32 s19, v3  }
0x143: {  	[tilespmem:v9+s29+$0x0] =	vst.idx.msk $0xffff, v8;
	v8 =	vld [tilespmem:s1+$0xFFFFFB00];
	v9 =	vor.u32 s13, v3  }
0x144: {  	[tilespmem:v5+s29+$0x0] =	vst.idx.msk $0xffff, v4;
	v4 =	vld [tilespmem:s1+$0xFFFFFC80];
	v5 =	vor.u32 s21, v3  }
0x145: {  	[tilespmem:v7+s29+$0x0] =	vst.idx.msk $0xffff, v6;
	v6 =	vld [tilespmem:s1+$0xFFFFFD00];
	v7 =	vor.u32 s22, v3  }
0x146: {  	v15 =	vor.u32 s23, v3;
	v14 =	vld [tilespmem:s1+$0xFFFFFD80];
	[tilespmem:v11+s29+$0x0] =	vst.idx.msk $0xffff, v10  }
0x147: {  	v11 =	vld [tilespmem:s1+$0xFFFFFE00];
	[tilespmem:v13+s29+$0x0] =	vst.idx.msk $0xffff, v12;
	v13 =	vor.u32 s24, v3  }
0x148: {  	[tilespmem:v9+s29+$0x0] =	vst.idx.msk $0xffff, v8;
	v9 =	vld [tilespmem:s1+$0xFFFFFE80];
	v12 =	vor.u32 s25, v3  }
0x149: {  	v10 =	vor.u32 s30, v3;
	[tilespmem:v5+s29+$0x0] =	vst.idx.msk $0xffff, v4;
	v4 =	vld [tilespmem:s1+$0xFFFFFF00]  }
0x14a: {  	s16 =	simm.s32 $0x10;
	[tilespmem:v7+s29+$0x0] =	vst.idx.msk $0xffff, v6;
	v7 =	vor.u32 s26, v3;
	v5 =	vld [tilespmem:s1+$0xFFFFFF80]  }
0x14b: {  	s11 =	simm.s32 $0x1F;
	s13 =	simm.s32 $0x20;
	s19 =	simm.s32 $0xB3B0;
	[tilespmem:v15+s29+$0x0] =	vst.idx.msk $0xffff, v14;
	v8 =	vor.u32 s31, v3;
	v6 =	vld [tilespmem:s1+$0xFFFFF880]  }
.LBB2_5:
0x14c: {  	p1 =	slt.u32 s13, $0x70;
	s7 =	sadd.s32 $0x1, s16;
	v14 =	vld [tilespmem:s19+$0xFFFFFFD0];
	v15 =	vor.u32 s11, v0;
	[tilespmem:v13+s29+$0x0] =	vst.idx.msk $0xffff, v11;
	s1 =	smov.u32 s16  }
0x14d: {  	s16 =	smov.u32 s13;
	v11 =	vld [tilespmem:s19+$0xFFFFF8D0];
	v13 =	vor.u32 s7, v0;
	s8 =	sadd.s32 $0x2, s1;
	[tilespmem:v12+s29+$0x0] =	vst.idx.msk $0xffff, v9  }
0x14e: {  	s21 =	sadd.s32 $0x3, s1;
	v9 =	vld [tilespmem:s19+$0xFFFFF950];
	v12 =	vor.u32 s8, v0;
	[tilespmem:v10+s29+$0x0] =	vst.idx.msk $0xffff, v4  }
0x14f: {  	s22 =	sadd.s32 $0x4, s1;
	v10 =	vor.u32 s21, v0;
	v4 =	vld [tilespmem:s19+$0xFFFFF9D0];
	[tilespmem:v7+s29+$0x0] =	vst.idx.msk $0xffff, v5  }
0x150: {  	s23 =	sadd.s32 $0x5, s1;
	v7 =	vor.u32 s22, v0;
	v5 =	vld [tilespmem:s19+$0xFFFFFA50];
	[tilespmem:v8+s29+$0x0] =	vst.idx.msk $0xffff, v6  }
0x151: {  	v8 =	vor.u32 s23, v0;
	v6 =	vld [tilespmem:s19+$0xFFFFFAD0];
	[tilespmem:v15+s29+$0x0] =	vst.idx.msk $0xffff, v14  }
0x152: {  	s24 =	sadd.s32 $0x6, s1;
	[tilespmem:v13+s29+$0x0] =	vst.idx.msk $0xffff, v11;
	v11 =	vld [tilespmem:s19+$0xFFFFFFE0];
	v13 =	vor.u32 s11, v1  }
0x153: {  	s25 =	sadd.s32 $0x7, s1;
	[tilespmem:v12+s29+$0x0] =	vst.idx.msk $0xffff, v9;
	v9 =	vld [tilespmem:s19+$0xFFFFFB50];
	v12 =	vor.u32 s24, v0  }
0x154: {  	s26 =	sadd.s32 $0x8, s1;
	[tilespmem:v10+s29+$0x0] =	vst.idx.msk $0xffff, v4;
	v4 =	vld [tilespmem:s19+$0xFFFFFBD0];
	v10 =	vor.u32 s25, v0  }
0x155: {  	s28 =	sadd.s32 $0x9, s1;
	[tilespmem:v7+s29+$0x0] =	vst.idx.msk $0xffff, v5;
	v5 =	vld [tilespmem:s19+$0xFFFFFC50];
	v7 =	vor.u32 s26, v0  }
0x156: {  	s30 =	sadd.s32 $0xA, s1;
	[tilespmem:v8+s29+$0x0] =	vst.idx.msk $0xffff, v6;
	v6 =	vld [tilespmem:s19+$0xFFFFFCD0];
	v8 =	vor.u32 s28, v0  }
0x157: {  	v15 =	vor.u32 s30, v0;
	v14 =	vld [tilespmem:s19+$0xFFFFFD50];
	[tilespmem:v13+s29+$0x0] =	vst.idx.msk $0xffff, v11  }
0x158: {  	s31 =	sadd.s32 $0xB, s1;
	v11 =	vor.u32 s11, v2;
	[tilespmem:v12+s29+$0x0] =	vst.idx.msk $0xffff, v9;
	v9 =	vld [tilespmem:s19+$0xFFFFFFF0]  }
0x159: {  	s0 =	sadd.s32 $0xC, s1;
	[tilespmem:v10+s29+$0x0] =	vst.idx.msk $0xffff, v4;
	v4 =	vld [tilespmem:s19+$0xFFFFFDD0];
	v10 =	vor.u32 s31, v0  }
0x15a: {  	s2 =	sadd.s32 $0xD, s1;
	[tilespmem:v7+s29+$0x0] =	vst.idx.msk $0xffff, v5;
	v5 =	vld [tilespmem:s19+$0xFFFFFE50];
	v7 =	vor.u32 s0, v0  }
0x15b: {  	s10 =	sadd.s32 $0xE, s1;
	[tilespmem:v8+s29+$0x0] =	vst.idx.msk $0xffff, v6;
	v6 =	vld [tilespmem:s19+$0xFFFFFED0];
	v8 =	vor.u32 s2, v0  }
0x15c: {  	v13 =	vor.u32 s10, v0;
	[tilespmem:v15+s29+$0x0] =	vst.idx.msk $0xffff, v14;
	v12 =	vld [tilespmem:s19+$0xFFFFFF50]  }
0x15d: {  	v15 =	vor.u32 s1, v0;
	v14 =	vld [tilespmem:s19+$0xFFFFF850];
	[tilespmem:v11+s29+$0x0] =	vst.idx.msk $0xffff, v9  }
0x15e: {  	v9 =	vor.u32 s11, v3;
	[tilespmem:v10+s29+$0x0] =	vst.idx.msk $0xffff, v4;
	v4 =	vld [tilespmem:s19+$0x0]  }
0x15f: {  	v11 =	vor.u32 s7, v1;
	v10 =	vld [tilespmem:s19+$0xFFFFF8E0];
	[tilespmem:v7+s29+$0x0] =	vst.idx.msk $0xffff, v5  }
0x160: {  	v7 =	vor.u32 s8, v1;
	v5 =	vld [tilespmem:s19+$0xFFFFF960];
	[tilespmem:v8+s29+$0x0] =	vst.idx.msk $0xffff, v6  }
0x161: {  	v8 =	vor.u32 s21, v1;
	v6 =	vld [tilespmem:s19+$0xFFFFF9E0];
	[tilespmem:v13+s29+$0x0] =	vst.idx.msk $0xffff, v12  }
0x162: {  	v13 =	vor.u32 s22, v1;
	[tilespmem:v15+s29+$0x0] =	vst.idx.msk $0xffff, v14;
	v12 =	vld [tilespmem:s19+$0xFFFFFA60]  }
0x163: {  	v15 =	vor.u32 s23, v1;
	v14 =	vld [tilespmem:s19+$0xFFFFFAE0];
	[tilespmem:v9+s29+$0x0] =	vst.idx.msk $0xffff, v4  }
0x164: {  	v9 =	vor.u32 s24, v1;
	[tilespmem:v11+s29+$0x0] =	vst.idx.msk $0xffff, v10;
	v4 =	vld [tilespmem:s19+$0xFFFFFB60]  }
0x165: {  	[tilespmem:v7+s29+$0x0] =	vst.idx.msk $0xffff, v5;
	v5 =	vld [tilespmem:s19+$0xFFFFFBE0];
	v7 =	vor.u32 s25, v1  }
0x166: {  	[tilespmem:v8+s29+$0x0] =	vst.idx.msk $0xffff, v6;
	v6 =	vld [tilespmem:s19+$0xFFFFFC60];
	v8 =	vor.u32 s26, v1  }
0x167: {  	v11 =	vor.u32 s28, v1;
	[tilespmem:v13+s29+$0x0] =	vst.idx.msk $0xffff, v12;
	v10 =	vld [tilespmem:s19+$0xFFFFFCE0]  }
0x168: {  	v13 =	vor.u32 s30, v1;
	[tilespmem:v15+s29+$0x0] =	vst.idx.msk $0xffff, v14;
	v12 =	vld [tilespmem:s19+$0xFFFFFD60]  }
0x169: {  	[tilespmem:v9+s29+$0x0] =	vst.idx.msk $0xffff, v4;
	v4 =	vld [tilespmem:s19+$0xFFFFFDE0];
	v9 =	vor.u32 s31, v1  }
0x16a: {  	[tilespmem:v7+s29+$0x0] =	vst.idx.msk $0xffff, v5;
	v5 =	vld [tilespmem:s19+$0xFFFFFE60];
	v7 =	vor.u32 s0, v1  }
0x16b: {  	[tilespmem:v8+s29+$0x0] =	vst.idx.msk $0xffff, v6;
	v6 =	vld [tilespmem:s19+$0xFFFFFEE0];
	v8 =	vor.u32 s2, v1  }
0x16c: {  	[tilespmem:v11+s29+$0x0] =	vst.idx.msk $0xffff, v10;
	v10 =	vld [tilespmem:s19+$0xFFFFFF60];
	v11 =	vor.u32 s10, v1  }
0x16d: {  	v15 =	vor.u32 s1, v1;
	v14 =	vld [tilespmem:s19+$0xFFFFF860];
	[tilespmem:v13+s29+$0x0] =	vst.idx.msk $0xffff, v12  }
0x16e: {  	v13 =	vor.u32 s7, v2;
	v12 =	vld [tilespmem:s19+$0xFFFFF8F0];
	[tilespmem:v9+s29+$0x0] =	vst.idx.msk $0xffff, v4  }
0x16f: {  	v9 =	vor.u32 s8, v2;
	v4 =	vld [tilespmem:s19+$0xFFFFF970];
	[tilespmem:v7+s29+$0x0] =	vst.idx.msk $0xffff, v5  }
0x170: {  	v7 =	vor.u32 s21, v2;
	v5 =	vld [tilespmem:s19+$0xFFFFF9F0];
	[tilespmem:v8+s29+$0x0] =	vst.idx.msk $0xffff, v6  }
0x171: {  	v8 =	vor.u32 s22, v2;
	v6 =	vld [tilespmem:s19+$0xFFFFFA70];
	[tilespmem:v11+s29+$0x0] =	vst.idx.msk $0xffff, v10  }
0x172: {  	v11 =	vor.u32 s23, v2;
	[tilespmem:v15+s29+$0x0] =	vst.idx.msk $0xffff, v14;
	v10 =	vld [tilespmem:s19+$0xFFFFFAF0]  }
0x173: {  	[tilespmem:v13+s29+$0x0] =	vst.idx.msk $0xffff, v12;
	v12 =	vld [tilespmem:s19+$0xFFFFFB70];
	v13 =	vor.u32 s24, v2  }
0x174: {  	[tilespmem:v9+s29+$0x0] =	vst.idx.msk $0xffff, v4;
	v4 =	vld [tilespmem:s19+$0xFFFFFBF0];
	v9 =	vor.u32 s25, v2  }
0x175: {  	[tilespmem:v7+s29+$0x0] =	vst.idx.msk $0xffff, v5;
	v5 =	vld [tilespmem:s19+$0xFFFFFC70];
	v7 =	vor.u32 s26, v2  }
0x176: {  	[tilespmem:v8+s29+$0x0] =	vst.idx.msk $0xffff, v6;
	v6 =	vld [tilespmem:s19+$0xFFFFFCF0];
	v8 =	vor.u32 s28, v2  }
0x177: {  	[tilespmem:v11+s29+$0x0] =	vst.idx.msk $0xffff, v10;
	v10 =	vld [tilespmem:s19+$0xFFFFFD70];
	v11 =	vor.u32 s30, v2  }
0x178: {  	[tilespmem:v13+s29+$0x0] =	vst.idx.msk $0xffff, v12;
	v12 =	vld [tilespmem:s19+$0xFFFFFDF0];
	v13 =	vor.u32 s31, v2  }
0x179: {  	[tilespmem:v9+s29+$0x0] =	vst.idx.msk $0xffff, v4;
	v4 =	vld [tilespmem:s19+$0xFFFFFE70];
	v9 =	vor.u32 s0, v2  }
0x17a: {  	[tilespmem:v7+s29+$0x0] =	vst.idx.msk $0xffff, v5;
	v5 =	vld [tilespmem:s19+$0xFFFFFEF0];
	v7 =	vor.u32 s2, v2  }
0x17b: {  	[tilespmem:v8+s29+$0x0] =	vst.idx.msk $0xffff, v6;
	v6 =	vld [tilespmem:s19+$0xFFFFFF70];
	v8 =	vor.u32 s10, v2  }
0x17c: {  	v15 =	vor.u32 s1, v2;
	v14 =	vld [tilespmem:s19+$0xFFFFF870];
	[tilespmem:v11+s29+$0x0] =	vst.idx.msk $0xffff, v10  }
0x17d: {  	v11 =	vor.u32 s7, v3;
	v10 =	vld [tilespmem:s19+$0xFFFFF900];
	[tilespmem:v13+s29+$0x0] =	vst.idx.msk $0xffff, v12  }
0x17e: {  	v13 =	vor.u32 s8, v3;
	v12 =	vld [tilespmem:s19+$0xFFFFF980];
	[tilespmem:v9+s29+$0x0] =	vst.idx.msk $0xffff, v4  }
0x17f: {  	v9 =	vor.u32 s21, v3;
	v4 =	vld [tilespmem:s19+$0xFFFFFA00];
	[tilespmem:v7+s29+$0x0] =	vst.idx.msk $0xffff, v5  }
0x180: {  	v7 =	vor.u32 s22, v3;
	v5 =	vld [tilespmem:s19+$0xFFFFFA80];
	[tilespmem:v8+s29+$0x0] =	vst.idx.msk $0xffff, v6  }
0x181: {  	v8 =	vor.u32 s23, v3;
	[tilespmem:v15+s29+$0x0] =	vst.idx.msk $0xffff, v14;
	v6 =	vld [tilespmem:s19+$0xFFFFFB00]  }
0x182: {  	[tilespmem:v11+s29+$0x0] =	vst.idx.msk $0xffff, v10;
	v10 =	vld [tilespmem:s19+$0xFFFFFB80];
	v11 =	vor.u32 s24, v3  }
0x183: {  	v14 =	vor.u32 s25, v3;
	[tilespmem:v13+s29+$0x0] =	vst.idx.msk $0xffff, v12;
	v12 =	vld [tilespmem:s19+$0xFFFFFC00]  }
0x184: {  	v15 =	vor.u32 s26, v3;
	[tilespmem:v9+s29+$0x0] =	vst.idx.msk $0xffff, v4;
	v4 =	vld [tilespmem:s19+$0xFFFFFC80]  }
0x185: {  	[tilespmem:v7+s29+$0x0] =	vst.idx.msk $0xffff, v5;
	v5 =	vld [tilespmem:s19+$0xFFFFFD00];
	v7 =	vor.u32 s28, v3  }
0x186: {  	v17 =	vor.u32 s30, v3;
	[tilespmem:v8+s29+$0x0] =	vst.idx.msk $0xffff, v6;
	v16 =	vld [tilespmem:s19+$0xFFFFFD80]  }
.Ltmp1:
0x187: {  	v13 =	vor.u32 s31, v3;
	[tilespmem:v11+s29+$0x0] =	vst.idx.msk $0xffff, v10;
	v11 =	vld [tilespmem:s19+$0xFFFFFE00];
	(pc) =	sbr.rel @p1 .LBB2_5-.Ltmp1, $4  }
0x188: {  	[tilespmem:v14+s29+$0x0] =	vst.idx.msk $0xffff, v12;
	v9 =	vld [tilespmem:s19+$0xFFFFFE80];
	v12 =	vor.u32 s0, v3  }
0x189: {  	v10 =	vor.u32 s2, v3;
	[tilespmem:v15+s29+$0x0] =	vst.idx.msk $0xffff, v4;
	v4 =	vld [tilespmem:s19+$0xFFFFFF00]  }
0x18a: {  	[tilespmem:v7+s29+$0x0] =	vst.idx.msk $0xffff, v5;
	v5 =	vld [tilespmem:s19+$0xFFFFFF80];
	v7 =	vor.u32 s10, v3  }
0x18b: {  	s13 =	sadd.s32 $0x10, s13;
	s11 =	sadd.s32 $0xF, s16;
	v8 =	vor.u32 s1, v3;
	v6 =	vld [tilespmem:s19+$0xFFFFF880];
	[tilespmem:v17+s29+$0x0] =	vst.idx.msk $0xffff, v16;
	s19 =	sadd.s32 $0x800, s19  }
0x18c: {  	_ =	sdelay $0x3  }
0x18d: {  	s0 =	sadd.s32 $0x1, s16;
	v14 =	vld [tilespmem:s19+$0xFFFFFFD0];
	v15 =	vor.u32 s11, v0;
	[tilespmem:v13+s29+$0x0] =	vst.idx.msk $0xffff, v11  }
0x18e: {  	v11 =	vld [tilespmem:s19+$0xFFFFF8D0];
	s1 =	sadd.s32 $0x2, s16;
	v13 =	vor.u32 s0, v0;
	[tilespmem:v12+s29+$0x0] =	vst.idx.msk $0xffff, v9  }
0x18f: {  	s2 =	sadd.s32 $0x3, s16;
	v9 =	vld [tilespmem:s19+$0xFFFFF950];
	v12 =	vor.u32 s1, v0;
	[tilespmem:v10+s29+$0x0] =	vst.idx.msk $0xffff, v4  }
0x190: {  	s7 =	sadd.s32 $0x4, s16;
	v4 =	vld [tilespmem:s19+$0xFFFFF9D0];
	v10 =	vor.u32 s2, v0;
	[tilespmem:v7+s29+$0x0] =	vst.idx.msk $0xffff, v5  }
0x191: {  	s8 =	sadd.s32 $0x5, s16;
	v5 =	vld [tilespmem:s19+$0xFFFFFA50];
	v7 =	vor.u32 s7, v0;
	[tilespmem:v8+s29+$0x0] =	vst.idx.msk $0xffff, v6  }
0x192: {  	s23 =	sadd.s32 $0xA, s16;
	v6 =	vld [tilespmem:s19+$0xFFFFFAD0];
	v8 =	vor.u32 s8, v0;
	[tilespmem:v15+s29+$0x0] =	vst.idx.msk $0xffff, v14  }
0x193: {  	v14 =	vld [tilespmem:s19+$0xFFFFFD50];
	v15 =	vor.u32 s23, v0;
	[tilespmem:v13+s29+$0x0] =	vst.idx.msk $0xffff, v11  }
0x194: {  	s10 =	sadd.s32 $0x6, s16;
	v11 =	vld [tilespmem:s19+$0xFFFFFFE0];
	v13 =	vor.u32 s11, v1;
	[tilespmem:v12+s29+$0x0] =	vst.idx.msk $0xffff, v9  }
0x195: {  	s13 =	sadd.s32 $0x7, s16;
	v9 =	vld [tilespmem:s19+$0xFFFFFB50];
	v12 =	vor.u32 s10, v0;
	[tilespmem:v10+s29+$0x0] =	vst.idx.msk $0xffff, v4  }
0x196: {  	s21 =	sadd.s32 $0x8, s16;
	v4 =	vld [tilespmem:s19+$0xFFFFFBD0];
	v10 =	vor.u32 s13, v0;
	[tilespmem:v7+s29+$0x0] =	vst.idx.msk $0xffff, v5  }
0x197: {  	s22 =	sadd.s32 $0x9, s16;
	v5 =	vld [tilespmem:s19+$0xFFFFFC50];
	v7 =	vor.u32 s21, v0;
	[tilespmem:v8+s29+$0x0] =	vst.idx.msk $0xffff, v6  }
0x198: {  	v6 =	vld [tilespmem:s19+$0xFFFFFCD0];
	v8 =	vor.u32 s22, v0;
	[tilespmem:v15+s29+$0x0] =	vst.idx.msk $0xffff, v14  }
0x199: {  	s28 =	sadd.s32 $0xE, s16;
	v14 =	vld [tilespmem:s19+$0xFFFFF850];
	v15 =	vor.u32 s16, v0;
	[tilespmem:v13+s29+$0x0] =	vst.idx.msk $0xffff, v11  }
0x19a: {  	[tilespmem:v12+s29+$0x0] =	vst.idx.msk $0xffff, v9;
	v12 =	vld [tilespmem:s19+$0xFFFFFF50];
	v13 =	vor.u32 s28, v0  }
0x19b: {  	s24 =	sadd.s32 $0xB, s16;
	v11 =	vor.u32 s11, v2;
	v9 =	vld [tilespmem:s19+$0xFFFFFFF0];
	[tilespmem:v10+s29+$0x0] =	vst.idx.msk $0xffff, v4  }
0x19c: {  	s25 =	sadd.s32 $0xC, s16;
	v4 =	vld [tilespmem:s19+$0xFFFFFDD0];
	v10 =	vor.u32 s24, v0;
	[tilespmem:v7+s29+$0x0] =	vst.idx.msk $0xffff, v5  }
0x19d: {  	s26 =	sadd.s32 $0xD, s16;
	v5 =	vld [tilespmem:s19+$0xFFFFFE50];
	v7 =	vor.u32 s25, v0;
	[tilespmem:v8+s29+$0x0] =	vst.idx.msk $0xffff, v6  }
0x19e: {  	v6 =	vld [tilespmem:s19+$0xFFFFFED0];
	v8 =	vor.u32 s26, v0;
	[tilespmem:v15+s29+$0x0] =	vst.idx.msk $0xffff, v14  }
0x19f: {  	v14 =	vld [tilespmem:s19+$0xFFFFFAE0];
	v15 =	vor.u32 s8, v1;
	[tilespmem:v13+s29+$0x0] =	vst.idx.msk $0xffff, v12  }
0x1a0: {  	v12 =	vld [tilespmem:s19+$0xFFFFFA60];
	v13 =	vor.u32 s7, v1;
	[tilespmem:v11+s29+$0x0] =	vst.idx.msk $0xffff, v9  }
0x1a1: {  	[tilespmem:v10+s29+$0x0] =	vst.idx.msk $0xffff, v4;
	v10 =	vld [tilespmem:s19+$0xFFFFF8E0];
	v11 =	vor.u32 s0, v1  }
0x1a2: {  	v9 =	vor.u32 s11, v3;
	v4 =	vld [tilespmem:s19+$0x0];
	[tilespmem:v7+s29+$0x0] =	vst.idx.msk $0xffff, v5  }
0x1a3: {  	v5 =	vld [tilespmem:s19+$0xFFFFF960];
	v7 =	vor.u32 s1, v1;
	[tilespmem:v8+s29+$0x0] =	vst.idx.msk $0xffff, v6  }
0x1a4: {  	v6 =	vld [tilespmem:s19+$0xFFFFF9E0];
	v8 =	vor.u32 s2, v1;
	[tilespmem:v15+s29+$0x0] =	vst.idx.msk $0xffff, v14  }
0x1a5: {  	v14 =	vld [tilespmem:s19+$0xFFFFF860];
	v15 =	vor.u32 s16, v1;
	[tilespmem:v13+s29+$0x0] =	vst.idx.msk $0xffff, v12  }
0x1a6: {  	v12 =	vld [tilespmem:s19+$0xFFFFFD60];
	v13 =	vor.u32 s23, v1;
	[tilespmem:v11+s29+$0x0] =	vst.idx.msk $0xffff, v10  }
0x1a7: {  	v10 =	vld [tilespmem:s19+$0xFFFFFCE0];
	v11 =	vor.u32 s22, v1;
	[tilespmem:v9+s29+$0x0] =	vst.idx.msk $0xffff, v4  }
0x1a8: {  	v4 =	vld [tilespmem:s19+$0xFFFFFB60];
	v9 =	vor.u32 s10, v1;
	[tilespmem:v7+s29+$0x0] =	vst.idx.msk $0xffff, v5  }
0x1a9: {  	v5 =	vld [tilespmem:s19+$0xFFFFFBE0];
	v7 =	vor.u32 s13, v1;
	[tilespmem:v8+s29+$0x0] =	vst.idx.msk $0xffff, v6  }
0x1aa: {  	v6 =	vld [tilespmem:s19+$0xFFFFFC60];
	v8 =	vor.u32 s21, v1;
	[tilespmem:v15+s29+$0x0] =	vst.idx.msk $0xffff, v14  }
0x1ab: {  	[tilespmem:v13+s29+$0x0] =	vst.idx.msk $0xffff, v12;
	v12 =	vld [tilespmem:s19+$0xFFFFF8F0];
	v13 =	vor.u32 s0, v2  }
0x1ac: {  	v15 =	vor.u32 s16, v2;
	v14 =	vld [tilespmem:s19+$0xFFFFF870];
	[tilespmem:v11+s29+$0x0] =	vst.idx.msk $0xffff, v10  }
0x1ad: {  	[tilespmem:v9+s29+$0x0] =	vst.idx.msk $0xffff, v4;
	v4 =	vld [tilespmem:s19+$0xFFFFFDE0];
	v9 =	vor.u32 s24, v1  }
0x1ae: {  	[tilespmem:v7+s29+$0x0] =	vst.idx.msk $0xffff, v5;
	v5 =	vld [tilespmem:s19+$0xFFFFFE60];
	v7 =	vor.u32 s25, v1  }
0x1af: {  	v10 =	vld [tilespmem:s19+$0xFFFFFF60];
	v11 =	vor.u32 s28, v1;
	[tilespmem:v8+s29+$0x0] =	vst.idx.msk $0xffff, v6  }
0x1b0: {  	v6 =	vld [tilespmem:s19+$0xFFFFFEE0];
	v8 =	vor.u32 s26, v1;
	[tilespmem:v13+s29+$0x0] =	vst.idx.msk $0xffff, v12  }
0x1b1: {  	v12 =	vld [tilespmem:s19+$0xFFFFFB70];
	v13 =	vor.u32 s10, v2;
	[tilespmem:v15+s29+$0x0] =	vst.idx.msk $0xffff, v14  }
0x1b2: {  	[tilespmem:v9+s29+$0x0] =	vst.idx.msk $0xffff, v4;
	v4 =	vld [tilespmem:s19+$0xFFFFF970];
	v9 =	vor.u32 s1, v2  }
0x1b3: {  	[tilespmem:v7+s29+$0x0] =	vst.idx.msk $0xffff, v5;
	v5 =	vld [tilespmem:s19+$0xFFFFF9F0];
	v7 =	vor.u32 s2, v2  }
0x1b4: {  	[tilespmem:v11+s29+$0x0] =	vst.idx.msk $0xffff, v10;
	v10 =	vld [tilespmem:s19+$0xFFFFFAF0];
	v11 =	vor.u32 s8, v2  }
0x1b5: {  	v15 =	vor.u32 s16, v3;
	v14 =	vld [tilespmem:s19+$0xFFFFF880];
	[tilespmem:v8+s29+$0x0] =	vst.idx.msk $0xffff, v6  }
0x1b6: {  	v6 =	vld [tilespmem:s19+$0xFFFFFA70];
	v8 =	vor.u32 s7, v2;
	[tilespmem:v13+s29+$0x0] =	vst.idx.msk $0xffff, v12  }
0x1b7: {  	[tilespmem:v9+s29+$0x0] =	vst.idx.msk $0xffff, v4;
	v4 =	vld [tilespmem:s19+$0xFFFFFBF0];
	v9 =	vor.u32 s13, v2  }
0x1b8: {  	[tilespmem:v7+s29+$0x0] =	vst.idx.msk $0xffff, v5;
	v5 =	vld [tilespmem:s19+$0xFFFFFC70];
	v7 =	vor.u32 s21, v2  }
0x1b9: {  	v12 =	vld [tilespmem:s19+$0xFFFFFDF0];
	v13 =	vor.u32 s24, v2;
	[tilespmem:v11+s29+$0x0] =	vst.idx.msk $0xffff, v10  }
0x1ba: {  	v10 =	vld [tilespmem:s19+$0xFFFFFD70];
	v11 =	vor.u32 s23, v2;
	[tilespmem:v15+s29+$0x0] =	vst.idx.msk $0xffff, v14  }
0x1bb: {  	[tilespmem:v8+s29+$0x0] =	vst.idx.msk $0xffff, v6;
	v6 =	vld [tilespmem:s19+$0xFFFFFCF0];
	v8 =	vor.u32 s22, v2  }
0x1bc: {  	[tilespmem:v9+s29+$0x0] =	vst.idx.msk $0xffff, v4;
	v4 =	vld [tilespmem:s19+$0xFFFFFE70];
	v9 =	vor.u32 s25, v2  }
0x1bd: {  	[tilespmem:v7+s29+$0x0] =	vst.idx.msk $0xffff, v5;
	v5 =	vld [tilespmem:s19+$0xFFFFFEF0];
	v7 =	vor.u32 s26, v2  }
0x1be: {  	[tilespmem:v13+s29+$0x0] =	vst.idx.msk $0xffff, v12;
	v12 =	vld [tilespmem:s19+$0xFFFFF980];
	v13 =	vor.u32 s1, v3  }
0x1bf: {  	[tilespmem:v11+s29+$0x0] =	vst.idx.msk $0xffff, v10;
	v10 =	vld [tilespmem:s19+$0xFFFFF900];
	v11 =	vor.u32 s0, v3  }
0x1c0: {  	[tilespmem:v8+s29+$0x0] =	vst.idx.msk $0xffff, v6;
	v6 =	vld [tilespmem:s19+$0xFFFFFF70];
	v8 =	vor.u32 s28, v2  }
0x1c1: {  	[tilespmem:v9+s29+$0x0] =	vst.idx.msk $0xffff, v4;
	v4 =	vld [tilespmem:s19+$0xFFFFFA00];
	v9 =	vor.u32 s2, v3  }
0x1c2: {  	[tilespmem:v7+s29+$0x0] =	vst.idx.msk $0xffff, v5;
	v5 =	vld [tilespmem:s19+$0xFFFFFA80];
	v7 =	vor.u32 s7, v3  }
0x1c3: {  	[tilespmem:v13+s29+$0x0] =	vst.idx.msk $0xffff, v12;
	v12 =	vld [tilespmem:s19+$0xFFFFFC00];
	v13 =	vor.u32 s13, v3  }
0x1c4: {  	[tilespmem:v11+s29+$0x0] =	vst.idx.msk $0xffff, v10;
	v10 =	vld [tilespmem:s19+$0xFFFFFB80];
	v11 =	vor.u32 s10, v3  }
0x1c5: {  	[tilespmem:v8+s29+$0x0] =	vst.idx.msk $0xffff, v6;
	v6 =	vld [tilespmem:s19+$0xFFFFFB00];
	v8 =	vor.u32 s8, v3  }
0x1c6: {  	[tilespmem:v9+s29+$0x0] =	vst.idx.msk $0xffff, v4;
	v4 =	vld [tilespmem:s19+$0xFFFFFC80];
	v9 =	vor.u32 s21, v3  }
0x1c7: {  	[tilespmem:v7+s29+$0x0] =	vst.idx.msk $0xffff, v5;
	v5 =	vld [tilespmem:s19+$0xFFFFFD00];
	v7 =	vor.u32 s22, v3  }
0x1c8: {  	[tilespmem:v13+s29+$0x0] =	vst.idx.msk $0xffff, v12;
	v12 =	vld [tilespmem:s19+$0xFFFFFE80];
	v13 =	vor.u32 s25, v3  }
0x1c9: {  	[tilespmem:v11+s29+$0x0] =	vst.idx.msk $0xffff, v10;
	v10 =	vld [tilespmem:s19+$0xFFFFFE00];
	v11 =	vor.u32 s24, v3  }
0x1ca: {  	[tilespmem:v8+s29+$0x0] =	vst.idx.msk $0xffff, v6;
	v6 =	vld [tilespmem:s19+$0xFFFFFD80];
	v8 =	vor.u32 s23, v3  }
0x1cb: {  	[tilespmem:v9+s29+$0x0] =	vst.idx.msk $0xffff, v4;
	v4 =	vld [tilespmem:s19+$0xFFFFFF00];
	v9 =	vor.u32 s26, v3  }
0x1cc: {  	[tilespmem:v7+s29+$0x0] =	vst.idx.msk $0xffff, v5;
	v5 =	vld [tilespmem:s19+$0xFFFFFF80];
	v7 =	vor.u32 s28, v3  }
0x1cd: {  	[tilespmem:v13+s29+$0x0] =	vst.idx.msk $0xffff, v12  }
0x1ce: {  	[tilespmem:v11+s29+$0x0] =	vst.idx.msk $0xffff, v10  }
0x1cf: {  	[tilespmem:v8+s29+$0x0] =	vst.idx.msk $0xffff, v6  }
0x1d0: {  	[tilespmem:v9+s29+$0x0] =	vst.idx.msk $0xffff, v4  }
0x1d1: {  	[tilespmem:v7+s29+$0x0] =	vst.idx.msk $0xffff, v5  }
0x1d2: {  	s10 =	rddreg [dreg:$0x5]  }
0x1d3: {  	s0 =	sadd.s32 s9, s10  }
0x1d4: {  	[hbm4b:s0+s3] =	stream.linear.scatter [tilespmem:s29], [sflag:$0x2], $0x400, $0x38;
	[tilespmem:$0x1E400] =	vst v63  }
0x1d5: {  	s13 =	simm.s32 $0x1AC00;
	s11 =	sadd.s32 $0x1000, s0  }
0x1d6: {  	[hbm4b:s11+s3] =	stream.linear.scatter [tilespmem:s13], [sflag:$0x2], $0x400, $0x38;
	[tilespmem:$0x1E400] =	vst v63  }
0x1d7: {  	s19 =	simm.s32 $0x1B400;
	s16 =	sadd.s32 $0x2000, s0  }
0x1d8: {  	[hbm4b:s16+s3] =	stream.linear.scatter [tilespmem:s19], [sflag:$0x2], $0x400, $0x38;
	[tilespmem:$0x1E400] =	vst v63  }
0x1d9: {  	s22 =	simm.s32 $0x1BC00;
	s21 =	sadd.s32 $0x3000, s0  }
0x1da: {  	[hbm4b:s21+s3] =	stream.linear.scatter [tilespmem:s22], [sflag:$0x2], $0x400, $0x38;
	[tilespmem:$0x1E400] =	vst v63  }
0x1db: {  	s24 =	simm.s32 $0x1C400;
	s23 =	sadd.s32 $0x4000, s0  }
0x1dc: {  	[hbm4b:s23+s3] =	stream.linear.scatter [tilespmem:s24], [sflag:$0x2], $0x400, $0x38;
	[tilespmem:$0x1E400] =	vst v63  }
0x1dd: {  	s26 =	simm.s32 $0x1CC00;
	s25 =	sadd.s32 $0x5000, s0  }
0x1de: {  	[hbm4b:s25+s3] =	stream.linear.scatter [tilespmem:s26], [sflag:$0x2], $0x400, $0x38;
	[tilespmem:$0x1E400] =	vst v63  }
0x1df: {  	s30 =	simm.s32 $0x1D400;
	s28 =	sadd.s32 $0x6000, s0  }
0x1e0: {  	[hbm4b:s28+s3] =	stream.linear.scatter [tilespmem:s30], [sflag:$0x2], $0x400, $0x38;
	[tilespmem:$0x1E400] =	vst v63  }
0x1e1: {  	s31 =	simm.s32 $0x1DC00;
	s0 =	sadd.s32 $0x7000, s0  }
0x1e2: {  	[hbm4b:s0+s3] =	stream.linear.scatter [tilespmem:s31], [sflag:$0x2], $0x400, $0x38;
	[tilespmem:$0x1E400] =	vst v63  }
0x1e3: {  	_ =	swait.ge [sflag:s18], $0x4000  }
0x1e4: {  	s1 =	simm.s32 @!p0 $0x80;
	[sflag:s18] =	ssyncset.done $0x0  }
0x1e5: {  	s2 =	simm.s32 @!p0 $0xA400;
	s0 =	sadd.s32 @!p0 $0x280, s12;
	[sflag:s18] =	ssyncadd.s32 $0xFFFFC000  }
0x1e6: {  	[tilespmem:s2], [sflag:$0x1] =	stream.indirect.gather @!p0 [hbm4b:s4+s1], $0x80, s0, s1, $0xb8;
	[tilespmem:$0x1E400] =	vst v63  }
0x1e7: {  	_ =	swait.ge [sflag:s15], $0x2000  }
0x1e8: {  	[sflag:s15] =	ssyncset.done $0x0  }
0x1e9: {  	s1 =	simm.s32 $0xEBB0;
	s2 =	simm.s32 $0xF;
	[sflag:s15] =	ssyncadd.s32 $0xFFFFE000  }
0x1ea: {  	s7 =	simm.s32 $0x1;
	v5 =	vor.u32 s2, v0;
	v4 =	vld [tilespmem:s1+$0xFFFFFFD0]  }
0x1eb: {  	s8 =	simm.s32 $0x2;
	v7 =	vor.u32 s7, v0;
	v6 =	vld [tilespmem:s1+$0xFFFFF8D0]  }
0x1ec: {  	v9 =	vor.u32 s8, v0;
	s10 =	simm.s32 $0x3;
	v8 =	vld [tilespmem:s1+$0xFFFFF950]  }
0x1ed: {  	v11 =	vor.u32 s10, v0;
	s11 =	simm.s32 $0x4;
	v10 =	vld [tilespmem:s1+$0xFFFFF9D0]  }
0x1ee: {  	s13 =	simm.s32 $0x5;
	v13 =	vor.u32 s11, v0;
	v12 =	vld [tilespmem:s1+$0xFFFFFA50]  }
0x1ef: {  	v15 =	vor.u32 s13, v0;
	s16 =	simm.s32 $0x6;
	v14 =	vld [tilespmem:s1+$0xFFFFFAD0];
	[tilespmem:v5+s20+$0x0] =	vst.idx.msk $0xffff, v4  }
0x1f0: {  	s19 =	simm.s32 $0x7;
	[tilespmem:v7+s20+$0x0] =	vst.idx.msk $0xffff, v6;
	v6 =	vld [tilespmem:s1+$0xFFFFFB50];
	v7 =	vor.u32 s16, v0  }
0x1f1: {  	s21 =	simm.s32 $0x8;
	[tilespmem:v9+s20+$0x0] =	vst.idx.msk $0xffff, v8;
	v8 =	vld [tilespmem:s1+$0xFFFFFBD0];
	v9 =	vor.u32 s19, v0  }
0x1f2: {  	s22 =	simm.s32 $0x9;
	[tilespmem:v11+s20+$0x0] =	vst.idx.msk $0xffff, v10;
	v10 =	vld [tilespmem:s1+$0xFFFFFC50];
	v11 =	vor.u32 s21, v0  }
0x1f3: {  	s23 =	simm.s32 $0xA;
	[tilespmem:v13+s20+$0x0] =	vst.idx.msk $0xffff, v12;
	v12 =	vld [tilespmem:s1+$0xFFFFFCD0];
	v13 =	vor.u32 s22, v0  }
0x1f4: {  	[tilespmem:v15+s20+$0x0] =	vst.idx.msk $0xffff, v14;
	v14 =	vld [tilespmem:s1+$0xFFFFFD50];
	v15 =	vor.u32 s23, v0  }
0x1f5: {  	s24 =	simm.s32 $0xB;
	v5 =	vor.u32 s2, v1;
	v4 =	vld [tilespmem:s1+$0xFFFFFFE0];
	[tilespmem:v7+s20+$0x0] =	vst.idx.msk $0xffff, v6  }
0x1f6: {  	s25 =	simm.s32 $0xC;
	[tilespmem:v9+s20+$0x0] =	vst.idx.msk $0xffff, v8;
	v6 =	vld [tilespmem:s1+$0xFFFFFDD0];
	v7 =	vor.u32 s24, v0  }
0x1f7: {  	s26 =	simm.s32 $0xD;
	[tilespmem:v11+s20+$0x0] =	vst.idx.msk $0xffff, v10;
	v8 =	vld [tilespmem:s1+$0xFFFFFE50];
	v9 =	vor.u32 s25, v0  }
0x1f8: {  	s30 =	simm.s32 $0xE;
	[tilespmem:v13+s20+$0x0] =	vst.idx.msk $0xffff, v12;
	v10 =	vld [tilespmem:s1+$0xFFFFFED0];
	v11 =	vor.u32 s26, v0  }
0x1f9: {  	s31 =	simm.s32 $0x0;
	[tilespmem:v15+s20+$0x0] =	vst.idx.msk $0xffff, v14;
	v12 =	vld [tilespmem:s1+$0xFFFFFF50];
	v13 =	vor.u32 s30, v0  }
0x1fa: {  	v14 =	vld [tilespmem:s1+$0xFFFFF850];
	v15 =	vor.u32 s31, v0;
	[tilespmem:v5+s20+$0x0] =	vst.idx.msk $0xffff, v4  }
0x1fb: {  	v5 =	vor.u32 s2, v2;
	v4 =	vld [tilespmem:s1+$0xFFFFFFF0];
	[tilespmem:v7+s20+$0x0] =	vst.idx.msk $0xffff, v6  }
0x1fc: {  	v6 =	vld [tilespmem:s1+$0xFFFFF8E0];
	v7 =	vor.u32 s7, v1;
	[tilespmem:v9+s20+$0x0] =	vst.idx.msk $0xffff, v8  }
0x1fd: {  	v8 =	vld [tilespmem:s1+$0xFFFFF960];
	v9 =	vor.u32 s8, v1;
	[tilespmem:v11+s20+$0x0] =	vst.idx.msk $0xffff, v10  }
0x1fe: {  	v10 =	vld [tilespmem:s1+$0xFFFFF9E0];
	v11 =	vor.u32 s10, v1;
	[tilespmem:v13+s20+$0x0] =	vst.idx.msk $0xffff, v12  }
0x1ff: {  	[tilespmem:v15+s20+$0x0] =	vst.idx.msk $0xffff, v14;
	v12 =	vld [tilespmem:s1+$0xFFFFFA60];
	v13 =	vor.u32 s11, v1  }
0x200: {  	v14 =	vld [tilespmem:s1+$0xFFFFFAE0];
	v15 =	vor.u32 s13, v1;
	[tilespmem:v5+s20+$0x0] =	vst.idx.msk $0xffff, v4  }
0x201: {  	v4 =	vor.u32 s2, v3;
	v5 =	vld [tilespmem:s1+$0x0];
	[tilespmem:v7+s20+$0x0] =	vst.idx.msk $0xffff, v6  }
0x202: {  	[tilespmem:v9+s20+$0x0] =	vst.idx.msk $0xffff, v8;
	v6 =	vld [tilespmem:s1+$0xFFFFFBE0];
	v7 =	vor.u32 s19, v1  }
0x203: {  	[tilespmem:v11+s20+$0x0] =	vst.idx.msk $0xffff, v10;
	v8 =	vld [tilespmem:s1+$0xFFFFFC60];
	v9 =	vor.u32 s21, v1  }
0x204: {  	[tilespmem:v13+s20+$0x0] =	vst.idx.msk $0xffff, v12;
	v10 =	vld [tilespmem:s1+$0xFFFFFCE0];
	v11 =	vor.u32 s22, v1  }
0x205: {  	[tilespmem:v15+s20+$0x0] =	vst.idx.msk $0xffff, v14;
	v12 =	vld [tilespmem:s1+$0xFFFFFD60];
	v13 =	vor.u32 s23, v1  }
0x206: {  	[tilespmem:v4+s20+$0x0] =	vst.idx.msk $0xffff, v5;
	v4 =	vld [tilespmem:s1+$0xFFFFFB60];
	v5 =	vor.u32 s16, v1  }
0x207: {  	v14 =	vld [tilespmem:s1+$0xFFFFF860];
	v15 =	vor.u32 s31, v1;
	[tilespmem:v7+s20+$0x0] =	vst.idx.msk $0xffff, v6  }
0x208: {  	v6 =	vld [tilespmem:s1+$0xFFFFFE60];
	v7 =	vor.u32 s25, v1;
	[tilespmem:v9+s20+$0x0] =	vst.idx.msk $0xffff, v8  }
0x209: {  	v8 =	vld [tilespmem:s1+$0xFFFFFEE0];
	v9 =	vor.u32 s26, v1;
	[tilespmem:v11+s20+$0x0] =	vst.idx.msk $0xffff, v10  }
0x20a: {  	v10 =	vld [tilespmem:s1+$0xFFFFFF60];
	v11 =	vor.u32 s30, v1;
	[tilespmem:v13+s20+$0x0] =	vst.idx.msk $0xffff, v12  }
0x20b: {  	[tilespmem:v5+s20+$0x0] =	vst.idx.msk $0xffff, v4;
	v4 =	vld [tilespmem:s1+$0xFFFFFDE0];
	v5 =	vor.u32 s24, v1  }
0x20c: {  	v12 =	vld [tilespmem:s1+$0xFFFFF8F0];
	v13 =	vor.u32 s7, v2;
	[tilespmem:v15+s20+$0x0] =	vst.idx.msk $0xffff, v14  }
0x20d: {  	v15 =	vor.u32 s31, v2;
	v14 =	vld [tilespmem:s1+$0xFFFFF870];
	[tilespmem:v7+s20+$0x0] =	vst.idx.msk $0xffff, v6  }
0x20e: {  	v6 =	vld [tilespmem:s1+$0xFFFFF9F0];
	v7 =	vor.u32 s10, v2;
	[tilespmem:v9+s20+$0x0] =	vst.idx.msk $0xffff, v8  }
0x20f: {  	v8 =	vld [tilespmem:s1+$0xFFFFFA70];
	v9 =	vor.u32 s11, v2;
	[tilespmem:v11+s20+$0x0] =	vst.idx.msk $0xffff, v10  }
0x210: {  	[tilespmem:v5+s20+$0x0] =	vst.idx.msk $0xffff, v4;
	v4 =	vld [tilespmem:s1+$0xFFFFF970];
	v5 =	vor.u32 s8, v2  }
0x211: {  	v10 =	vld [tilespmem:s1+$0xFFFFFAF0];
	v11 =	vor.u32 s13, v2;
	[tilespmem:v13+s20+$0x0] =	vst.idx.msk $0xffff, v12  }
0x212: {  	v12 =	vld [tilespmem:s1+$0xFFFFFB70];
	v13 =	vor.u32 s16, v2;
	[tilespmem:v15+s20+$0x0] =	vst.idx.msk $0xffff, v14  }
0x213: {  	[tilespmem:v7+s20+$0x0] =	vst.idx.msk $0xffff, v6;
	v6 =	vld [tilespmem:s1+$0xFFFFFC70];
	v7 =	vor.u32 s21, v2  }
0x214: {  	[tilespmem:v9+s20+$0x0] =	vst.idx.msk $0xffff, v8;
	v8 =	vld [tilespmem:s1+$0xFFFFFCF0];
	v9 =	vor.u32 s22, v2  }
0x215: {  	[tilespmem:v5+s20+$0x0] =	vst.idx.msk $0xffff, v4;
	v4 =	vld [tilespmem:s1+$0xFFFFFBF0];
	v5 =	vor.u32 s19, v2  }
0x216: {  	[tilespmem:v11+s20+$0x0] =	vst.idx.msk $0xffff, v10;
	v10 =	vld [tilespmem:s1+$0xFFFFFD70];
	v11 =	vor.u32 s23, v2  }
0x217: {  	[tilespmem:v13+s20+$0x0] =	vst.idx.msk $0xffff, v12;
	v12 =	vld [tilespmem:s1+$0xFFFFFDF0];
	v13 =	vor.u32 s24, v2  }
0x218: {  	[tilespmem:v7+s20+$0x0] =	vst.idx.msk $0xffff, v6;
	v6 =	vld [tilespmem:s1+$0xFFFFFEF0];
	v7 =	vor.u32 s26, v2  }
0x219: {  	[tilespmem:v9+s20+$0x0] =	vst.idx.msk $0xffff, v8;
	v8 =	vld [tilespmem:s1+$0xFFFFFF70];
	v9 =	vor.u32 s30, v2  }
0x21a: {  	[tilespmem:v5+s20+$0x0] =	vst.idx.msk $0xffff, v4;
	v4 =	vld [tilespmem:s1+$0xFFFFFE70];
	v5 =	vor.u32 s25, v2  }
0x21b: {  	[tilespmem:v11+s20+$0x0] =	vst.idx.msk $0xffff, v10;
	v10 =	vor.u32 s7, v3;
	v11 =	vld [tilespmem:s1+$0xFFFFF900]  }
0x21c: {  	[tilespmem:v13+s20+$0x0] =	vst.idx.msk $0xffff, v12;
	v12 =	vor.u32 s8, v3;
	v13 =	vld [tilespmem:s1+$0xFFFFF980]  }
0x21d: {  	v18 =	vor.u32 s23, v3;
	v19 =	vld [tilespmem:s1+$0xFFFFFD80];
	[tilespmem:v7+s20+$0x0] =	vst.idx.msk $0xffff, v6  }
0x21e: {  	v6 =	vor.u32 s11, v3;
	v7 =	vld [tilespmem:s1+$0xFFFFFA80];
	[tilespmem:v9+s20+$0x0] =	vst.idx.msk $0xffff, v8  }
0x21f: {  	[tilespmem:v5+s20+$0x0] =	vst.idx.msk $0xffff, v4;
	v4 =	vor.u32 s10, v3;
	v5 =	vld [tilespmem:s1+$0xFFFFFA00]  }
0x220: {  	v8 =	vor.u32 s13, v3;
	v9 =	vld [tilespmem:s1+$0xFFFFFB00];
	[tilespmem:v10+s20+$0x0] =	vst.idx.msk $0xffff, v11  }
0x221: {  	v15 =	vor.u32 s19, v3;
	[tilespmem:v12+s20+$0x0] =	vst.idx.msk $0xffff, v13;
	v12 =	vld [tilespmem:s1+$0xFFFFFC00]  }
0x222: {  	v14 =	vor.u32 s16, v3;
	v10 =	vld [tilespmem:s1+$0xFFFFFB80];
	[tilespmem:v18+s20+$0x0] =	vst.idx.msk $0xffff, v19  }
0x223: {  	v17 =	vor.u32 s22, v3;
	[tilespmem:v6+s20+$0x0] =	vst.idx.msk $0xffff, v7;
	v6 =	vld [tilespmem:s1+$0xFFFFFD00]  }
0x224: {  	v16 =	vor.u32 s21, v3;
	[tilespmem:v4+s20+$0x0] =	vst.idx.msk $0xffff, v5;
	v4 =	vld [tilespmem:s1+$0xFFFFFC80]  }
0x225: {  	v11 =	vld [tilespmem:s1+$0xFFFFFE00];
	v13 =	vor.u32 s24, v3;
	[tilespmem:v8+s20+$0x0] =	vst.idx.msk $0xffff, v9  }
0x226: {  	[tilespmem:v15+s20+$0x0] =	vst.idx.msk $0xffff, v12;
	v9 =	vld [tilespmem:s1+$0xFFFFFE80];
	v12 =	vor.u32 s25, v3  }
0x227: {  	[tilespmem:v14+s20+$0x0] =	vst.idx.msk $0xffff, v10;
	v10 =	vor.u32 s26, v3;
	v5 =	vld [tilespmem:s1+$0xFFFFFF00]  }
0x228: {  	s16 =	simm.s32 $0x10;
	v7 =	vor.u32 s30, v3;
	[tilespmem:v17+s20+$0x0] =	vst.idx.msk $0xffff, v6;
	v6 =	vld [tilespmem:s1+$0xFFFFFF80]  }
0x229: {  	s19 =	simm.s32 $0xF3B0;
	s11 =	simm.s32 $0x1F;
	s13 =	simm.s32 $0x20;
	v8 =	vor.u32 s31, v3;
	[tilespmem:v16+s20+$0x0] =	vst.idx.msk $0xffff, v4;
	v4 =	vld [tilespmem:s1+$0xFFFFF880]  }
.LBB2_7:
0x22a: {  	p1 =	slt.u32 s13, $0x70;
	s7 =	sadd.s32 $0x1, s16;
	v14 =	vld [tilespmem:s19+$0xFFFFFFD0];
	v15 =	vor.u32 s11, v0;
	[tilespmem:v13+s20+$0x0] =	vst.idx.msk $0xffff, v11;
	s1 =	smov.u32 s16  }
0x22b: {  	s16 =	smov.u32 s13;
	v11 =	vld [tilespmem:s19+$0xFFFFF8D0];
	v13 =	vor.u32 s7, v0;
	s8 =	sadd.s32 $0x2, s1;
	[tilespmem:v12+s20+$0x0] =	vst.idx.msk $0xffff, v9  }
0x22c: {  	s21 =	sadd.s32 $0x3, s1;
	v9 =	vld [tilespmem:s19+$0xFFFFF950];
	v12 =	vor.u32 s8, v0;
	[tilespmem:v10+s20+$0x0] =	vst.idx.msk $0xffff, v5  }
0x22d: {  	s22 =	sadd.s32 $0x4, s1;
	v10 =	vor.u32 s21, v0;
	v5 =	vld [tilespmem:s19+$0xFFFFF9D0];
	[tilespmem:v7+s20+$0x0] =	vst.idx.msk $0xffff, v6  }
0x22e: {  	s23 =	sadd.s32 $0x5, s1;
	v7 =	vor.u32 s22, v0;
	v6 =	vld [tilespmem:s19+$0xFFFFFA50];
	[tilespmem:v8+s20+$0x0] =	vst.idx.msk $0xffff, v4  }
0x22f: {  	v8 =	vor.u32 s23, v0;
	v4 =	vld [tilespmem:s19+$0xFFFFFAD0];
	[tilespmem:v15+s20+$0x0] =	vst.idx.msk $0xffff, v14  }
0x230: {  	s24 =	sadd.s32 $0x6, s1;
	[tilespmem:v13+s20+$0x0] =	vst.idx.msk $0xffff, v11;
	v11 =	vld [tilespmem:s19+$0xFFFFFFE0];
	v13 =	vor.u32 s11, v1  }
0x231: {  	s25 =	sadd.s32 $0x7, s1;
	[tilespmem:v12+s20+$0x0] =	vst.idx.msk $0xffff, v9;
	v9 =	vld [tilespmem:s19+$0xFFFFFB50];
	v12 =	vor.u32 s24, v0  }
0x232: {  	s26 =	sadd.s32 $0x8, s1;
	[tilespmem:v10+s20+$0x0] =	vst.idx.msk $0xffff, v5;
	v5 =	vld [tilespmem:s19+$0xFFFFFBD0];
	v10 =	vor.u32 s25, v0  }
0x233: {  	s28 =	sadd.s32 $0x9, s1;
	[tilespmem:v7+s20+$0x0] =	vst.idx.msk $0xffff, v6;
	v6 =	vld [tilespmem:s19+$0xFFFFFC50];
	v7 =	vor.u32 s26, v0  }
0x234: {  	s30 =	sadd.s32 $0xA, s1;
	[tilespmem:v8+s20+$0x0] =	vst.idx.msk $0xffff, v4;
	v4 =	vld [tilespmem:s19+$0xFFFFFCD0];
	v8 =	vor.u32 s28, v0  }
0x235: {  	v15 =	vor.u32 s30, v0;
	v14 =	vld [tilespmem:s19+$0xFFFFFD50];
	[tilespmem:v13+s20+$0x0] =	vst.idx.msk $0xffff, v11  }
0x236: {  	s31 =	sadd.s32 $0xB, s1;
	v11 =	vor.u32 s11, v2;
	[tilespmem:v12+s20+$0x0] =	vst.idx.msk $0xffff, v9;
	v9 =	vld [tilespmem:s19+$0xFFFFFFF0]  }
0x237: {  	s0 =	sadd.s32 $0xC, s1;
	[tilespmem:v10+s20+$0x0] =	vst.idx.msk $0xffff, v5;
	v5 =	vld [tilespmem:s19+$0xFFFFFDD0];
	v10 =	vor.u32 s31, v0  }
0x238: {  	s2 =	sadd.s32 $0xD, s1;
	[tilespmem:v7+s20+$0x0] =	vst.idx.msk $0xffff, v6;
	v6 =	vld [tilespmem:s19+$0xFFFFFE50];
	v7 =	vor.u32 s0, v0  }
0x239: {  	s10 =	sadd.s32 $0xE, s1;
	[tilespmem:v8+s20+$0x0] =	vst.idx.msk $0xffff, v4;
	v4 =	vld [tilespmem:s19+$0xFFFFFED0];
	v8 =	vor.u32 s2, v0  }
0x23a: {  	v13 =	vor.u32 s10, v0;
	[tilespmem:v15+s20+$0x0] =	vst.idx.msk $0xffff, v14;
	v12 =	vld [tilespmem:s19+$0xFFFFFF50]  }
0x23b: {  	v15 =	vor.u32 s1, v0;
	v14 =	vld [tilespmem:s19+$0xFFFFF850];
	[tilespmem:v11+s20+$0x0] =	vst.idx.msk $0xffff, v9  }
0x23c: {  	v9 =	vor.u32 s11, v3;
	[tilespmem:v10+s20+$0x0] =	vst.idx.msk $0xffff, v5;
	v5 =	vld [tilespmem:s19+$0x0]  }
0x23d: {  	v11 =	vor.u32 s7, v1;
	v10 =	vld [tilespmem:s19+$0xFFFFF8E0];
	[tilespmem:v7+s20+$0x0] =	vst.idx.msk $0xffff, v6  }
0x23e: {  	v7 =	vor.u32 s8, v1;
	v6 =	vld [tilespmem:s19+$0xFFFFF960];
	[tilespmem:v8+s20+$0x0] =	vst.idx.msk $0xffff, v4  }
0x23f: {  	v8 =	vor.u32 s21, v1;
	v4 =	vld [tilespmem:s19+$0xFFFFF9E0];
	[tilespmem:v13+s20+$0x0] =	vst.idx.msk $0xffff, v12  }
0x240: {  	v13 =	vor.u32 s22, v1;
	[tilespmem:v15+s20+$0x0] =	vst.idx.msk $0xffff, v14;
	v12 =	vld [tilespmem:s19+$0xFFFFFA60]  }
0x241: {  	v15 =	vor.u32 s23, v1;
	v14 =	vld [tilespmem:s19+$0xFFFFFAE0];
	[tilespmem:v9+s20+$0x0] =	vst.idx.msk $0xffff, v5  }
0x242: {  	v9 =	vor.u32 s24, v1;
	[tilespmem:v11+s20+$0x0] =	vst.idx.msk $0xffff, v10;
	v5 =	vld [tilespmem:s19+$0xFFFFFB60]  }
0x243: {  	[tilespmem:v7+s20+$0x0] =	vst.idx.msk $0xffff, v6;
	v6 =	vld [tilespmem:s19+$0xFFFFFBE0];
	v7 =	vor.u32 s25, v1  }
0x244: {  	[tilespmem:v8+s20+$0x0] =	vst.idx.msk $0xffff, v4;
	v4 =	vld [tilespmem:s19+$0xFFFFFC60];
	v8 =	vor.u32 s26, v1  }
0x245: {  	v11 =	vor.u32 s28, v1;
	[tilespmem:v13+s20+$0x0] =	vst.idx.msk $0xffff, v12;
	v10 =	vld [tilespmem:s19+$0xFFFFFCE0]  }
0x246: {  	v13 =	vor.u32 s30, v1;
	[tilespmem:v15+s20+$0x0] =	vst.idx.msk $0xffff, v14;
	v12 =	vld [tilespmem:s19+$0xFFFFFD60]  }
0x247: {  	[tilespmem:v9+s20+$0x0] =	vst.idx.msk $0xffff, v5;
	v5 =	vld [tilespmem:s19+$0xFFFFFDE0];
	v9 =	vor.u32 s31, v1  }
0x248: {  	[tilespmem:v7+s20+$0x0] =	vst.idx.msk $0xffff, v6;
	v6 =	vld [tilespmem:s19+$0xFFFFFE60];
	v7 =	vor.u32 s0, v1  }
0x249: {  	[tilespmem:v8+s20+$0x0] =	vst.idx.msk $0xffff, v4;
	v4 =	vld [tilespmem:s19+$0xFFFFFEE0];
	v8 =	vor.u32 s2, v1  }
0x24a: {  	[tilespmem:v11+s20+$0x0] =	vst.idx.msk $0xffff, v10;
	v10 =	vld [tilespmem:s19+$0xFFFFFF60];
	v11 =	vor.u32 s10, v1  }
0x24b: {  	v15 =	vor.u32 s1, v1;
	v14 =	vld [tilespmem:s19+$0xFFFFF860];
	[tilespmem:v13+s20+$0x0] =	vst.idx.msk $0xffff, v12  }
0x24c: {  	v13 =	vor.u32 s7, v2;
	v12 =	vld [tilespmem:s19+$0xFFFFF8F0];
	[tilespmem:v9+s20+$0x0] =	vst.idx.msk $0xffff, v5  }
0x24d: {  	v9 =	vor.u32 s8, v2;
	v5 =	vld [tilespmem:s19+$0xFFFFF970];
	[tilespmem:v7+s20+$0x0] =	vst.idx.msk $0xffff, v6  }
0x24e: {  	v7 =	vor.u32 s21, v2;
	v6 =	vld [tilespmem:s19+$0xFFFFF9F0];
	[tilespmem:v8+s20+$0x0] =	vst.idx.msk $0xffff, v4  }
0x24f: {  	v8 =	vor.u32 s22, v2;
	v4 =	vld [tilespmem:s19+$0xFFFFFA70];
	[tilespmem:v11+s20+$0x0] =	vst.idx.msk $0xffff, v10  }
0x250: {  	v11 =	vor.u32 s23, v2;
	[tilespmem:v15+s20+$0x0] =	vst.idx.msk $0xffff, v14;
	v10 =	vld [tilespmem:s19+$0xFFFFFAF0]  }
0x251: {  	[tilespmem:v13+s20+$0x0] =	vst.idx.msk $0xffff, v12;
	v12 =	vld [tilespmem:s19+$0xFFFFFB70];
	v13 =	vor.u32 s24, v2  }
0x252: {  	[tilespmem:v9+s20+$0x0] =	vst.idx.msk $0xffff, v5;
	v5 =	vld [tilespmem:s19+$0xFFFFFBF0];
	v9 =	vor.u32 s25, v2  }
0x253: {  	[tilespmem:v7+s20+$0x0] =	vst.idx.msk $0xffff, v6;
	v6 =	vld [tilespmem:s19+$0xFFFFFC70];
	v7 =	vor.u32 s26, v2  }
0x254: {  	[tilespmem:v8+s20+$0x0] =	vst.idx.msk $0xffff, v4;
	v4 =	vld [tilespmem:s19+$0xFFFFFCF0];
	v8 =	vor.u32 s28, v2  }
0x255: {  	[tilespmem:v11+s20+$0x0] =	vst.idx.msk $0xffff, v10;
	v10 =	vld [tilespmem:s19+$0xFFFFFD70];
	v11 =	vor.u32 s30, v2  }
0x256: {  	[tilespmem:v13+s20+$0x0] =	vst.idx.msk $0xffff, v12;
	v12 =	vld [tilespmem:s19+$0xFFFFFDF0];
	v13 =	vor.u32 s31, v2  }
0x257: {  	[tilespmem:v9+s20+$0x0] =	vst.idx.msk $0xffff, v5;
	v5 =	vld [tilespmem:s19+$0xFFFFFE70];
	v9 =	vor.u32 s0, v2  }
0x258: {  	[tilespmem:v7+s20+$0x0] =	vst.idx.msk $0xffff, v6;
	v6 =	vld [tilespmem:s19+$0xFFFFFEF0];
	v7 =	vor.u32 s2, v2  }
0x259: {  	[tilespmem:v8+s20+$0x0] =	vst.idx.msk $0xffff, v4;
	v4 =	vld [tilespmem:s19+$0xFFFFFF70];
	v8 =	vor.u32 s10, v2  }
0x25a: {  	v15 =	vor.u32 s1, v2;
	v14 =	vld [tilespmem:s19+$0xFFFFF870];
	[tilespmem:v11+s20+$0x0] =	vst.idx.msk $0xffff, v10  }
0x25b: {  	v11 =	vor.u32 s7, v3;
	v10 =	vld [tilespmem:s19+$0xFFFFF900];
	[tilespmem:v13+s20+$0x0] =	vst.idx.msk $0xffff, v12  }
0x25c: {  	v13 =	vor.u32 s8, v3;
	v12 =	vld [tilespmem:s19+$0xFFFFF980];
	[tilespmem:v9+s20+$0x0] =	vst.idx.msk $0xffff, v5  }
0x25d: {  	v9 =	vor.u32 s21, v3;
	v5 =	vld [tilespmem:s19+$0xFFFFFA00];
	[tilespmem:v7+s20+$0x0] =	vst.idx.msk $0xffff, v6  }
0x25e: {  	v7 =	vor.u32 s22, v3;
	v6 =	vld [tilespmem:s19+$0xFFFFFA80];
	[tilespmem:v8+s20+$0x0] =	vst.idx.msk $0xffff, v4  }
0x25f: {  	v8 =	vor.u32 s23, v3;
	[tilespmem:v15+s20+$0x0] =	vst.idx.msk $0xffff, v14;
	v4 =	vld [tilespmem:s19+$0xFFFFFB00]  }
0x260: {  	[tilespmem:v11+s20+$0x0] =	vst.idx.msk $0xffff, v10;
	v10 =	vld [tilespmem:s19+$0xFFFFFB80];
	v11 =	vor.u32 s24, v3  }
0x261: {  	v14 =	vor.u32 s25, v3;
	[tilespmem:v13+s20+$0x0] =	vst.idx.msk $0xffff, v12;
	v12 =	vld [tilespmem:s19+$0xFFFFFC00]  }
0x262: {  	v15 =	vor.u32 s26, v3;
	[tilespmem:v9+s20+$0x0] =	vst.idx.msk $0xffff, v5;
	v5 =	vld [tilespmem:s19+$0xFFFFFC80]  }
0x263: {  	[tilespmem:v7+s20+$0x0] =	vst.idx.msk $0xffff, v6;
	v6 =	vld [tilespmem:s19+$0xFFFFFD00];
	v7 =	vor.u32 s28, v3  }
0x264: {  	v17 =	vor.u32 s30, v3;
	[tilespmem:v8+s20+$0x0] =	vst.idx.msk $0xffff, v4;
	v16 =	vld [tilespmem:s19+$0xFFFFFD80]  }
.Ltmp2:
0x265: {  	v13 =	vor.u32 s31, v3;
	[tilespmem:v11+s20+$0x0] =	vst.idx.msk $0xffff, v10;
	v11 =	vld [tilespmem:s19+$0xFFFFFE00];
	(pc) =	sbr.rel @p1 .LBB2_7-.Ltmp2, $4  }
0x266: {  	[tilespmem:v14+s20+$0x0] =	vst.idx.msk $0xffff, v12;
	v9 =	vld [tilespmem:s19+$0xFFFFFE80];
	v12 =	vor.u32 s0, v3  }
0x267: {  	v10 =	vor.u32 s2, v3;
	[tilespmem:v15+s20+$0x0] =	vst.idx.msk $0xffff, v5;
	v5 =	vld [tilespmem:s19+$0xFFFFFF00]  }
0x268: {  	[tilespmem:v7+s20+$0x0] =	vst.idx.msk $0xffff, v6;
	v6 =	vld [tilespmem:s19+$0xFFFFFF80];
	v7 =	vor.u32 s10, v3  }
0x269: {  	s13 =	sadd.s32 $0x10, s13;
	s11 =	sadd.s32 $0xF, s16;
	v8 =	vor.u32 s1, v3;
	v4 =	vld [tilespmem:s19+$0xFFFFF880];
	[tilespmem:v17+s20+$0x0] =	vst.idx.msk $0xffff, v16;
	s19 =	sadd.s32 $0x800, s19  }
0x26a: {  	_ =	sdelay $0x3  }
0x26b: {  	s0 =	sadd.s32 $0x1, s16;
	v14 =	vld [tilespmem:s19+$0xFFFFFFD0];
	v15 =	vor.u32 s11, v0;
	[tilespmem:v13+s20+$0x0] =	vst.idx.msk $0xffff, v11  }
0x26c: {  	v11 =	vld [tilespmem:s19+$0xFFFFF8D0];
	s1 =	sadd.s32 $0x2, s16;
	v13 =	vor.u32 s0, v0;
	[tilespmem:v12+s20+$0x0] =	vst.idx.msk $0xffff, v9  }
0x26d: {  	s2 =	sadd.s32 $0x3, s16;
	v9 =	vld [tilespmem:s19+$0xFFFFF950];
	v12 =	vor.u32 s1, v0;
	[tilespmem:v10+s20+$0x0] =	vst.idx.msk $0xffff, v5  }
0x26e: {  	s7 =	sadd.s32 $0x4, s16;
	v5 =	vld [tilespmem:s19+$0xFFFFF9D0];
	v10 =	vor.u32 s2, v0;
	[tilespmem:v7+s20+$0x0] =	vst.idx.msk $0xffff, v6  }
0x26f: {  	s8 =	sadd.s32 $0x5, s16;
	v6 =	vld [tilespmem:s19+$0xFFFFFA50];
	v7 =	vor.u32 s7, v0;
	[tilespmem:v8+s20+$0x0] =	vst.idx.msk $0xffff, v4  }
0x270: {  	s23 =	sadd.s32 $0xA, s16;
	v4 =	vld [tilespmem:s19+$0xFFFFFAD0];
	v8 =	vor.u32 s8, v0;
	[tilespmem:v15+s20+$0x0] =	vst.idx.msk $0xffff, v14  }
0x271: {  	v14 =	vld [tilespmem:s19+$0xFFFFFD50];
	v15 =	vor.u32 s23, v0;
	[tilespmem:v13+s20+$0x0] =	vst.idx.msk $0xffff, v11  }
0x272: {  	s10 =	sadd.s32 $0x6, s16;
	v11 =	vld [tilespmem:s19+$0xFFFFFFE0];
	v13 =	vor.u32 s11, v1;
	[tilespmem:v12+s20+$0x0] =	vst.idx.msk $0xffff, v9  }
0x273: {  	s13 =	sadd.s32 $0x7, s16;
	v9 =	vld [tilespmem:s19+$0xFFFFFB50];
	v12 =	vor.u32 s10, v0;
	[tilespmem:v10+s20+$0x0] =	vst.idx.msk $0xffff, v5  }
0x274: {  	s21 =	sadd.s32 $0x8, s16;
	v5 =	vld [tilespmem:s19+$0xFFFFFBD0];
	v10 =	vor.u32 s13, v0;
	[tilespmem:v7+s20+$0x0] =	vst.idx.msk $0xffff, v6  }
0x275: {  	s22 =	sadd.s32 $0x9, s16;
	v6 =	vld [tilespmem:s19+$0xFFFFFC50];
	v7 =	vor.u32 s21, v0;
	[tilespmem:v8+s20+$0x0] =	vst.idx.msk $0xffff, v4  }
0x276: {  	v4 =	vld [tilespmem:s19+$0xFFFFFCD0];
	v8 =	vor.u32 s22, v0;
	[tilespmem:v15+s20+$0x0] =	vst.idx.msk $0xffff, v14  }
0x277: {  	s28 =	sadd.s32 $0xE, s16;
	v14 =	vld [tilespmem:s19+$0xFFFFF850];
	v15 =	vor.u32 s16, v0;
	[tilespmem:v13+s20+$0x0] =	vst.idx.msk $0xffff, v11  }
0x278: {  	[tilespmem:v12+s20+$0x0] =	vst.idx.msk $0xffff, v9;
	v12 =	vld [tilespmem:s19+$0xFFFFFF50];
	v13 =	vor.u32 s28, v0  }
0x279: {  	s24 =	sadd.s32 $0xB, s16;
	v11 =	vor.u32 s11, v2;
	v9 =	vld [tilespmem:s19+$0xFFFFFFF0];
	[tilespmem:v10+s20+$0x0] =	vst.idx.msk $0xffff, v5  }
0x27a: {  	s25 =	sadd.s32 $0xC, s16;
	v5 =	vld [tilespmem:s19+$0xFFFFFDD0];
	v10 =	vor.u32 s24, v0;
	[tilespmem:v7+s20+$0x0] =	vst.idx.msk $0xffff, v6  }
0x27b: {  	s26 =	sadd.s32 $0xD, s16;
	v6 =	vld [tilespmem:s19+$0xFFFFFE50];
	v7 =	vor.u32 s25, v0;
	[tilespmem:v8+s20+$0x0] =	vst.idx.msk $0xffff, v4  }
0x27c: {  	v4 =	vld [tilespmem:s19+$0xFFFFFED0];
	v8 =	vor.u32 s26, v0;
	[tilespmem:v15+s20+$0x0] =	vst.idx.msk $0xffff, v14  }
0x27d: {  	v14 =	vld [tilespmem:s19+$0xFFFFFAE0];
	v15 =	vor.u32 s8, v1;
	[tilespmem:v13+s20+$0x0] =	vst.idx.msk $0xffff, v12  }
0x27e: {  	v12 =	vld [tilespmem:s19+$0xFFFFFA60];
	v13 =	vor.u32 s7, v1;
	[tilespmem:v11+s20+$0x0] =	vst.idx.msk $0xffff, v9  }
0x27f: {  	[tilespmem:v10+s20+$0x0] =	vst.idx.msk $0xffff, v5;
	v10 =	vld [tilespmem:s19+$0xFFFFF8E0];
	v11 =	vor.u32 s0, v1  }
0x280: {  	v9 =	vor.u32 s11, v3;
	v5 =	vld [tilespmem:s19+$0x0];
	[tilespmem:v7+s20+$0x0] =	vst.idx.msk $0xffff, v6  }
0x281: {  	v6 =	vld [tilespmem:s19+$0xFFFFF960];
	v7 =	vor.u32 s1, v1;
	[tilespmem:v8+s20+$0x0] =	vst.idx.msk $0xffff, v4  }
0x282: {  	v4 =	vld [tilespmem:s19+$0xFFFFF9E0];
	v8 =	vor.u32 s2, v1;
	[tilespmem:v15+s20+$0x0] =	vst.idx.msk $0xffff, v14  }
0x283: {  	v14 =	vld [tilespmem:s19+$0xFFFFF860];
	v15 =	vor.u32 s16, v1;
	[tilespmem:v13+s20+$0x0] =	vst.idx.msk $0xffff, v12  }
0x284: {  	v12 =	vld [tilespmem:s19+$0xFFFFFD60];
	v13 =	vor.u32 s23, v1;
	[tilespmem:v11+s20+$0x0] =	vst.idx.msk $0xffff, v10  }
0x285: {  	v10 =	vld [tilespmem:s19+$0xFFFFFCE0];
	v11 =	vor.u32 s22, v1;
	[tilespmem:v9+s20+$0x0] =	vst.idx.msk $0xffff, v5  }
0x286: {  	v5 =	vld [tilespmem:s19+$0xFFFFFB60];
	v9 =	vor.u32 s10, v1;
	[tilespmem:v7+s20+$0x0] =	vst.idx.msk $0xffff, v6  }
0x287: {  	v6 =	vld [tilespmem:s19+$0xFFFFFBE0];
	v7 =	vor.u32 s13, v1;
	[tilespmem:v8+s20+$0x0] =	vst.idx.msk $0xffff, v4  }
0x288: {  	v4 =	vld [tilespmem:s19+$0xFFFFFC60];
	v8 =	vor.u32 s21, v1;
	[tilespmem:v15+s20+$0x0] =	vst.idx.msk $0xffff, v14  }
0x289: {  	[tilespmem:v13+s20+$0x0] =	vst.idx.msk $0xffff, v12;
	v12 =	vld [tilespmem:s19+$0xFFFFF8F0];
	v13 =	vor.u32 s0, v2  }
0x28a: {  	v15 =	vor.u32 s16, v2;
	v14 =	vld [tilespmem:s19+$0xFFFFF870];
	[tilespmem:v11+s20+$0x0] =	vst.idx.msk $0xffff, v10  }
0x28b: {  	[tilespmem:v9+s20+$0x0] =	vst.idx.msk $0xffff, v5;
	v5 =	vld [tilespmem:s19+$0xFFFFFDE0];
	v9 =	vor.u32 s24, v1  }
0x28c: {  	[tilespmem:v7+s20+$0x0] =	vst.idx.msk $0xffff, v6;
	v6 =	vld [tilespmem:s19+$0xFFFFFE60];
	v7 =	vor.u32 s25, v1  }
0x28d: {  	v10 =	vld [tilespmem:s19+$0xFFFFFF60];
	v11 =	vor.u32 s28, v1;
	[tilespmem:v8+s20+$0x0] =	vst.idx.msk $0xffff, v4  }
0x28e: {  	v4 =	vld [tilespmem:s19+$0xFFFFFEE0];
	v8 =	vor.u32 s26, v1;
	[tilespmem:v13+s20+$0x0] =	vst.idx.msk $0xffff, v12  }
0x28f: {  	v12 =	vld [tilespmem:s19+$0xFFFFFB70];
	v13 =	vor.u32 s10, v2;
	[tilespmem:v15+s20+$0x0] =	vst.idx.msk $0xffff, v14  }
0x290: {  	[tilespmem:v9+s20+$0x0] =	vst.idx.msk $0xffff, v5;
	v5 =	vld [tilespmem:s19+$0xFFFFF970];
	v9 =	vor.u32 s1, v2  }
0x291: {  	[tilespmem:v7+s20+$0x0] =	vst.idx.msk $0xffff, v6;
	v6 =	vld [tilespmem:s19+$0xFFFFF9F0];
	v7 =	vor.u32 s2, v2  }
0x292: {  	[tilespmem:v11+s20+$0x0] =	vst.idx.msk $0xffff, v10;
	v10 =	vld [tilespmem:s19+$0xFFFFFAF0];
	v11 =	vor.u32 s8, v2  }
0x293: {  	v15 =	vor.u32 s16, v3;
	v14 =	vld [tilespmem:s19+$0xFFFFF880];
	[tilespmem:v8+s20+$0x0] =	vst.idx.msk $0xffff, v4  }
0x294: {  	v4 =	vld [tilespmem:s19+$0xFFFFFA70];
	v8 =	vor.u32 s7, v2;
	[tilespmem:v13+s20+$0x0] =	vst.idx.msk $0xffff, v12  }
0x295: {  	[tilespmem:v9+s20+$0x0] =	vst.idx.msk $0xffff, v5;
	v5 =	vld [tilespmem:s19+$0xFFFFFBF0];
	v9 =	vor.u32 s13, v2  }
0x296: {  	[tilespmem:v7+s20+$0x0] =	vst.idx.msk $0xffff, v6;
	v6 =	vld [tilespmem:s19+$0xFFFFFC70];
	v7 =	vor.u32 s21, v2  }
0x297: {  	v12 =	vld [tilespmem:s19+$0xFFFFFDF0];
	v13 =	vor.u32 s24, v2;
	[tilespmem:v11+s20+$0x0] =	vst.idx.msk $0xffff, v10  }
0x298: {  	v10 =	vld [tilespmem:s19+$0xFFFFFD70];
	v11 =	vor.u32 s23, v2;
	[tilespmem:v15+s20+$0x0] =	vst.idx.msk $0xffff, v14  }
0x299: {  	[tilespmem:v8+s20+$0x0] =	vst.idx.msk $0xffff, v4;
	v4 =	vld [tilespmem:s19+$0xFFFFFCF0];
	v8 =	vor.u32 s22, v2  }
0x29a: {  	[tilespmem:v9+s20+$0x0] =	vst.idx.msk $0xffff, v5;
	v5 =	vld [tilespmem:s19+$0xFFFFFE70];
	v9 =	vor.u32 s25, v2  }
0x29b: {  	[tilespmem:v7+s20+$0x0] =	vst.idx.msk $0xffff, v6;
	v6 =	vld [tilespmem:s19+$0xFFFFFEF0];
	v7 =	vor.u32 s26, v2  }
0x29c: {  	[tilespmem:v13+s20+$0x0] =	vst.idx.msk $0xffff, v12;
	v12 =	vld [tilespmem:s19+$0xFFFFF980];
	v13 =	vor.u32 s1, v3  }
0x29d: {  	[tilespmem:v11+s20+$0x0] =	vst.idx.msk $0xffff, v10;
	v10 =	vor.u32 s0, v3;
	v11 =	vld [tilespmem:s19+$0xFFFFF900]  }
0x29e: {  	[tilespmem:v8+s20+$0x0] =	vst.idx.msk $0xffff, v4;
	v4 =	vld [tilespmem:s19+$0xFFFFFF70];
	v8 =	vor.u32 s28, v2  }
0x29f: {  	[tilespmem:v9+s20+$0x0] =	vst.idx.msk $0xffff, v5;
	v5 =	vld [tilespmem:s19+$0xFFFFFA00];
	v9 =	vor.u32 s2, v3  }
0x2a0: {  	[tilespmem:v7+s20+$0x0] =	vst.idx.msk $0xffff, v6;
	v6 =	vld [tilespmem:s19+$0xFFFFFA80];
	v7 =	vor.u32 s7, v3  }
0x2a1: {  	[tilespmem:v13+s20+$0x0] =	vst.idx.msk $0xffff, v12;
	v12 =	vld [tilespmem:s19+$0xFFFFFC00];
	v13 =	vor.u32 s13, v3  }
0x2a2: {  	[tilespmem:v10+s20+$0x0] =	vst.idx.msk $0xffff, v11;
	v10 =	vld [tilespmem:s19+$0xFFFFFB80];
	v11 =	vor.u32 s10, v3  }
0x2a3: {  	[tilespmem:v8+s20+$0x0] =	vst.idx.msk $0xffff, v4;
	v4 =	vld [tilespmem:s19+$0xFFFFFB00];
	v8 =	vor.u32 s8, v3  }
0x2a4: {  	[tilespmem:v9+s20+$0x0] =	vst.idx.msk $0xffff, v5;
	v5 =	vld [tilespmem:s19+$0xFFFFFC80];
	v9 =	vor.u32 s21, v3  }
0x2a5: {  	[tilespmem:v7+s20+$0x0] =	vst.idx.msk $0xffff, v6;
	v6 =	vld [tilespmem:s19+$0xFFFFFD00];
	v7 =	vor.u32 s22, v3  }
0x2a6: {  	[tilespmem:v13+s20+$0x0] =	vst.idx.msk $0xffff, v12;
	v12 =	vld [tilespmem:s19+$0xFFFFFE80];
	v13 =	vor.u32 s25, v3  }
0x2a7: {  	[tilespmem:v11+s20+$0x0] =	vst.idx.msk $0xffff, v10;
	v10 =	vld [tilespmem:s19+$0xFFFFFE00];
	v11 =	vor.u32 s24, v3  }
0x2a8: {  	[tilespmem:v8+s20+$0x0] =	vst.idx.msk $0xffff, v4;
	v4 =	vld [tilespmem:s19+$0xFFFFFD80];
	v8 =	vor.u32 s23, v3  }
0x2a9: {  	[tilespmem:v9+s20+$0x0] =	vst.idx.msk $0xffff, v5;
	v5 =	vld [tilespmem:s19+$0xFFFFFF00];
	v9 =	vor.u32 s26, v3  }
0x2aa: {  	[tilespmem:v7+s20+$0x0] =	vst.idx.msk $0xffff, v6;
	v6 =	vld [tilespmem:s19+$0xFFFFFF80];
	v7 =	vor.u32 s28, v3  }
0x2ab: {  	[tilespmem:v13+s20+$0x0] =	vst.idx.msk $0xffff, v12  }
0x2ac: {  	[tilespmem:v11+s20+$0x0] =	vst.idx.msk $0xffff, v10  }
0x2ad: {  	[tilespmem:v8+s20+$0x0] =	vst.idx.msk $0xffff, v4  }
0x2ae: {  	[tilespmem:v9+s20+$0x0] =	vst.idx.msk $0xffff, v5  }
0x2af: {  	[tilespmem:v7+s20+$0x0] =	vst.idx.msk $0xffff, v6  }
0x2b0: {  	s11 =	rddreg [dreg:$0x6]  }
0x2b1: {  	s0 =	sadd.s32 s9, s11  }
0x2b2: {  	[hbm4b:s0+s3] =	stream.linear.scatter [tilespmem:s20], [sflag:$0x2], $0x400, $0x38;
	[tilespmem:$0x1E400] =	vst v63  }
0x2b3: {  	s16 =	simm.s32 $0x16C00;
	s13 =	sadd.s32 $0x1000, s0  }
0x2b4: {  	[hbm4b:s13+s3] =	stream.linear.scatter [tilespmem:s16], [sflag:$0x2], $0x400, $0x38;
	[tilespmem:$0x1E400] =	vst v63  }
0x2b5: {  	s21 =	simm.s32 $0x17400;
	s19 =	sadd.s32 $0x2000, s0  }
0x2b6: {  	[hbm4b:s19+s3] =	stream.linear.scatter [tilespmem:s21], [sflag:$0x2], $0x400, $0x38;
	[tilespmem:$0x1E400] =	vst v63  }
0x2b7: {  	s23 =	simm.s32 $0x17C00;
	s22 =	sadd.s32 $0x3000, s0  }
0x2b8: {  	[hbm4b:s22+s3] =	stream.linear.scatter [tilespmem:s23], [sflag:$0x2], $0x400, $0x38;
	[tilespmem:$0x1E400] =	vst v63  }
0x2b9: {  	s25 =	simm.s32 $0x18400;
	s24 =	sadd.s32 $0x4000, s0  }
0x2ba: {  	[hbm4b:s24+s3] =	stream.linear.scatter [tilespmem:s25], [sflag:$0x2], $0x400, $0x38;
	[tilespmem:$0x1E400] =	vst v63  }
0x2bb: {  	s28 =	simm.s32 $0x18C00;
	s26 =	sadd.s32 $0x5000, s0  }
0x2bc: {  	[hbm4b:s26+s3] =	stream.linear.scatter [tilespmem:s28], [sflag:$0x2], $0x400, $0x38;
	[tilespmem:$0x1E400] =	vst v63  }
0x2bd: {  	s31 =	simm.s32 $0x19400;
	s30 =	sadd.s32 $0x6000, s0  }
0x2be: {  	[hbm4b:s30+s3] =	stream.linear.scatter [tilespmem:s31], [sflag:$0x2], $0x400, $0x38;
	[tilespmem:$0x1E400] =	vst v63  }
0x2bf: {  	s7 =	simm.s32 $0x19C00;
	s0 =	sadd.s32 $0x7000, s0  }
0x2c0: {  	[hbm4b:s0+s3] =	stream.linear.scatter [tilespmem:s7], [sflag:$0x2], $0x400, $0x38;
	[tilespmem:$0x1E400] =	vst v63  }
0x2c1: {  	_ =	swait.ge [sflag:s18], $0x4000  }
0x2c2: {  	s1 =	simm.s32 @!p0 $0x80;
	[sflag:s18] =	ssyncset.done $0x0  }
0x2c3: {  	s2 =	simm.s32 @!p0 $0xE400;
	s0 =	sadd.s32 @!p0 $0x300, s12;
	[sflag:s18] =	ssyncadd.s32 $0xFFFFC000  }
0x2c4: {  	[tilespmem:s2], [sflag:$0x1] =	stream.indirect.gather @!p0 [hbm4b:s4+s1], $0x80, s0, s1, $0xb8;
	[tilespmem:$0x1E400] =	vst v63  }
0x2c5: {  	_ =	swait.ge [sflag:s15], $0x2000  }
0x2c6: {  	[sflag:s15] =	ssyncset.done $0x0  }
0x2c7: {  	s8 =	simm.s32 $0xF;
	s1 =	simm.s32 $0x12BB0;
	[sflag:s15] =	ssyncadd.s32 $0xFFFFE000  }
0x2c8: {  	v5 =	vor.u32 s8, v0;
	s9 =	simm.s32 $0x1;
	v4 =	vld [tilespmem:s1+$0xFFFFFFD0]  }
0x2c9: {  	s10 =	simm.s32 $0x2;
	v7 =	vor.u32 s9, v0;
	v6 =	vld [tilespmem:s1+$0xFFFFF8D0]  }
0x2ca: {  	v9 =	vor.u32 s10, v0;
	s11 =	simm.s32 $0x3;
	v8 =	vld [tilespmem:s1+$0xFFFFF950]  }
0x2cb: {  	v11 =	vor.u32 s11, v0;
	s12 =	simm.s32 $0x4;
	v10 =	vld [tilespmem:s1+$0xFFFFF9D0]  }
0x2cc: {  	s13 =	simm.s32 $0x5;
	v13 =	vor.u32 s12, v0;
	v12 =	vld [tilespmem:s1+$0xFFFFFA50]  }
0x2cd: {  	s16 =	simm.s32 $0x6;
	v15 =	vor.u32 s13, v0;
	v14 =	vld [tilespmem:s1+$0xFFFFFAD0];
	[tilespmem:v5+s29+$0x0] =	vst.idx.msk $0xffff, v4  }
0x2ce: {  	s19 =	simm.s32 $0x7;
	[tilespmem:v7+s29+$0x0] =	vst.idx.msk $0xffff, v6;
	v6 =	vld [tilespmem:s1+$0xFFFFFB50];
	v7 =	vor.u32 s16, v0  }
0x2cf: {  	s21 =	simm.s32 $0x8;
	[tilespmem:v9+s29+$0x0] =	vst.idx.msk $0xffff, v8;
	v8 =	vld [tilespmem:s1+$0xFFFFFBD0];
	v9 =	vor.u32 s19, v0  }
0x2d0: {  	s22 =	simm.s32 $0x9;
	[tilespmem:v11+s29+$0x0] =	vst.idx.msk $0xffff, v10;
	v10 =	vld [tilespmem:s1+$0xFFFFFC50];
	v11 =	vor.u32 s21, v0  }
0x2d1: {  	s23 =	simm.s32 $0xA;
	[tilespmem:v13+s29+$0x0] =	vst.idx.msk $0xffff, v12;
	v12 =	vld [tilespmem:s1+$0xFFFFFCD0];
	v13 =	vor.u32 s22, v0  }
0x2d2: {  	[tilespmem:v15+s29+$0x0] =	vst.idx.msk $0xffff, v14;
	v14 =	vld [tilespmem:s1+$0xFFFFFD50];
	v15 =	vor.u32 s23, v0  }
0x2d3: {  	s24 =	simm.s32 $0xB;
	v5 =	vor.u32 s8, v1;
	v4 =	vld [tilespmem:s1+$0xFFFFFFE0];
	[tilespmem:v7+s29+$0x0] =	vst.idx.msk $0xffff, v6  }
0x2d4: {  	s26 =	simm.s32 $0xC;
	[tilespmem:v9+s29+$0x0] =	vst.idx.msk $0xffff, v8;
	v6 =	vld [tilespmem:s1+$0xFFFFFDD0];
	v7 =	vor.u32 s24, v0  }
0x2d5: {  	s28 =	simm.s32 $0xD;
	[tilespmem:v11+s29+$0x0] =	vst.idx.msk $0xffff, v10;
	v8 =	vld [tilespmem:s1+$0xFFFFFE50];
	v9 =	vor.u32 s26, v0  }
0x2d6: {  	s30 =	simm.s32 $0xE;
	[tilespmem:v13+s29+$0x0] =	vst.idx.msk $0xffff, v12;
	v10 =	vld [tilespmem:s1+$0xFFFFFED0];
	v11 =	vor.u32 s28, v0  }
0x2d7: {  	s31 =	simm.s32 $0x0;
	[tilespmem:v15+s29+$0x0] =	vst.idx.msk $0xffff, v14;
	v12 =	vld [tilespmem:s1+$0xFFFFFF50];
	v13 =	vor.u32 s30, v0  }
0x2d8: {  	v14 =	vld [tilespmem:s1+$0xFFFFF850];
	v15 =	vor.u32 s31, v0;
	[tilespmem:v5+s29+$0x0] =	vst.idx.msk $0xffff, v4  }
0x2d9: {  	v5 =	vor.u32 s8, v2;
	v4 =	vld [tilespmem:s1+$0xFFFFFFF0];
	[tilespmem:v7+s29+$0x0] =	vst.idx.msk $0xffff, v6  }
0x2da: {  	v6 =	vld [tilespmem:s1+$0xFFFFF8E0];
	v7 =	vor.u32 s9, v1;
	[tilespmem:v9+s29+$0x0] =	vst.idx.msk $0xffff, v8  }
0x2db: {  	v8 =	vld [tilespmem:s1+$0xFFFFF960];
	v9 =	vor.u32 s10, v1;
	[tilespmem:v11+s29+$0x0] =	vst.idx.msk $0xffff, v10  }
0x2dc: {  	v10 =	vld [tilespmem:s1+$0xFFFFF9E0];
	v11 =	vor.u32 s11, v1;
	[tilespmem:v13+s29+$0x0] =	vst.idx.msk $0xffff, v12  }
0x2dd: {  	[tilespmem:v15+s29+$0x0] =	vst.idx.msk $0xffff, v14;
	v12 =	vld [tilespmem:s1+$0xFFFFFA60];
	v13 =	vor.u32 s12, v1  }
0x2de: {  	v14 =	vld [tilespmem:s1+$0xFFFFFAE0];
	v15 =	vor.u32 s13, v1;
	[tilespmem:v5+s29+$0x0] =	vst.idx.msk $0xffff, v4  }
0x2df: {  	v4 =	vor.u32 s8, v3;
	v5 =	vld [tilespmem:s1+$0x0];
	[tilespmem:v7+s29+$0x0] =	vst.idx.msk $0xffff, v6  }
0x2e0: {  	[tilespmem:v9+s29+$0x0] =	vst.idx.msk $0xffff, v8;
	v6 =	vld [tilespmem:s1+$0xFFFFFBE0];
	v7 =	vor.u32 s19, v1  }
0x2e1: {  	[tilespmem:v11+s29+$0x0] =	vst.idx.msk $0xffff, v10;
	v8 =	vld [tilespmem:s1+$0xFFFFFC60];
	v9 =	vor.u32 s21, v1  }
0x2e2: {  	[tilespmem:v13+s29+$0x0] =	vst.idx.msk $0xffff, v12;
	v10 =	vld [tilespmem:s1+$0xFFFFFCE0];
	v11 =	vor.u32 s22, v1  }
0x2e3: {  	[tilespmem:v15+s29+$0x0] =	vst.idx.msk $0xffff, v14;
	v12 =	vld [tilespmem:s1+$0xFFFFFD60];
	v13 =	vor.u32 s23, v1  }
0x2e4: {  	[tilespmem:v4+s29+$0x0] =	vst.idx.msk $0xffff, v5;
	v4 =	vld [tilespmem:s1+$0xFFFFFB60];
	v5 =	vor.u32 s16, v1  }
0x2e5: {  	v14 =	vld [tilespmem:s1+$0xFFFFF860];
	v15 =	vor.u32 s31, v1;
	[tilespmem:v7+s29+$0x0] =	vst.idx.msk $0xffff, v6  }
0x2e6: {  	v6 =	vld [tilespmem:s1+$0xFFFFFE60];
	v7 =	vor.u32 s26, v1;
	[tilespmem:v9+s29+$0x0] =	vst.idx.msk $0xffff, v8  }
0x2e7: {  	v8 =	vld [tilespmem:s1+$0xFFFFFEE0];
	v9 =	vor.u32 s28, v1;
	[tilespmem:v11+s29+$0x0] =	vst.idx.msk $0xffff, v10  }
0x2e8: {  	v10 =	vld [tilespmem:s1+$0xFFFFFF60];
	v11 =	vor.u32 s30, v1;
	[tilespmem:v13+s29+$0x0] =	vst.idx.msk $0xffff, v12  }
0x2e9: {  	[tilespmem:v5+s29+$0x0] =	vst.idx.msk $0xffff, v4;
	v4 =	vld [tilespmem:s1+$0xFFFFFDE0];
	v5 =	vor.u32 s24, v1  }
0x2ea: {  	v12 =	vld [tilespmem:s1+$0xFFFFF8F0];
	v13 =	vor.u32 s9, v2;
	[tilespmem:v15+s29+$0x0] =	vst.idx.msk $0xffff, v14  }
0x2eb: {  	v15 =	vor.u32 s31, v2;
	v14 =	vld [tilespmem:s1+$0xFFFFF870];
	[tilespmem:v7+s29+$0x0] =	vst.idx.msk $0xffff, v6  }
0x2ec: {  	v6 =	vld [tilespmem:s1+$0xFFFFF9F0];
	v7 =	vor.u32 s11, v2;
	[tilespmem:v9+s29+$0x0] =	vst.idx.msk $0xffff, v8  }
0x2ed: {  	v8 =	vld [tilespmem:s1+$0xFFFFFA70];
	v9 =	vor.u32 s12, v2;
	[tilespmem:v11+s29+$0x0] =	vst.idx.msk $0xffff, v10  }
0x2ee: {  	[tilespmem:v5+s29+$0x0] =	vst.idx.msk $0xffff, v4;
	v4 =	vld [tilespmem:s1+$0xFFFFF970];
	v5 =	vor.u32 s10, v2  }
0x2ef: {  	v10 =	vld [tilespmem:s1+$0xFFFFFAF0];
	v11 =	vor.u32 s13, v2;
	[tilespmem:v13+s29+$0x0] =	vst.idx.msk $0xffff, v12  }
0x2f0: {  	v12 =	vld [tilespmem:s1+$0xFFFFFB70];
	v13 =	vor.u32 s16, v2;
	[tilespmem:v15+s29+$0x0] =	vst.idx.msk $0xffff, v14  }
0x2f1: {  	[tilespmem:v7+s29+$0x0] =	vst.idx.msk $0xffff, v6;
	v6 =	vld [tilespmem:s1+$0xFFFFFC70];
	v7 =	vor.u32 s21, v2  }
0x2f2: {  	[tilespmem:v9+s29+$0x0] =	vst.idx.msk $0xffff, v8;
	v8 =	vld [tilespmem:s1+$0xFFFFFCF0];
	v9 =	vor.u32 s22, v2  }
0x2f3: {  	[tilespmem:v5+s29+$0x0] =	vst.idx.msk $0xffff, v4;
	v4 =	vld [tilespmem:s1+$0xFFFFFBF0];
	v5 =	vor.u32 s19, v2  }
0x2f4: {  	[tilespmem:v11+s29+$0x0] =	vst.idx.msk $0xffff, v10;
	v10 =	vld [tilespmem:s1+$0xFFFFFD70];
	v11 =	vor.u32 s23, v2  }
0x2f5: {  	[tilespmem:v13+s29+$0x0] =	vst.idx.msk $0xffff, v12;
	v12 =	vld [tilespmem:s1+$0xFFFFFDF0];
	v13 =	vor.u32 s24, v2  }
0x2f6: {  	[tilespmem:v7+s29+$0x0] =	vst.idx.msk $0xffff, v6;
	v6 =	vld [tilespmem:s1+$0xFFFFFEF0];
	v7 =	vor.u32 s28, v2  }
0x2f7: {  	[tilespmem:v9+s29+$0x0] =	vst.idx.msk $0xffff, v8;
	v8 =	vld [tilespmem:s1+$0xFFFFFF70];
	v9 =	vor.u32 s30, v2  }
0x2f8: {  	[tilespmem:v5+s29+$0x0] =	vst.idx.msk $0xffff, v4;
	v4 =	vld [tilespmem:s1+$0xFFFFFE70];
	v5 =	vor.u32 s26, v2  }
0x2f9: {  	[tilespmem:v11+s29+$0x0] =	vst.idx.msk $0xffff, v10;
	v10 =	vor.u32 s9, v3;
	v11 =	vld [tilespmem:s1+$0xFFFFF900]  }
0x2fa: {  	[tilespmem:v13+s29+$0x0] =	vst.idx.msk $0xffff, v12;
	v12 =	vor.u32 s10, v3;
	v13 =	vld [tilespmem:s1+$0xFFFFF980]  }
0x2fb: {  	v18 =	vor.u32 s23, v3;
	v19 =	vld [tilespmem:s1+$0xFFFFFD80];
	[tilespmem:v7+s29+$0x0] =	vst.idx.msk $0xffff, v6  }
0x2fc: {  	v6 =	vor.u32 s12, v3;
	v7 =	vld [tilespmem:s1+$0xFFFFFA80];
	[tilespmem:v9+s29+$0x0] =	vst.idx.msk $0xffff, v8  }
0x2fd: {  	[tilespmem:v5+s29+$0x0] =	vst.idx.msk $0xffff, v4;
	v4 =	vor.u32 s11, v3;
	v5 =	vld [tilespmem:s1+$0xFFFFFA00]  }
0x2fe: {  	v8 =	vor.u32 s13, v3;
	v9 =	vld [tilespmem:s1+$0xFFFFFB00];
	[tilespmem:v10+s29+$0x0] =	vst.idx.msk $0xffff, v11  }
0x2ff: {  	v15 =	vor.u32 s19, v3;
	[tilespmem:v12+s29+$0x0] =	vst.idx.msk $0xffff, v13;
	v12 =	vld [tilespmem:s1+$0xFFFFFC00]  }
0x300: {  	v14 =	vor.u32 s16, v3;
	v10 =	vld [tilespmem:s1+$0xFFFFFB80];
	[tilespmem:v18+s29+$0x0] =	vst.idx.msk $0xffff, v19  }
0x301: {  	v17 =	vor.u32 s22, v3;
	[tilespmem:v6+s29+$0x0] =	vst.idx.msk $0xffff, v7;
	v6 =	vld [tilespmem:s1+$0xFFFFFD00]  }
0x302: {  	v16 =	vor.u32 s21, v3;
	[tilespmem:v4+s29+$0x0] =	vst.idx.msk $0xffff, v5;
	v4 =	vld [tilespmem:s1+$0xFFFFFC80]  }
0x303: {  	v11 =	vld [tilespmem:s1+$0xFFFFFE00];
	v13 =	vor.u32 s24, v3;
	[tilespmem:v8+s29+$0x0] =	vst.idx.msk $0xffff, v9  }
0x304: {  	[tilespmem:v15+s29+$0x0] =	vst.idx.msk $0xffff, v12;
	v9 =	vld [tilespmem:s1+$0xFFFFFE80];
	v12 =	vor.u32 s26, v3  }
0x305: {  	[tilespmem:v14+s29+$0x0] =	vst.idx.msk $0xffff, v10;
	v10 =	vor.u32 s28, v3;
	v5 =	vld [tilespmem:s1+$0xFFFFFF00]  }
0x306: {  	s9 =	simm.s32 $0x10;
	v7 =	vor.u32 s30, v3;
	[tilespmem:v17+s29+$0x0] =	vst.idx.msk $0xffff, v6;
	v6 =	vld [tilespmem:s1+$0xFFFFFF80]  }
0x307: {  	s13 =	simm.s32 $0x20;
	s12 =	simm.s32 $0x133B0;
	s11 =	simm.s32 $0x1F;
	v8 =	vor.u32 s31, v3;
	[tilespmem:v16+s29+$0x0] =	vst.idx.msk $0xffff, v4;
	v4 =	vld [tilespmem:s1+$0xFFFFF880]  }
.LBB2_9:
0x308: {  	p0 =	slt.u32 s13, $0x70;
	s7 =	sadd.s32 $0x1, s9;
	v14 =	vld [tilespmem:s12+$0xFFFFFFD0];
	v15 =	vor.u32 s11, v0;
	[tilespmem:v13+s29+$0x0] =	vst.idx.msk $0xffff, v11;
	s1 =	smov.u32 s9  }
0x309: {  	s9 =	smov.u32 s13;
	v11 =	vld [tilespmem:s12+$0xFFFFF8D0];
	v13 =	vor.u32 s7, v0;
	s8 =	sadd.s32 $0x2, s1;
	[tilespmem:v12+s29+$0x0] =	vst.idx.msk $0xffff, v9  }
0x30a: {  	s16 =	sadd.s32 $0x3, s1;
	v9 =	vld [tilespmem:s12+$0xFFFFF950];
	v12 =	vor.u32 s8, v0;
	[tilespmem:v10+s29+$0x0] =	vst.idx.msk $0xffff, v5  }
0x30b: {  	s19 =	sadd.s32 $0x4, s1;
	v10 =	vor.u32 s16, v0;
	v5 =	vld [tilespmem:s12+$0xFFFFF9D0];
	[tilespmem:v7+s29+$0x0] =	vst.idx.msk $0xffff, v6  }
0x30c: {  	s21 =	sadd.s32 $0x5, s1;
	v7 =	vor.u32 s19, v0;
	v6 =	vld [tilespmem:s12+$0xFFFFFA50];
	[tilespmem:v8+s29+$0x0] =	vst.idx.msk $0xffff, v4  }
0x30d: {  	v8 =	vor.u32 s21, v0;
	v4 =	vld [tilespmem:s12+$0xFFFFFAD0];
	[tilespmem:v15+s29+$0x0] =	vst.idx.msk $0xffff, v14  }
0x30e: {  	s22 =	sadd.s32 $0x6, s1;
	[tilespmem:v13+s29+$0x0] =	vst.idx.msk $0xffff, v11;
	v11 =	vld [tilespmem:s12+$0xFFFFFFE0];
	v13 =	vor.u32 s11, v1  }
0x30f: {  	s23 =	sadd.s32 $0x7, s1;
	[tilespmem:v12+s29+$0x0] =	vst.idx.msk $0xffff, v9;
	v9 =	vld [tilespmem:s12+$0xFFFFFB50];
	v12 =	vor.u32 s22, v0  }
0x310: {  	s24 =	sadd.s32 $0x8, s1;
	[tilespmem:v10+s29+$0x0] =	vst.idx.msk $0xffff, v5;
	v5 =	vld [tilespmem:s12+$0xFFFFFBD0];
	v10 =	vor.u32 s23, v0  }
0x311: {  	s25 =	sadd.s32 $0x9, s1;
	[tilespmem:v7+s29+$0x0] =	vst.idx.msk $0xffff, v6;
	v6 =	vld [tilespmem:s12+$0xFFFFFC50];
	v7 =	vor.u32 s24, v0  }
0x312: {  	s26 =	sadd.s32 $0xA, s1;
	[tilespmem:v8+s29+$0x0] =	vst.idx.msk $0xffff, v4;
	v4 =	vld [tilespmem:s12+$0xFFFFFCD0];
	v8 =	vor.u32 s25, v0  }
0x313: {  	v15 =	vor.u32 s26, v0;
	v14 =	vld [tilespmem:s12+$0xFFFFFD50];
	[tilespmem:v13+s29+$0x0] =	vst.idx.msk $0xffff, v11  }
0x314: {  	s28 =	sadd.s32 $0xB, s1;
	v11 =	vor.u32 s11, v2;
	[tilespmem:v12+s29+$0x0] =	vst.idx.msk $0xffff, v9;
	v9 =	vld [tilespmem:s12+$0xFFFFFFF0]  }
0x315: {  	s0 =	sadd.s32 $0xC, s1;
	[tilespmem:v10+s29+$0x0] =	vst.idx.msk $0xffff, v5;
	v5 =	vld [tilespmem:s12+$0xFFFFFDD0];
	v10 =	vor.u32 s28, v0  }
0x316: {  	s2 =	sadd.s32 $0xD, s1;
	[tilespmem:v7+s29+$0x0] =	vst.idx.msk $0xffff, v6;
	v6 =	vld [tilespmem:s12+$0xFFFFFE50];
	v7 =	vor.u32 s0, v0  }
0x317: {  	s10 =	sadd.s32 $0xE, s1;
	[tilespmem:v8+s29+$0x0] =	vst.idx.msk $0xffff, v4;
	v4 =	vld [tilespmem:s12+$0xFFFFFED0];
	v8 =	vor.u32 s2, v0  }
0x318: {  	v13 =	vor.u32 s10, v0;
	[tilespmem:v15+s29+$0x0] =	vst.idx.msk $0xffff, v14;
	v12 =	vld [tilespmem:s12+$0xFFFFFF50]  }
0x319: {  	v15 =	vor.u32 s1, v0;
	v14 =	vld [tilespmem:s12+$0xFFFFF850];
	[tilespmem:v11+s29+$0x0] =	vst.idx.msk $0xffff, v9  }
0x31a: {  	v9 =	vor.u32 s11, v3;
	[tilespmem:v10+s29+$0x0] =	vst.idx.msk $0xffff, v5;
	v5 =	vld [tilespmem:s12+$0x0]  }
0x31b: {  	v11 =	vor.u32 s7, v1;
	v10 =	vld [tilespmem:s12+$0xFFFFF8E0];
	[tilespmem:v7+s29+$0x0] =	vst.idx.msk $0xffff, v6  }
0x31c: {  	v7 =	vor.u32 s8, v1;
	v6 =	vld [tilespmem:s12+$0xFFFFF960];
	[tilespmem:v8+s29+$0x0] =	vst.idx.msk $0xffff, v4  }
0x31d: {  	v8 =	vor.u32 s16, v1;
	v4 =	vld [tilespmem:s12+$0xFFFFF9E0];
	[tilespmem:v13+s29+$0x0] =	vst.idx.msk $0xffff, v12  }
0x31e: {  	v13 =	vor.u32 s19, v1;
	[tilespmem:v15+s29+$0x0] =	vst.idx.msk $0xffff, v14;
	v12 =	vld [tilespmem:s12+$0xFFFFFA60]  }
0x31f: {  	v15 =	vor.u32 s21, v1;
	v14 =	vld [tilespmem:s12+$0xFFFFFAE0];
	[tilespmem:v9+s29+$0x0] =	vst.idx.msk $0xffff, v5  }
0x320: {  	v9 =	vor.u32 s22, v1;
	[tilespmem:v11+s29+$0x0] =	vst.idx.msk $0xffff, v10;
	v5 =	vld [tilespmem:s12+$0xFFFFFB60]  }
0x321: {  	[tilespmem:v7+s29+$0x0] =	vst.idx.msk $0xffff, v6;
	v6 =	vld [tilespmem:s12+$0xFFFFFBE0];
	v7 =	vor.u32 s23, v1  }
0x322: {  	[tilespmem:v8+s29+$0x0] =	vst.idx.msk $0xffff, v4;
	v4 =	vld [tilespmem:s12+$0xFFFFFC60];
	v8 =	vor.u32 s24, v1  }
0x323: {  	v11 =	vor.u32 s25, v1;
	[tilespmem:v13+s29+$0x0] =	vst.idx.msk $0xffff, v12;
	v10 =	vld [tilespmem:s12+$0xFFFFFCE0]  }
0x324: {  	v13 =	vor.u32 s26, v1;
	[tilespmem:v15+s29+$0x0] =	vst.idx.msk $0xffff, v14;
	v12 =	vld [tilespmem:s12+$0xFFFFFD60]  }
0x325: {  	[tilespmem:v9+s29+$0x0] =	vst.idx.msk $0xffff, v5;
	v5 =	vld [tilespmem:s12+$0xFFFFFDE0];
	v9 =	vor.u32 s28, v1  }
0x326: {  	[tilespmem:v7+s29+$0x0] =	vst.idx.msk $0xffff, v6;
	v6 =	vld [tilespmem:s12+$0xFFFFFE60];
	v7 =	vor.u32 s0, v1  }
0x327: {  	[tilespmem:v8+s29+$0x0] =	vst.idx.msk $0xffff, v4;
	v4 =	vld [tilespmem:s12+$0xFFFFFEE0];
	v8 =	vor.u32 s2, v1  }
0x328: {  	[tilespmem:v11+s29+$0x0] =	vst.idx.msk $0xffff, v10;
	v10 =	vld [tilespmem:s12+$0xFFFFFF60];
	v11 =	vor.u32 s10, v1  }
0x329: {  	v15 =	vor.u32 s1, v1;
	v14 =	vld [tilespmem:s12+$0xFFFFF860];
	[tilespmem:v13+s29+$0x0] =	vst.idx.msk $0xffff, v12  }
0x32a: {  	v13 =	vor.u32 s7, v2;
	v12 =	vld [tilespmem:s12+$0xFFFFF8F0];
	[tilespmem:v9+s29+$0x0] =	vst.idx.msk $0xffff, v5  }
0x32b: {  	v9 =	vor.u32 s8, v2;
	v5 =	vld [tilespmem:s12+$0xFFFFF970];
	[tilespmem:v7+s29+$0x0] =	vst.idx.msk $0xffff, v6  }
0x32c: {  	v7 =	vor.u32 s16, v2;
	v6 =	vld [tilespmem:s12+$0xFFFFF9F0];
	[tilespmem:v8+s29+$0x0] =	vst.idx.msk $0xffff, v4  }
0x32d: {  	v8 =	vor.u32 s19, v2;
	v4 =	vld [tilespmem:s12+$0xFFFFFA70];
	[tilespmem:v11+s29+$0x0] =	vst.idx.msk $0xffff, v10  }
0x32e: {  	v11 =	vor.u32 s21, v2;
	[tilespmem:v15+s29+$0x0] =	vst.idx.msk $0xffff, v14;
	v10 =	vld [tilespmem:s12+$0xFFFFFAF0]  }
0x32f: {  	[tilespmem:v13+s29+$0x0] =	vst.idx.msk $0xffff, v12;
	v12 =	vld [tilespmem:s12+$0xFFFFFB70];
	v13 =	vor.u32 s22, v2  }
0x330: {  	[tilespmem:v9+s29+$0x0] =	vst.idx.msk $0xffff, v5;
	v5 =	vld [tilespmem:s12+$0xFFFFFBF0];
	v9 =	vor.u32 s23, v2  }
0x331: {  	[tilespmem:v7+s29+$0x0] =	vst.idx.msk $0xffff, v6;
	v6 =	vld [tilespmem:s12+$0xFFFFFC70];
	v7 =	vor.u32 s24, v2  }
0x332: {  	[tilespmem:v8+s29+$0x0] =	vst.idx.msk $0xffff, v4;
	v4 =	vld [tilespmem:s12+$0xFFFFFCF0];
	v8 =	vor.u32 s25, v2  }
0x333: {  	[tilespmem:v11+s29+$0x0] =	vst.idx.msk $0xffff, v10;
	v10 =	vld [tilespmem:s12+$0xFFFFFD70];
	v11 =	vor.u32 s26, v2  }
0x334: {  	[tilespmem:v13+s29+$0x0] =	vst.idx.msk $0xffff, v12;
	v12 =	vld [tilespmem:s12+$0xFFFFFDF0];
	v13 =	vor.u32 s28, v2  }
0x335: {  	[tilespmem:v9+s29+$0x0] =	vst.idx.msk $0xffff, v5;
	v5 =	vld [tilespmem:s12+$0xFFFFFE70];
	v9 =	vor.u32 s0, v2  }
0x336: {  	[tilespmem:v7+s29+$0x0] =	vst.idx.msk $0xffff, v6;
	v6 =	vld [tilespmem:s12+$0xFFFFFEF0];
	v7 =	vor.u32 s2, v2  }
0x337: {  	[tilespmem:v8+s29+$0x0] =	vst.idx.msk $0xffff, v4;
	v4 =	vld [tilespmem:s12+$0xFFFFFF70];
	v8 =	vor.u32 s10, v2  }
0x338: {  	v15 =	vor.u32 s1, v2;
	v14 =	vld [tilespmem:s12+$0xFFFFF870];
	[tilespmem:v11+s29+$0x0] =	vst.idx.msk $0xffff, v10  }
0x339: {  	v11 =	vor.u32 s7, v3;
	v10 =	vld [tilespmem:s12+$0xFFFFF900];
	[tilespmem:v13+s29+$0x0] =	vst.idx.msk $0xffff, v12  }
0x33a: {  	v13 =	vor.u32 s8, v3;
	v12 =	vld [tilespmem:s12+$0xFFFFF980];
	[tilespmem:v9+s29+$0x0] =	vst.idx.msk $0xffff, v5  }
0x33b: {  	v9 =	vor.u32 s16, v3;
	v5 =	vld [tilespmem:s12+$0xFFFFFA00];
	[tilespmem:v7+s29+$0x0] =	vst.idx.msk $0xffff, v6  }
0x33c: {  	v7 =	vor.u32 s19, v3;
	v6 =	vld [tilespmem:s12+$0xFFFFFA80];
	[tilespmem:v8+s29+$0x0] =	vst.idx.msk $0xffff, v4  }
0x33d: {  	v8 =	vor.u32 s21, v3;
	[tilespmem:v15+s29+$0x0] =	vst.idx.msk $0xffff, v14;
	v4 =	vld [tilespmem:s12+$0xFFFFFB00]  }
0x33e: {  	[tilespmem:v11+s29+$0x0] =	vst.idx.msk $0xffff, v10;
	v10 =	vld [tilespmem:s12+$0xFFFFFB80];
	v11 =	vor.u32 s22, v3  }
0x33f: {  	v14 =	vor.u32 s23, v3;
	[tilespmem:v13+s29+$0x0] =	vst.idx.msk $0xffff, v12;
	v12 =	vld [tilespmem:s12+$0xFFFFFC00]  }
0x340: {  	v15 =	vor.u32 s24, v3;
	[tilespmem:v9+s29+$0x0] =	vst.idx.msk $0xffff, v5;
	v5 =	vld [tilespmem:s12+$0xFFFFFC80]  }
0x341: {  	[tilespmem:v7+s29+$0x0] =	vst.idx.msk $0xffff, v6;
	v6 =	vld [tilespmem:s12+$0xFFFFFD00];
	v7 =	vor.u32 s25, v3  }
0x342: {  	v17 =	vor.u32 s26, v3;
	[tilespmem:v8+s29+$0x0] =	vst.idx.msk $0xffff, v4;
	v16 =	vld [tilespmem:s12+$0xFFFFFD80]  }
.Ltmp3:
0x343: {  	v13 =	vor.u32 s28, v3;
	[tilespmem:v11+s29+$0x0] =	vst.idx.msk $0xffff, v10;
	v11 =	vld [tilespmem:s12+$0xFFFFFE00];
	(pc) =	sbr.rel @p0 .LBB2_9-.Ltmp3, $4  }
0x344: {  	[tilespmem:v14+s29+$0x0] =	vst.idx.msk $0xffff, v12;
	v9 =	vld [tilespmem:s12+$0xFFFFFE80];
	v12 =	vor.u32 s0, v3  }
0x345: {  	v10 =	vor.u32 s2, v3;
	[tilespmem:v15+s29+$0x0] =	vst.idx.msk $0xffff, v5;
	v5 =	vld [tilespmem:s12+$0xFFFFFF00]  }
0x346: {  	[tilespmem:v7+s29+$0x0] =	vst.idx.msk $0xffff, v6;
	v6 =	vld [tilespmem:s12+$0xFFFFFF80];
	v7 =	vor.u32 s10, v3  }
0x347: {  	s13 =	sadd.s32 $0x10, s13;
	s11 =	sadd.s32 $0xF, s9;
	v8 =	vor.u32 s1, v3;
	v4 =	vld [tilespmem:s12+$0xFFFFF880];
	[tilespmem:v17+s29+$0x0] =	vst.idx.msk $0xffff, v16;
	s12 =	sadd.s32 $0x800, s12  }
0x348: {  	_ =	sdelay $0x3  }
0x349: {  	v14 =	vld [tilespmem:s12+$0xFFFFFFD0];
	v15 =	vor.u32 s11, v0;
	[tilespmem:v13+s29+$0x0] =	vst.idx.msk $0xffff, v11  }
0x34a: {  	s0 =	sadd.s32 $0x1, s9;
	v36 =	vld [tilespmem:s12+$0xFFFFF850];
	v37 =	vor.u32 s9, v0;
	[tilespmem:v12+s29+$0x0] =	vst.idx.msk $0xffff, v9  }
0x34b: {  	v58 =	vld [tilespmem:s12+$0xFFFFF8D0];
	s1 =	sadd.s32 $0x2, s9;
	v59 =	vor.u32 s0, v0;
	[tilespmem:v10+s29+$0x0] =	vst.idx.msk $0xffff, v5  }
0x34c: {  	v60 =	vld [tilespmem:s12+$0xFFFFF950];
	s7 =	sadd.s32 $0x4, s9;
	v61 =	vor.u32 s1, v0;
	[tilespmem:v7+s29+$0x0] =	vst.idx.msk $0xffff, v6  }
0x34d: {  	v63 =	vld [tilespmem:s12+$0xFFFFFA50];
	s10 =	sadd.s32 $0x6, s9;
	v16 =	vor.u32 s7, v0;
	[tilespmem:v8+s29+$0x0] =	vst.idx.msk $0xffff, v4  }
0x34e: {  	v20 =	vld [tilespmem:s12+$0xFFFFFB50];
	s16 =	sadd.s32 $0x8, s9;
	v21 =	vor.u32 s10, v0;
	[tilespmem:v15+s29+$0x0] =	vst.idx.msk $0xffff, v14  }
0x34f: {  	v23 =	vld [tilespmem:s12+$0xFFFFFC50];
	s21 =	sadd.s32 $0xA, s9;
	v24 =	vor.u32 s16, v0;
	[tilespmem:v37+s29+$0x0] =	vst.idx.msk $0xffff, v36  }
0x350: {  	s2 =	sadd.s32 $0x3, s9;
	v26 =	vld [tilespmem:s12+$0xFFFFFD50];
	v27 =	vor.u32 s21, v0;
	[tilespmem:v59+s29+$0x0] =	vst.idx.msk $0xffff, v58  }
0x351: {  	s23 =	sadd.s32 $0xC, s9;
	v62 =	vor.u32 s2, v0;
	v5 =	vld [tilespmem:s12+$0xFFFFF9D0];
	[tilespmem:v61+s29+$0x0] =	vst.idx.msk $0xffff, v60  }
0x352: {  	s8 =	sadd.s32 $0x5, s9;
	v31 =	vld [tilespmem:s12+$0xFFFFFE50];
	v32 =	vor.u32 s23, v0;
	[tilespmem:v16+s29+$0x0] =	vst.idx.msk $0xffff, v63  }
0x353: {  	v17 =	vor.u32 s8, v0;
	v4 =	vld [tilespmem:s12+$0xFFFFFAD0];
	[tilespmem:v21+s29+$0x0] =	vst.idx.msk $0xffff, v20  }
0x354: {  	v19 =	vor.u32 s11, v1;
	s25 =	sadd.s32 $0xE, s9;
	v18 =	vld [tilespmem:s12+$0xFFFFFFE0];
	[tilespmem:v24+s29+$0x0] =	vst.idx.msk $0xffff, v23  }
0x355: {  	s13 =	sadd.s32 $0x7, s9;
	v34 =	vld [tilespmem:s12+$0xFFFFFF50];
	v35 =	vor.u32 s25, v0;
	[tilespmem:v27+s29+$0x0] =	vst.idx.msk $0xffff, v26  }
0x356: {  	v22 =	vor.u32 s13, v0;
	[tilespmem:v62+s29+$0x0] =	vst.idx.msk $0xffff, v5;
	v5 =	vld [tilespmem:s12+$0xFFFFFBD0]  }
0x357: {  	v40 =	vor.u32 s0, v1;
	[tilespmem:v32+s29+$0x0] =	vst.idx.msk $0xffff, v31;
	v39 =	vld [tilespmem:s12+$0xFFFFF8E0]  }
0x358: {  	s19 =	sadd.s32 $0x9, s9;
	v42 =	vor.u32 s1, v1;
	v41 =	vld [tilespmem:s12+$0xFFFFF960];
	[tilespmem:v17+s29+$0x0] =	vst.idx.msk $0xffff, v4  }
0x359: {  	v25 =	vor.u32 s19, v0;
	v4 =	vld [tilespmem:s12+$0xFFFFFCD0];
	[tilespmem:v19+s29+$0x0] =	vst.idx.msk $0xffff, v18  }
0x35a: {  	s22 =	sadd.s32 $0xB, s9;
	v29 =	vor.u32 s11, v2;
	[tilespmem:v35+s29+$0x0] =	vst.idx.msk $0xffff, v34;
	v28 =	vld [tilespmem:s12+$0xFFFFFFF0]  }
0x35b: {  	v30 =	vor.u32 s22, v0;
	[tilespmem:v22+s29+$0x0] =	vst.idx.msk $0xffff, v5;
	v5 =	vld [tilespmem:s12+$0xFFFFFDD0]  }
0x35c: {  	v45 =	vor.u32 s7, v1;
	v44 =	vld [tilespmem:s12+$0xFFFFFA60];
	[tilespmem:v40+s29+$0x0] =	vst.idx.msk $0xffff, v39  }
0x35d: {  	v55 =	vor.u32 s21, v1;
	v54 =	vld [tilespmem:s12+$0xFFFFFD60];
	[tilespmem:v42+s29+$0x0] =	vst.idx.msk $0xffff, v41  }
0x35e: {  	s24 =	sadd.s32 $0xD, s9;
	v58 =	vor.u32 s23, v1;
	v57 =	vld [tilespmem:s12+$0xFFFFFE60];
	[tilespmem:v25+s29+$0x0] =	vst.idx.msk $0xffff, v4  }
0x35f: {  	v33 =	vor.u32 s24, v0;
	v4 =	vld [tilespmem:s12+$0xFFFFFED0];
	[tilespmem:v29+s29+$0x0] =	vst.idx.msk $0xffff, v28  }
0x360: {  	v38 =	vor.u32 s11, v3;
	[tilespmem:v30+s29+$0x0] =	vst.idx.msk $0xffff, v5;
	v5 =	vld [tilespmem:s12+$0x0]  }
0x361: {  	v61 =	vor.u32 s25, v1;
	v60 =	vld [tilespmem:s12+$0xFFFFFF60];
	[tilespmem:v45+s29+$0x0] =	vst.idx.msk $0xffff, v44  }
0x362: {  	v63 =	vor.u32 s9, v1;
	v62 =	vld [tilespmem:s12+$0xFFFFF860];
	[tilespmem:v55+s29+$0x0] =	vst.idx.msk $0xffff, v54  }
0x363: {  	v47 =	vor.u32 s8, v1;
	v46 =	vld [tilespmem:s12+$0xFFFFFAE0];
	[tilespmem:v58+s29+$0x0] =	vst.idx.msk $0xffff, v57  }
0x364: {  	v43 =	vor.u32 s2, v1;
	[tilespmem:v33+s29+$0x0] =	vst.idx.msk $0xffff, v4;
	v4 =	vld [tilespmem:s12+$0xFFFFF9E0]  }
0x365: {  	v48 =	vor.u32 s10, v1;
	[tilespmem:v38+s29+$0x0] =	vst.idx.msk $0xffff, v5;
	v5 =	vld [tilespmem:s12+$0xFFFFFB60]  }
0x366: {  	v50 =	vor.u32 s13, v1;
	[tilespmem:v61+s29+$0x0] =	vst.idx.msk $0xffff, v60;
	v49 =	vld [tilespmem:s12+$0xFFFFFBE0]  }
0x367: {  	v17 =	vor.u32 s0, v2;
	[tilespmem:v63+s29+$0x0] =	vst.idx.msk $0xffff, v62;
	v16 =	vld [tilespmem:s12+$0xFFFFF8F0]  }
0x368: {  	v53 =	vor.u32 s19, v1;
	v52 =	vld [tilespmem:s12+$0xFFFFFCE0];
	[tilespmem:v47+s29+$0x0] =	vst.idx.msk $0xffff, v46  }
0x369: {  	v51 =	vor.u32 s16, v1;
	[tilespmem:v43+s29+$0x0] =	vst.idx.msk $0xffff, v4;
	v4 =	vld [tilespmem:s12+$0xFFFFFC60]  }
0x36a: {  	v56 =	vor.u32 s22, v1;
	[tilespmem:v48+s29+$0x0] =	vst.idx.msk $0xffff, v5;
	v5 =	vld [tilespmem:s12+$0xFFFFFDE0]  }
0x36b: {  	v23 =	vor.u32 s8, v2;
	v22 =	vld [tilespmem:s12+$0xFFFFFAF0];
	[tilespmem:v50+s29+$0x0] =	vst.idx.msk $0xffff, v49  }
0x36c: {  	v31 =	vor.u32 s21, v2;
	v30 =	vld [tilespmem:s12+$0xFFFFFD70];
	[tilespmem:v17+s29+$0x0] =	vst.idx.msk $0xffff, v16  }
0x36d: {  	v14 =	vld [tilespmem:s12+$0xFFFFF870];
	[tilespmem:v53+s29+$0x0] =	vst.idx.msk $0xffff, v52;
	v38 =	vor.u32 s9, v2  }
0x36e: {  	v59 =	vor.u32 s24, v1;
	[tilespmem:v51+s29+$0x0] =	vst.idx.msk $0xffff, v4;
	v4 =	vld [tilespmem:s12+$0xFFFFFEE0]  }
0x36f: {  	v18 =	vor.u32 s1, v2;
	[tilespmem:v56+s29+$0x0] =	vst.idx.msk $0xffff, v5;
	v5 =	vld [tilespmem:s12+$0xFFFFF970]  }
0x370: {  	v39 =	vor.u32 s0, v3;
	v40 =	vld [tilespmem:s12+$0xFFFFF900];
	[tilespmem:v23+s29+$0x0] =	vst.idx.msk $0xffff, v22  }
0x371: {  	v20 =	vor.u32 s2, v2;
	[tilespmem:v31+s29+$0x0] =	vst.idx.msk $0xffff, v30;
	v19 =	vld [tilespmem:s12+$0xFFFFF9F0]  }
0x372: {  	v25 =	vor.u32 s10, v2;
	[tilespmem:v38+s29+$0x0] =	vst.idx.msk $0xffff, v14;
	v24 =	vld [tilespmem:s12+$0xFFFFFB70]  }
0x373: {  	v21 =	vor.u32 s7, v2;
	[tilespmem:v59+s29+$0x0] =	vst.idx.msk $0xffff, v4;
	v4 =	vld [tilespmem:s12+$0xFFFFFA70]  }
0x374: {  	v26 =	vor.u32 s13, v2;
	[tilespmem:v18+s29+$0x0] =	vst.idx.msk $0xffff, v5;
	v5 =	vld [tilespmem:s12+$0xFFFFFBF0]  }
0x375: {  	v63 =	vor.u32 s9, v3;
	[tilespmem:v39+s29+$0x0] =	vst.idx.msk $0xffff, v40;
	v62 =	vld [tilespmem:s12+$0xFFFFF880]  }
0x376: {  	v28 =	vor.u32 s16, v2;
	[tilespmem:v20+s29+$0x0] =	vst.idx.msk $0xffff, v19;
	v27 =	vld [tilespmem:s12+$0xFFFFFC70]  }
0x377: {  	v33 =	vor.u32 s22, v2;
	[tilespmem:v25+s29+$0x0] =	vst.idx.msk $0xffff, v24;
	v32 =	vld [tilespmem:s12+$0xFFFFFDF0]  }
0x378: {  	v29 =	vor.u32 s19, v2;
	[tilespmem:v21+s29+$0x0] =	vst.idx.msk $0xffff, v4;
	v4 =	vld [tilespmem:s12+$0xFFFFFCF0]  }
0x379: {  	v34 =	vor.u32 s23, v2;
	[tilespmem:v26+s29+$0x0] =	vst.idx.msk $0xffff, v5;
	v5 =	vld [tilespmem:s12+$0xFFFFFE70]  }
0x37a: {  	v36 =	vor.u32 s24, v2;
	[tilespmem:v63+s29+$0x0] =	vst.idx.msk $0xffff, v62;
	v35 =	vld [tilespmem:s12+$0xFFFFFEF0]  }
0x37b: {  	v47 =	vor.u32 s10, v3;
	[tilespmem:v28+s29+$0x0] =	vst.idx.msk $0xffff, v27;
	v48 =	vld [tilespmem:s12+$0xFFFFFB80]  }
0x37c: {  	v41 =	vor.u32 s1, v3;
	[tilespmem:v33+s29+$0x0] =	vst.idx.msk $0xffff, v32;
	v42 =	vld [tilespmem:s12+$0xFFFFF980]  }
0x37d: {  	v37 =	vor.u32 s25, v2;
	[tilespmem:v29+s29+$0x0] =	vst.idx.msk $0xffff, v4;
	v4 =	vld [tilespmem:s12+$0xFFFFFF70]  }
0x37e: {  	v43 =	vld [tilespmem:s12+$0xFFFFFA00];
	[tilespmem:v34+s29+$0x0] =	vst.idx.msk $0xffff, v5;
	v5 =	vor.u32 s2, v3  }
0x37f: {  	v44 =	vor.u32 s7, v3;
	[tilespmem:v36+s29+$0x0] =	vst.idx.msk $0xffff, v35;
	v45 =	vld [tilespmem:s12+$0xFFFFFA80]  }
0x380: {  	v55 =	vor.u32 s22, v3;
	[tilespmem:v47+s29+$0x0] =	vst.idx.msk $0xffff, v48;
	v56 =	vld [tilespmem:s12+$0xFFFFFE00]  }
0x381: {  	v49 =	vor.u32 s13, v3;
	[tilespmem:v41+s29+$0x0] =	vst.idx.msk $0xffff, v42;
	v50 =	vld [tilespmem:s12+$0xFFFFFC00]  }
0x382: {  	v46 =	vld [tilespmem:s12+$0xFFFFFB00];
	[tilespmem:v37+s29+$0x0] =	vst.idx.msk $0xffff, v4;
	v4 =	vor.u32 s8, v3  }
0x383: {  	v51 =	vor.u32 s16, v3;
	[tilespmem:v5+s29+$0x0] =	vst.idx.msk $0xffff, v43;
	v5 =	vld [tilespmem:s12+$0xFFFFFC80]  }
0x384: {  	v52 =	vor.u32 s19, v3;
	[tilespmem:v44+s29+$0x0] =	vst.idx.msk $0xffff, v45;
	v53 =	vld [tilespmem:s12+$0xFFFFFD00]  }
0x385: {  	v57 =	vor.u32 s23, v3;
	[tilespmem:v55+s29+$0x0] =	vst.idx.msk $0xffff, v56;
	v58 =	vld [tilespmem:s12+$0xFFFFFE80]  }
0x386: {  	v60 =	vor.u32 s25, v3;
	[tilespmem:v49+s29+$0x0] =	vst.idx.msk $0xffff, v50;
	v61 =	vld [tilespmem:s12+$0xFFFFFF80]  }
0x387: {  	v54 =	vor.u32 s21, v3;
	[tilespmem:v4+s29+$0x0] =	vst.idx.msk $0xffff, v46;
	v4 =	vld [tilespmem:s12+$0xFFFFFD80]  }
0x388: {  	v59 =	vor.u32 s24, v3;
	[tilespmem:v51+s29+$0x0] =	vst.idx.msk $0xffff, v5;
	v5 =	vld [tilespmem:s12+$0xFFFFFF00]  }
0x389: {  	[tilespmem:v52+s29+$0x0] =	vst.idx.msk $0xffff, v53  }
0x38a: {  	s11 =	sshll.u32 s5, $0x12;
	[tilespmem:v57+s29+$0x0] =	vst.idx.msk $0xffff, v58  }
0x38b: {  	s0 =	sor.u32 s6, s11;
	[tilespmem:v60+s29+$0x0] =	vst.idx.msk $0xffff, v61  }
0x38c: {  	s0 =	sshrl.u32 s0, $0x3;
	[tilespmem:v54+s29+$0x0] =	vst.idx.msk $0xffff, v4  }
0x38d: {  	s0 =	sadd.s32 s14, s0;
	[tilespmem:v59+s29+$0x0] =	vst.idx.msk $0xffff, v5  }
0x38e: {  	[hbm4b:s0+s3] =	stream.linear.scatter [tilespmem:s29], [sflag:$0x2], $0x400, $0x38;
	[tilespmem:$0x1E400] =	vst v63  }
0x38f: {  	s13 =	simm.s32 $0x1AC00;
	s12 =	sadd.s32 $0x1000, s0  }
0x390: {  	[hbm4b:s12+s3] =	stream.linear.scatter [tilespmem:s13], [sflag:$0x2], $0x400, $0x38;
	[tilespmem:$0x1E400] =	vst v63  }
0x391: {  	s31 =	smov.u32 s14;
	s14 =	sadd.s32 $0x2000, s0;
	s16 =	simm.s32 $0x1B400  }
0x392: {  	[hbm4b:s14+s3] =	stream.linear.scatter [tilespmem:s16], [sflag:$0x2], $0x400, $0x38;
	[tilespmem:$0x1E400] =	vst v63  }
0x393: {  	s21 =	simm.s32 $0x1BC00;
	s19 =	sadd.s32 $0x3000, s0  }
0x394: {  	[hbm4b:s19+s3] =	stream.linear.scatter [tilespmem:s21], [sflag:$0x2], $0x400, $0x38;
	[tilespmem:$0x1E400] =	vst v63  }
0x395: {  	s17 =	sadd.s32 $0x1, s17;
	s23 =	simm.s32 $0x1C400;
	s22 =	sadd.s32 $0x4000, s0  }
0x396: {  	[hbm4b:s22+s3] =	stream.linear.scatter [tilespmem:s23], [sflag:$0x2], $0x400, $0x38;
	[tilespmem:$0x1E400] =	vst v63  }
0x397: {  	p0 =	sne.s32 s17, $0x32;
	s25 =	simm.s32 $0x1CC00;
	s24 =	sadd.s32 $0x5000, s0  }
0x398: {  	[hbm4b:s24+s3] =	stream.linear.scatter [tilespmem:s25], [sflag:$0x2], $0x400, $0x38;
	[tilespmem:$0x1E400] =	vst v63  }
.Ltmp4:
0x399: {  	_ = 	snop;
	(pc) =	sbr.rel @p0 .LBB2_2-.Ltmp4, $4  }
0x39a: {  	s28 =	simm.s32 $0x1D400;
	s26 =	sadd.s32 $0x6000, s0  }
0x39b: {  	[hbm4b:s26+s3] =	stream.linear.scatter [tilespmem:s28], [sflag:$0x2], $0x400, $0x38;
	[tilespmem:$0x1E400] =	vst v63  }
0x39c: {  	s30 =	simm.s32 $0x1DC00;
	s0 =	sadd.s32 $0x7000, s0  }
0x39d: {  	[hbm4b:s0+s3] =	stream.linear.scatter [tilespmem:s30], [sflag:$0x2], $0x400, $0x38;
	[tilespmem:$0x1E400] =	vst v63  }
0x39e: {  	_ =	swait.ge [sflag:s15], $0x2000  }
0x39f: {  	[sflag:s15] =	ssyncset.done $0x0  }
0x3a0: {  	[sflag:s15] =	ssyncadd.s32 $0xFFFFE000  }
0x3a1: {  	_ =	swait.ge [sflag:s15], $0x2000  }
0x3a2: {  	s1 =	rddreg [dreg:$0x8]  }
0x3a3: {  	s0 =	rddreg [dreg:$0x7];
	s1 =	sadd.s32 $0x1, s1  }
0x3a4: {  	p0 =	sne.s32 s1, s0  }
.Ltmp5:
0x3a5: {  	_ = 	snop;
	(pc) =	sbr.rel @p0 .LBB2_1-.Ltmp5, $3  }
0x3a6: {  	_ =	sdelay $0x1  }
0x3a7: {  	[sflag:s15] =	ssyncset.done $0x0  }
0x3a8: {  	[sflag:s15] =	ssyncadd.s32 $0xFFFFE000  }
0x3a9: {  	_ =	sfence.sel $0x180000  }
0x3aa: {  	[bflag:$0x0] =	sbarrier.arrive $0xFFFF  }
0x3ab: {  	_ =	strace $0x90000047  }
0x3ac: {  	s0 =	stileid.u32;
	[bflag:$0x2] =	sbarrier.arrive $0xFFFF  }
0x3ad: {  	p0 =	sne.s32 s0, $0x0;
	s0 =	rddreg [dreg:$0x3]  }
0x3ae: {  	s0 =	sadd.s32 @!p0 $0x100000, s0  }
0x3af: {  	[sflag:s0] =	ssyncadd.tile.s32 @!p0 $0x1;
	_ =	shalt  }
.Lfunc_end2:
_tile_overlayer_lowered:
.L_overlay_start_2:
0x3b0: {  	(tag) =	ssettag $0x2  }
0x3b1: {  	s0 =	rddreg [dreg:$0x0];
	s2 =	stileid.u32  }
0x3b2: {  	s1 =	rddreg [dreg:$0x1];
	p0 =	sne.s32 s2, $0x0  }
0x3b3: {  	s3 =	rddreg [dreg:$0x2];
	[bflag:$0x3] =	sbarrier.arrive $0xFFFF;
	s2 =	simm.s32 @!p0 $0x1C03  }
0x3b4: {  	[timem:s3], [sflag:s2] =	dma.local @!p0 [hbm:s0], s1  }
0x3b5: {  	s0 =	simm.s32 @!p0 $0x3  }
0x3b6: {  	_ =	swait.ge @!p0 [sflag:s0], s1  }
0x3b7: {  	s1 =	ssub.s32 @!p0 $0x0, s1;
	[sflag:s0] =	ssyncset.done @!p0 $0x0  }
0x3b8: {  	[sflag:s0] =	ssyncadd.s32 @!p0 s1  }
0x3b9: {  	[bflag:$0x3] =	sbarrier.arrive $0xFFFF  }
0x3ba: {  	_ =	shalt  }

</sc_bundles>
